<compile_context>
chip_gen: v7x
topology: tpu7x:2x2x1
jax: 0.10.2.dev20260603
libtpu: 0.0.44.dev20260713+nightly
codegen_flags: <defaults>
</compile_context>

<pallas_src>
import functools
import math

import jax
import jax.numpy as jnp
from jax import lax
from jax.experimental import pallas as pl
from jax.experimental.pallas import tpu as pltpu
from jax.experimental.pallas import tpu_sc as plsc

_N = 10000
_D = 128
_E = 320000
_ALPHA = 0.9
_BETA = 0.5
_NUM_ITERS = 20
_BFS_STEPS = 10
_LN_ALPHA = math.log(_ALPHA)
_BIG = _N + 1

_H = _D // 2
_NT = 16
_EPT = _E // _NT
_EB = 200
_NB = _EPT // _EB
_EC = 2000
_BPC = _EC // _EB
_NCK = _EPT // _EC
_EBP = 208
_NG = _EBP // 16
_NP = 10240
_NPD = _NP + 16
_RPT = _NP // _NT
_RC = 64
_NCH = _RPT // _RC


def _iota16():
    return lax.iota(jnp.int32, 16)


def _sc_body(xm2_h, nm2_h, row_h, col_h, seed_h, out2_h, f_h, av_h,
             dist, fv, ncopy,
             gath0, gath1, colF0, colF1, rowF0, rowF1, a_b0, a_b1,
             colG0, colG1, rowG0, rowG1,
             colL, rowL, aL, valL, wL,
             tbuf, acc_c, xm_c, nm_c, zf, zb, zbf,
             accum, nacc, deg_s,
             sem, sem_g0, sem_g1, sem_i0, sem_i1, sem_s0, sem_s1):
    c = lax.axis_index("c")
    s = lax.axis_index("s")
    base_e = s * _EPT

    def _fill_zb(i, _):
        zb[pl.ds(i * 16, 16)] = jnp.zeros((16,), jnp.int32)
        zbf[pl.ds(i * 16, 16)] = jnp.zeros((16,), jnp.float32)
        return 0
    lax.fori_loop(0, 640 // 16, _fill_zb, 0)
    def _fill_zf(r, _):
        idx_r = jnp.full((16,), r, jnp.int32)
        for q in range(_H // 16):
            idx_c = _iota16() + q * 16
            plsc.store_scatter(zf, [idx_r, idx_c],
                               jnp.zeros((16,), jnp.float32))
        return 0
    lax.fori_loop(0, _RC, _fill_zf, 0)

    pltpu.sync_copy(seed_h, dist.at[pl.ds(0, _N)])

    def _init_dist(i, _):
        sv = dist[pl.ds(i * 16, 16)]
        dist[pl.ds(i * 16, 16)] = (1 - sv) * _BIG
        return 0
    lax.fori_loop(0, _N // 16, _init_dist, 0)
    def _pad_dist(i, _):
        dist[pl.ds(_N + i * 16, 16)] = jnp.full((16,), _BIG, jnp.int32)
        return 0
    lax.fori_loop(0, (_NP - _N) // 16, _pad_dist, 0)

    pltpu.sync_copy(zb, nacc.at[pl.ds(s * 640, 640)])
    plsc.subcore_barrier()

    def _bfs_step(step, _):
        def _batch(k, _):
            off = base_e + k * _EC
            pltpu.sync_copy(col_h.at[pl.ds(off, _EC)], colL)
            pltpu.sync_copy(row_h.at[pl.ds(off, _EC)], rowL)
            def _grp(g, _):
                cv = colL[pl.ds(g * 16, 16)]
                dcol = plsc.load_gather(dist, [cv])
                valL[pl.ds(g * 16, 16)] = jnp.where(
                    dcol < _BIG, 1, 0).astype(jnp.int32)
                return 0
            lax.fori_loop(0, _EC // 16, _grp, 0)
            pltpu.sync_copy(valL, nacc.at[rowL], add=True)
            return 0
        lax.fori_loop(0, _NCK, _batch, 0)
        plsc.subcore_barrier()
        pltpu.sync_copy(nacc, ncopy)
        plsc.subcore_barrier()
        pltpu.sync_copy(zb, nacc.at[pl.ds(s * 640, 640)])
        def _upd(i, _):
            av = ncopy[pl.ds(i * 16, 16)]
            dv = dist[pl.ds(i * 16, 16)]
            newly = (av > 0) & (dv >= _BIG)
            dist[pl.ds(i * 16, 16)] = jnp.where(newly, step + 1, dv)
            return 0
        lax.fori_loop(0, _NP // 16, _upd, 0)
        plsc.subcore_barrier()
        return 0
    lax.fori_loop(0, _BFS_STEPS, _bfs_step, 0)

    def _mk_f(i, _):
        dv = dist[pl.ds(i * 16, 16)]
        fv[pl.ds(i * 16, 16)] = jnp.where(
            dv >= _BIG, 0, dv).astype(jnp.float32)
        return 0
    lax.fori_loop(0, _NP // 16, _mk_f, 0)

    @pl.when((c == 0) & (s < 10))
    def _():
        pltpu.sync_copy(fv.at[pl.ds(s * 1000, 1000)],
                        f_h.at[pl.ds(s * 1000, 1000)])

    pltpu.sync_copy(zbf, deg_s.at[pl.ds(s * 640, 640)])
    plsc.subcore_barrier()

    def _wbatch(k, _):
        off = base_e + k * _EC
        pltpu.sync_copy(col_h.at[pl.ds(off, _EC)], colL)
        pltpu.sync_copy(row_h.at[pl.ds(off, _EC)], rowL)
        def _grp(g, _):
            cv = colL[pl.ds(g * 16, 16)]
            rv = rowL[pl.ds(g * 16, 16)]
            fc = plsc.load_gather(fv, [cv])
            fr = plsc.load_gather(fv, [rv])
            wL[pl.ds(g * 16, 16)] = jnp.exp(
                _LN_ALPHA * (fc - fr + 1.0))
            return 0
        lax.fori_loop(0, _EC // 16, _grp, 0)
        pltpu.sync_copy(wL, deg_s.at[rowL], add=True)
        pltpu.sync_copy(wL, av_h.at[pl.ds(c * _E + off, _EC)])
        return 0
    lax.fori_loop(0, _NCK, _wbatch, 0)
    plsc.subcore_barrier()

    pltpu.sync_copy(deg_s.at[pl.ds(s * 640, 640)], tbuf)
    def _dinv(i, _):
        dv = tbuf[pl.ds(i * 16, 16)]
        tbuf[pl.ds(i * 16, 16)] = jnp.where(dv > 0.0, 1.0 / dv, 0.0)
        return 0
    lax.fori_loop(0, 640 // 16, _dinv, 0)
    pltpu.sync_copy(tbuf, deg_s.at[pl.ds(s * 640, 640)])
    plsc.subcore_barrier()

    pltpu.sync_copy(deg_s, fv)
    def _abatch(k, _):
        off = base_e + k * _EC
        pltpu.sync_copy(row_h.at[pl.ds(off, _EC)], rowL)
        pltpu.sync_copy(av_h.at[pl.ds(c * _E + off, _EC)], wL)
        def _grp(g, _):
            rv = rowL[pl.ds(g * 16, 16)]
            di = plsc.load_gather(fv, [rv])
            wL[pl.ds(g * 16, 16)] = wL[pl.ds(g * 16, 16)] * di
            return 0
        lax.fori_loop(0, _EC // 16, _grp, 0)
        pltpu.sync_copy(wL, av_h.at[pl.ds(c * _E + off, _EC)])
        return 0
    lax.fori_loop(0, _NCK, _abatch, 0)

    def _init_out(j, _):
        r0 = s * _RPT + j * _RC
        g0 = c * _NP + r0
        pltpu.sync_copy(xm2_h.at[pl.ds(g0, _RC)], xm_c)
        pltpu.sync_copy(xm_c, out2_h.at[pl.ds(g0, _RC)])
        pltpu.sync_copy(zf, accum.at[pl.ds(r0, _RC)])
        return 0
    lax.fori_loop(0, _NCH, _init_out, 0)
    plsc.subcore_barrier()

    bufs = ((colG0, rowG0, gath0, sem_g0, sem_s0),
            (colG1, rowG1, gath1, sem_g1, sem_s1))

    def _load_chunk(ch):
        off = base_e + ch * _EC
        pltpu.sync_copy(col_h.at[pl.ds(off, _EC)], colL)
        pltpu.sync_copy(row_h.at[pl.ds(off, _EC)], rowL)
        pltpu.sync_copy(av_h.at[pl.ds(c * _E + off, _EC)], aL.at[pl.ds(0, _EC)])
        def _adj(g, _):
            colL[pl.ds(g * 16, 16)] = colL[pl.ds(g * 16, 16)] + c * _NP
            return 0
        lax.fori_loop(0, _EC // 16, _adj, 0)

    def _copy_idx(dst_col, dst_row, off_l):
        def _cp(g, _):
            dst_col[pl.ds(g * 16, 16)] = colL[pl.ds(off_l + g * 16, 16)]
            dst_row[pl.ds(g * 16, 16)] = rowL[pl.ds(off_l + g * 16, 16)]
            return 0
        lax.fori_loop(0, _EB // 16, _cp, 0)
        dst_col[pl.ds(_EB - 16, 16)] = colL[pl.ds(off_l + _EB - 16, 16)]
        dst_row[pl.ds(_EB - 16, 16)] = rowL[pl.ds(off_l + _EB - 16, 16)]

    def _stage(k, j):
        colp, rowp, gathp, sgp, ssp = bufs[j]
        colq, rowq, gathq, sgq, ssq = bufs[1 - j]
        pltpu.make_async_copy(out2_h.at[colp], gathp, sgp).wait()
        a_off = lax.rem(k, _BPC) * _EB
        def _scale(g, _):
            av = aL[pl.ds(a_off + g * 16, 16)]
            idx_r = g * 16 + _iota16()
            for q in range(_H // 16):
                idx_c = _iota16() + q * 16
                v = plsc.load_gather(gathp, [idx_r, idx_c])
                plsc.store_scatter(gathp, [idx_r, idx_c], v * av)
            return 0
        lax.fori_loop(0, _EB // 16, _scale, 0)
        lane16 = _iota16()
        av_t = aL[pl.ds(a_off + _EB - 8, 16)]
        tmask = lane16 < 8
        idx_rt = jnp.where(tmask, _EB - 8 + lane16, 0)
        for q in range(_H // 16):
            idx_ct = _iota16() + q * 16
            vt = plsc.load_gather(gathp, [idx_rt, idx_ct], mask=tmask)
            plsc.store_scatter(gathp, [idx_rt, idx_ct], vt * av_t, mask=tmask)
        @pl.when(k > 0)
        def _():
            pltpu.make_async_copy(gathq, accum.at[rowq], ssq).wait()
        @pl.when(k + 1 < _NB)
        def _():
            rem1 = lax.rem(k + 1, _BPC)
            @pl.when(rem1 == 0)
            def _():
                _load_chunk(lax.div(k + 1, _BPC))
            _copy_idx(colq, rowq, rem1 * _EB)
            pltpu.async_copy(out2_h.at[colq], gathq, sgq)
        pltpu.async_copy(gathp, accum.at[rowp], ssp, add=True)


    def _iter(t, _):
        _load_chunk(0)
        _copy_idx(colG0, rowG0, 0)
        pltpu.async_copy(out2_h.at[colG0], gath0, sem_g0)

        def _pair(i, _):
            _stage(2 * i, 0)
            _stage(2 * i + 1, 1)
            return 0
        lax.fori_loop(0, _NB // 2, _pair, 0)
        pltpu.make_async_copy(gath1, accum.at[rowG1], sem_s1).wait()
        plsc.subcore_barrier()

        def _cmb(j, _):
            r0 = s * _RPT + j * _RC
            g0 = c * _NP + r0
            pltpu.async_copy(xm2_h.at[pl.ds(g0, _RC)], xm_c, sem)
            pltpu.async_copy(nm2_h.at[pl.ds(g0, _RC)], nm_c, sem)
            pltpu.sync_copy(accum.at[pl.ds(r0, _RC)], acc_c)
            pltpu.make_async_copy(
                xm2_h.at[pl.ds(g0, _RC)], xm_c, sem).wait()
            pltpu.make_async_copy(
                nm2_h.at[pl.ds(g0, _RC)], nm_c, sem).wait()
            pltpu.sync_copy(zf, accum.at[pl.ds(r0, _RC)])
            def _crow(r, _):
                idx_r = jnp.full((16,), r, jnp.int32)
                for q in range(_H // 16):
                    idx_c = _iota16() + q * 16
                    a = plsc.load_gather(acc_c, [idx_r, idx_c])
                    x = plsc.load_gather(xm_c, [idx_r, idx_c])
                    m = plsc.load_gather(nm_c, [idx_r, idx_c])
                    plsc.store_scatter(acc_c, [idx_r, idx_c], x + m * a)
                return 0
            lax.fori_loop(0, _RC, _crow, 0)
            pltpu.sync_copy(acc_c, out2_h.at[pl.ds(g0, _RC)])
            return 0
        lax.fori_loop(0, _NCH, _cmb, 0)
        plsc.subcore_barrier()
        return 0
    lax.fori_loop(0, _NUM_ITERS, _iter, 0)


def _sc_propagate(xm2, nm2, row, col, seed):
    mesh = plsc.VectorSubcoreMesh(core_axis_name="c", subcore_axis_name="s")
    fn = functools.partial(
        pl.kernel, _sc_body, mesh=mesh,
        compiler_params=pltpu.CompilerParams(needs_layout_passes=False,
                                             use_tc_tiling_on_sc=False),
        out_type=[
            jax.ShapeDtypeStruct((2 * _NP, _H), jnp.float32),
            jax.ShapeDtypeStruct((_N,), jnp.float32),
            jax.ShapeDtypeStruct((2 * _E + 16,), jnp.float32),
        ],
        scratch_types=[
            pltpu.VMEM((_NP,), jnp.int32),
            pltpu.VMEM((_NP,), jnp.float32),
            pltpu.VMEM((_NP,), jnp.int32),
            pltpu.VMEM((_EB, _H), jnp.float32),
            pltpu.VMEM((_EB, _H), jnp.float32),
            pltpu.VMEM((_EBP,), jnp.int32),
            pltpu.VMEM((_EBP,), jnp.int32),
            pltpu.VMEM((_EBP,), jnp.int32),
            pltpu.VMEM((_EBP,), jnp.int32),
            pltpu.VMEM((_EBP,), jnp.float32),
            pltpu.VMEM((_EBP,), jnp.float32),
            pltpu.VMEM((_EB,), jnp.int32),
            pltpu.VMEM((_EB,), jnp.int32),
            pltpu.VMEM((_EB,), jnp.int32),
            pltpu.VMEM((_EB,), jnp.int32),
            pltpu.VMEM((_EC,), jnp.int32),
            pltpu.VMEM((_EC,), jnp.int32),
            pltpu.VMEM((_EC + 16,), jnp.float32),
            pltpu.VMEM((_EC,), jnp.int32),
            pltpu.VMEM((_EC,), jnp.float32),
            pltpu.VMEM((640,), jnp.float32),
            pltpu.VMEM((_RC, _H), jnp.float32),
            pltpu.VMEM((_RC, _H), jnp.float32),
            pltpu.VMEM((_RC, _H), jnp.float32),
            pltpu.VMEM((_RC, _H), jnp.float32),
            pltpu.VMEM((640,), jnp.int32),
            pltpu.VMEM((640,), jnp.float32),
            pltpu.VMEM_SHARED((_NPD, _H), jnp.float32),
            pltpu.VMEM_SHARED((_NP,), jnp.int32),
            pltpu.VMEM_SHARED((_NP,), jnp.float32),
            pltpu.SemaphoreType.DMA,
            pltpu.SemaphoreType.DMA,
            pltpu.SemaphoreType.DMA,
            pltpu.SemaphoreType.DMA,
            pltpu.SemaphoreType.DMA,
            pltpu.SemaphoreType.DMA,
            pltpu.SemaphoreType.DMA,
        ],
    )()
    out2, f, _ = fn(xm2, nm2, row, col, seed)
    return out2, f


def _corr_body(out_ref, f_ref, o_ref):
    out = out_ref[...]
    f = f_ref[...]
    n, d = out.shape
    mean = jnp.mean(out, axis=0, keepdims=True)
    xm = out - mean
    cov = jnp.dot(xm.T, xm, preferred_element_type=jnp.float32) / (n - 1)
    eye = (lax.broadcasted_iota(jnp.int32, (d, d), 0)
           == lax.broadcasted_iota(jnp.int32, (d, d), 1))
    var = jnp.sum(jnp.where(eye, cov, 0.0), axis=1)
    std = jnp.sqrt(var)
    denom = std[:, None] * std[None, :]
    cor = jnp.where(denom > 0, cov / denom, 0.0)
    cor = jnp.where(eye, 0.0, cor)
    af = jnp.exp(f * _LN_ALPHA)
    a_1 = af * xm
    a_2 = jnp.dot(a_1, cor, preferred_element_type=jnp.float32)
    o_ref[...] = out + _BETA * (1.0 - af) * a_2


def _corr_correction(out, f):
    return pl.pallas_call(
        _corr_body,
        out_shape=jax.ShapeDtypeStruct(out.shape, jnp.float32),
    )(out, f.reshape(-1, 1))


def kernel(x, edge_index, mask):
    padi = jnp.zeros((16,), jnp.int32)
    row = jnp.concatenate([edge_index[0], padi])
    col = jnp.concatenate([edge_index[1], padi])
    xm = jnp.where(mask, x, 0.0)
    nm = (~mask).astype(jnp.float32)
    pad = jnp.zeros((_NP - _N, _H), jnp.float32)
    xm2 = jnp.concatenate([xm[:, :_H], pad, xm[:, _H:], pad], axis=0)
    nm2 = jnp.concatenate([nm[:, :_H], pad, nm[:, _H:], pad], axis=0)
    seed = mask[:, 0].astype(jnp.int32)
    out2, f = _sc_propagate(xm2, nm2, row, col, seed)
    out = jnp.concatenate([out2[:_N], out2[_NP:_NP + _N]], axis=1)
    return _corr_correction(out, f)

# --- scband reference (transcript-rebuilt; emitter-appended) ---
"""Pipeline reference for scband-pcfi-19413252178656 (READ-ONLY COPY).

The authoritative reference and input builder live on the scoring server;
editing this copy changes nothing except your own understanding.
"""

import jax, jax.numpy as jnp
import numpy as np

N = 10000
D = 128
E = 320000
ALPHA = 0.9
BETA = 0.5
NUM_ITERS = 20
BFS_STEPS = 10


def setup_inputs(seed: int = 0) -> dict:
    key = jax.random.key(seed)
    k1, k2, k3 = jax.random.split(key, 3)
    x = jax.random.normal(k1, (N, D), dtype=jnp.float32)
    edge_index = jax.random.randint(k2, (2, E), 0, N, dtype=jnp.int32)
    mask = jax.random.randint(k3, (N, D), 0, 2, dtype=jnp.int32) > 0
    return {"x": x, "edge_index": edge_index, "mask": mask}


def _compute_f_n2d(edge_index, mask, n):
    # structural mask: BFS hop-distance from known nodes (mask[:,0]),
    # edges relax src <- dst + 1 (PyG k_hop_subgraph flow='source_to_target')
    row, col = edge_index[0], edge_index[1]
    big = n + 1
    dist = jnp.where(mask[:, 0], 0, big).astype(jnp.int32)
    for _ in range(BFS_STEPS):
        dist = dist.at[row].min(dist[col] + 1)
    # unreachable nodes stay 0, matching torch's zero-initialized f_n2d
    f = jnp.where(dist >= big, 0, dist).astype(jnp.float32)
    return f


def _edge_weights(edge_index, f, n):
    row, col = edge_index[0], edge_index[1]
    w = ALPHA ** (f[col] - f[row] + 1.0)
    deg = jax.ops.segment_sum(w, row, num_segments=n)
    deg_inv = jnp.where(deg > 0, 1.0 / deg, 0.0)
    return w * deg_inv[row]


def reference(x, edge_index, mask):
    n, d = x.shape
    row, col = edge_index[0], edge_index[1]
    f = _compute_f_n2d(edge_index, mask, n)
    a_vals = _edge_weights(edge_index, f, n)
    # feature propagation with masked resets (sparse.mm == edge gather + scatter-add)
    out = jnp.where(mask, x, 0.0)
    for _ in range(NUM_ITERS):
        out = jax.ops.segment_sum(a_vals[:, None] * out[col], row, num_segments=n)
        out = jnp.where(mask, x, out)
    # channel-wise correlation correction
    xm = out - jnp.mean(out, axis=0, keepdims=True)
    cov = xm.T @ xm / (n - 1)
    std = jnp.sqrt(jnp.diag(cov))
    cor = cov / (std[:, None] * std[None, :])
    cor = jnp.nan_to_num(cor)
    cor = cor * (1.0 - jnp.eye(d, dtype=cor.dtype))
    af = ALPHA ** f
    a_1 = af[:, None] * xm
    a_2 = a_1 @ cor
    out_1 = BETA * (1.0 - af)[:, None] * a_2
    return out + out_1

if __name__ == "__main__":
    import jax
    _d = setup_inputs()
    print(jax.jit(kernel)(*tuple(_d.values())))

</pallas_src>

<mosaic_0001>
#map = affine_map<(d0, d1) -> (0, 0)>
#map1 = affine_map<(d0, d1) -> (0)>
module attributes {stable_mosaic.version = 14 : i64} {
  func.func @_sc_body(%arg0: i32, %arg1: i32, %arg2: memref<20480x64xf32, #tpu.memory_space<hbm>>, %arg3: memref<20480x64xf32, #tpu.memory_space<hbm>>, %arg4: memref<320016xi32, #tpu.memory_space<hbm>>, %arg5: memref<320016xi32, #tpu.memory_space<hbm>>, %arg6: memref<10000xi32, #tpu.memory_space<hbm>>, %arg7: memref<20480x64xf32, #tpu.memory_space<hbm>>, %arg8: memref<10000xf32, #tpu.memory_space<hbm>>, %arg9: memref<640016xf32, #tpu.memory_space<hbm>>, %arg10: memref<10240xi32, #tpu.memory_space<vmem>>, %arg11: memref<10240xf32, #tpu.memory_space<vmem>>, %arg12: memref<10240xi32, #tpu.memory_space<vmem>>, %arg13: memref<200x64xf32, #tpu.memory_space<vmem>>, %arg14: memref<200x64xf32, #tpu.memory_space<vmem>>, %arg15: memref<208xi32, #tpu.memory_space<vmem>>, %arg16: memref<208xi32, #tpu.memory_space<vmem>>, %arg17: memref<208xi32, #tpu.memory_space<vmem>>, %arg18: memref<208xi32, #tpu.memory_space<vmem>>, %arg19: memref<208xf32, #tpu.memory_space<vmem>>, %arg20: memref<208xf32, #tpu.memory_space<vmem>>, %arg21: memref<200xi32, #tpu.memory_space<vmem>>, %arg22: memref<200xi32, #tpu.memory_space<vmem>>, %arg23: memref<200xi32, #tpu.memory_space<vmem>>, %arg24: memref<200xi32, #tpu.memory_space<vmem>>, %arg25: memref<2000xi32, #tpu.memory_space<vmem>>, %arg26: memref<2000xi32, #tpu.memory_space<vmem>>, %arg27: memref<2016xf32, #tpu.memory_space<vmem>>, %arg28: memref<2000xi32, #tpu.memory_space<vmem>>, %arg29: memref<2000xf32, #tpu.memory_space<vmem>>, %arg30: memref<640xf32, #tpu.memory_space<vmem>>, %arg31: memref<64x64xf32, #tpu.memory_space<vmem>>, %arg32: memref<64x64xf32, #tpu.memory_space<vmem>>, %arg33: memref<64x64xf32, #tpu.memory_space<vmem>>, %arg34: memref<64x64xf32, #tpu.memory_space<vmem>>, %arg35: memref<640xi32, #tpu.memory_space<vmem>>, %arg36: memref<640xf32, #tpu.memory_space<vmem>>, %arg37: memref<10256x64xf32, #tpu.memory_space<vmem_shared>>, %arg38: memref<10240xi32, #tpu.memory_space<vmem_shared>>, %arg39: memref<10240xf32, #tpu.memory_space<vmem_shared>>, %arg40: memref<!tpu.dma_semaphore, #tpu.memory_space<semaphore_mem>>, %arg41: memref<!tpu.dma_semaphore, #tpu.memory_space<semaphore_mem>>, %arg42: memref<!tpu.dma_semaphore, #tpu.memory_space<semaphore_mem>>, %arg43: memref<!tpu.dma_semaphore, #tpu.memory_space<semaphore_mem>>, %arg44: memref<!tpu.dma_semaphore, #tpu.memory_space<semaphore_mem>>, %arg45: memref<!tpu.dma_semaphore, #tpu.memory_space<semaphore_mem>>, %arg46: memref<!tpu.dma_semaphore, #tpu.memory_space<semaphore_mem>>) attributes {dimension_semantics = [#tpu.dimension_semantics<core_parallel>, #tpu.dimension_semantics<subcore_parallel>], iteration_bounds = array<i64: 2, 16>, scalar_prefetch = 0 : i64, scratch_operands = 37 : i64, tpu.core_type = #tpu.core_type<sc_vector_subcore>, window_params = [{transform_indices = #map}, {transform_indices = #map}, {transform_indices = #map1}, {transform_indices = #map1}, {transform_indices = #map1}, {transform_indices = #map}, {transform_indices = #map1}, {transform_indices = #map1}]} {
    %mul3A = arith.constant 20000 : i32
    %mul3A_0 = arith.muli %arg1, %mul3A : i32
    %scan3A = arith.constant 0 : i32
    %scan3A_1 = arith.constant 0 : i32
    %scan3A_2 = arith.constant 40 : i32
    %scan3A_3 = arith.addi %scan3A_1, %scan3A_2 : i32
    %scan3A_4 = arith.constant 1 : i32
    %scan3A_5 = scf.for %scan3A_92 = %scan3A_1 to %scan3A_3 step %scan3A_4 iter_args(%scan3A_93 = %scan3A) -> (i32)  : i32 {
      %broadcast_in_dim3A = arith.constant 0 : i32
      %broadcast_in_dim3A_94 = vector.broadcast %broadcast_in_dim3A : i32 to vector<16xi32>
      %mul3A_95 = arith.constant 16 : i32
      %mul3A_96 = arith.muli %scan3A_92, %mul3A_95 : i32
      %swap3A = arith.index_cast %mul3A_96 : i32 to index
      %swap3A_97 = tpu.vector_load %arg35[%swap3A] {strides = array<i32>} : memref<640xi32, #tpu.memory_space<vmem>>, vector<16xi32>,
      tpu.vector_store %arg35[%swap3A], %broadcast_in_dim3A_94 {strides = array<i32>} : memref<640xi32, #tpu.memory_space<vmem>>, vector<16xi32>,
      %broadcast_in_dim3A_98 = arith.constant 0.000000e+00 : f32
      %broadcast_in_dim3A_99 = vector.broadcast %broadcast_in_dim3A_98 : f32 to vector<16xf32>
      %mul3A_100 = arith.constant 16 : i32
      %mul3A_101 = arith.muli %scan3A_92, %mul3A_100 : i32
      %swap3A_102 = arith.index_cast %mul3A_101 : i32 to index
      %swap3A_103 = tpu.vector_load %arg36[%swap3A_102] {strides = array<i32>} : memref<640xf32, #tpu.memory_space<vmem>>, vector<16xf32>,
      tpu.vector_store %arg36[%swap3A_102], %broadcast_in_dim3A_99 {strides = array<i32>} : memref<640xf32, #tpu.memory_space<vmem>>, vector<16xf32>,
      %scan3A_104 = arith.constant 0 : i32
      scf.yield %scan3A_104 : i32
    }
    %scan3A_6 = arith.constant 40 : i32
    %scan3A_7 = arith.constant 0 : i32
    %scan3A_8 = arith.constant 0 : i32
    %scan3A_9 = arith.constant 64 : i32
    %scan3A_10 = arith.addi %scan3A_8, %scan3A_9 : i32
    %scan3A_11 = arith.constant 1 : i32
    %scan3A_12 = scf.for %scan3A_92 = %scan3A_8 to %scan3A_10 step %scan3A_11 iter_args(%scan3A_93 = %scan3A_7) -> (i32)  : i32 {
      %broadcast_in_dim3A = vector.broadcast %scan3A_92 : i32 to vector<16xi32>
      %iota3A = tpu.iota {dimensions = array<i32: 0>} : vector<16xi32>
      %add3A = arith.constant 0 : i32
      %add3A_94 = vector.broadcast %add3A : i32 to vector<16xi32>
      %add3A_95 = arith.addi %iota3A, %add3A_94 : vector<16xi32>
      %broadcast_in_dim3A_96 = arith.constant 0.000000e+00 : f32
      %broadcast_in_dim3A_97 = vector.broadcast %broadcast_in_dim3A_96 : f32 to vector<16xf32>
      tpu.vector_store_idx %arg34[%broadcast_in_dim3A, %add3A_95], %broadcast_in_dim3A_97 : memref<64x64xf32, #tpu.memory_space<vmem>>[vector<16xi32>, vector<16xi32>], vector<16xf32>,
      %iota3A_98 = tpu.iota {dimensions = array<i32: 0>} : vector<16xi32>
      %add3A_99 = arith.constant 16 : i32
      %add3A_100 = vector.broadcast %add3A_99 : i32 to vector<16xi32>
      %add3A_101 = arith.addi %iota3A_98, %add3A_100 : vector<16xi32>
      %broadcast_in_dim3A_102 = arith.constant 0.000000e+00 : f32
      %broadcast_in_dim3A_103 = vector.broadcast %broadcast_in_dim3A_102 : f32 to vector<16xf32>
      tpu.vector_store_idx %arg34[%broadcast_in_dim3A, %add3A_101], %broadcast_in_dim3A_103 : memref<64x64xf32, #tpu.memory_space<vmem>>[vector<16xi32>, vector<16xi32>], vector<16xf32>,
      %iota3A_104 = tpu.iota {dimensions = array<i32: 0>} : vector<16xi32>
      %add3A_105 = arith.constant 32 : i32
      %add3A_106 = vector.broadcast %add3A_105 : i32 to vector<16xi32>
      %add3A_107 = arith.addi %iota3A_104, %add3A_106 : vector<16xi32>
      %broadcast_in_dim3A_108 = arith.constant 0.000000e+00 : f32
      %broadcast_in_dim3A_109 = vector.broadcast %broadcast_in_dim3A_108 : f32 to vector<16xf32>
      tpu.vector_store_idx %arg34[%broadcast_in_dim3A, %add3A_107], %broadcast_in_dim3A_109 : memref<64x64xf32, #tpu.memory_space<vmem>>[vector<16xi32>, vector<16xi32>], vector<16xf32>,
      %iota3A_110 = tpu.iota {dimensions = array<i32: 0>} : vector<16xi32>
      %add3A_111 = arith.constant 48 : i32
      %add3A_112 = vector.broadcast %add3A_111 : i32 to vector<16xi32>
      %add3A_113 = arith.addi %iota3A_110, %add3A_112 : vector<16xi32>
      %broadcast_in_dim3A_114 = arith.constant 0.000000e+00 : f32
      %broadcast_in_dim3A_115 = vector.broadcast %broadcast_in_dim3A_114 : f32 to vector<16xf32>
      tpu.vector_store_idx %arg34[%broadcast_in_dim3A, %add3A_113], %broadcast_in_dim3A_115 : memref<64x64xf32, #tpu.memory_space<vmem>>[vector<16xi32>, vector<16xi32>], vector<16xf32>,
      %scan3A_116 = arith.constant 0 : i32
      scf.yield %scan3A_116 : i32
    }
    %scan3A_13 = arith.constant 64 : i32
    "tpu.region"() ({
      %run_scoped3A = tpu.sem_alloc : memref<!tpu.dma_semaphore, #tpu.memory_space<semaphore_mem>>
      %dma_start3A = arith.constant 0 : i32
      %dma_start3A_92 = tpu.memref_slice %arg10[%dma_start3A] : memref<10240xi32, #tpu.memory_space<vmem>> -> memref<10000xi32, #tpu.memory_space<vmem>>
      %dma_start3A_93 = arith.constant 0 : i32
      %dma_start3A_94 = tpu.memref_slice %arg10[%dma_start3A_93] : memref<10240xi32, #tpu.memory_space<vmem>> -> memref<10000xi32, #tpu.memory_space<vmem>>
      tpu.enqueue_dma source(%arg6 : memref<10000xi32, #tpu.memory_space<hbm>>) target(%dma_start3A_94 : memref<10000xi32, #tpu.memory_space<vmem>>) target_semaphore(%run_scoped3A : memref<!tpu.dma_semaphore, #tpu.memory_space<semaphore_mem>>)
      %dma_wait3A = arith.constant 0 : i32
      %dma_wait3A_95 = tpu.memref_slice %arg10[%dma_wait3A] : memref<10240xi32, #tpu.memory_space<vmem>> -> memref<10000xi32, #tpu.memory_space<vmem>>
      %dma_wait3A_96 = arith.constant 0 : i32
      %dma_wait3A_97 = tpu.memref_slice %arg10[%dma_wait3A_96] : memref<10240xi32, #tpu.memory_space<vmem>> -> memref<10000xi32, #tpu.memory_space<vmem>>
      tpu.wait_dma2 semaphore(%run_scoped3A : memref<!tpu.dma_semaphore, #tpu.memory_space<semaphore_mem>>) src(%arg6 : memref<10000xi32, #tpu.memory_space<hbm>>) dst(%dma_wait3A_97 : memref<10000xi32, #tpu.memory_space<vmem>>)
      tpu.yield
    }) : () -> ()
    %scan3A_14 = arith.constant 0 : i32
    %scan3A_15 = arith.constant 0 : i32
    %scan3A_16 = arith.constant 625 : i32
    %scan3A_17 = arith.addi %scan3A_15, %scan3A_16 : i32
    %scan3A_18 = arith.constant 1 : i32
    %scan3A_19 = scf.for %scan3A_92 = %scan3A_15 to %scan3A_17 step %scan3A_18 iter_args(%scan3A_93 = %scan3A_14) -> (i32)  : i32 {
      %mul3A_94 = arith.constant 16 : i32
      %mul3A_95 = arith.muli %scan3A_92, %mul3A_94 : i32
      %get3A = arith.index_cast %mul3A_95 : i32 to index
      %get3A_96 = tpu.vector_load %arg10[%get3A] {strides = array<i32>} : memref<10240xi32, #tpu.memory_space<vmem>>, vector<16xi32>,
      %sub3A = arith.constant 1 : i32
      %sub3A_97 = vector.broadcast %sub3A : i32 to vector<16xi32>
      %sub3A_98 = arith.subi %sub3A_97, %get3A_96 : vector<16xi32>
      %mul3A_99 = arith.constant 10001 : i32
      %mul3A_100 = vector.broadcast %mul3A_99 : i32 to vector<16xi32>
      %mul3A_101 = arith.muli %sub3A_98, %mul3A_100 : vector<16xi32>
      %mul3A_102 = arith.constant 16 : i32
      %mul3A_103 = arith.muli %scan3A_92, %mul3A_102 : i32
      %swap3A = arith.index_cast %mul3A_103 : i32 to index
      %swap3A_104 = tpu.vector_load %arg10[%swap3A] {strides = array<i32>} : memref<10240xi32, #tpu.memory_space<vmem>>, vector<16xi32>,
      tpu.vector_store %arg10[%swap3A], %mul3A_101 {strides = array<i32>} : memref<10240xi32, #tpu.memory_space<vmem>>, vector<16xi32>,
      %scan3A_105 = arith.constant 0 : i32
      scf.yield %scan3A_105 : i32
    }
    %scan3A_20 = arith.constant 625 : i32
    %scan3A_21 = arith.constant 0 : i32
    %scan3A_22 = arith.constant 0 : i32
    %scan3A_23 = arith.constant 15 : i32
    %scan3A_24 = arith.addi %scan3A_22, %scan3A_23 : i32
    %scan3A_25 = arith.constant 1 : i32
    %scan3A_26 = scf.for %scan3A_92 = %scan3A_22 to %scan3A_24 step %scan3A_25 iter_args(%scan3A_93 = %scan3A_21) -> (i32)  : i32 {
      %broadcast_in_dim3A = arith.constant 10001 : i32
      %broadcast_in_dim3A_94 = vector.broadcast %broadcast_in_dim3A : i32 to vector<16xi32>
      %mul3A_95 = arith.constant 16 : i32
      %mul3A_96 = arith.muli %scan3A_92, %mul3A_95 : i32
      %add3A = arith.constant 10000 : i32
      %add3A_97 = arith.addi %add3A, %mul3A_96 : i32
      %swap3A = arith.index_cast %add3A_97 : i32 to index
      %swap3A_98 = tpu.vector_load %arg10[%swap3A] {strides = array<i32>} : memref<10240xi32, #tpu.memory_space<vmem>>, vector<16xi32>,
      tpu.vector_store %arg10[%swap3A], %broadcast_in_dim3A_94 {strides = array<i32>} : memref<10240xi32, #tpu.memory_space<vmem>>, vector<16xi32>,
      %scan3A_99 = arith.constant 0 : i32
      scf.yield %scan3A_99 : i32
    }
    %scan3A_27 = arith.constant 15 : i32
    %mul3A_28 = arith.constant 640 : i32
    %mul3A_29 = arith.muli %arg1, %mul3A_28 : i32
    "tpu.region"() ({
      %run_scoped3A = tpu.sem_alloc : memref<!tpu.dma_semaphore, #tpu.memory_space<semaphore_mem>>
      %dma_start3A = tpu.memref_slice %arg38[%mul3A_29] : memref<10240xi32, #tpu.memory_space<vmem_shared>> -> memref<640xi32, #tpu.memory_space<vmem_shared>>
      %dma_start3A_92 = tpu.memref_slice %arg38[%mul3A_29] : memref<10240xi32, #tpu.memory_space<vmem_shared>> -> memref<640xi32, #tpu.memory_space<vmem_shared>>
      tpu.enqueue_dma source(%arg35 : memref<640xi32, #tpu.memory_space<vmem>>) target(%dma_start3A_92 : memref<640xi32, #tpu.memory_space<vmem_shared>>) target_semaphore(%run_scoped3A : memref<!tpu.dma_semaphore, #tpu.memory_space<semaphore_mem>>)
      %dma_wait3A = tpu.memref_slice %arg38[%mul3A_29] : memref<10240xi32, #tpu.memory_space<vmem_shared>> -> memref<640xi32, #tpu.memory_space<vmem_shared>>
      %dma_wait3A_93 = tpu.memref_slice %arg38[%mul3A_29] : memref<10240xi32, #tpu.memory_space<vmem_shared>> -> memref<640xi32, #tpu.memory_space<vmem_shared>>
      tpu.wait_dma2 semaphore(%run_scoped3A : memref<!tpu.dma_semaphore, #tpu.memory_space<semaphore_mem>>) src(%arg35 : memref<640xi32, #tpu.memory_space<vmem>>) dst(%dma_wait3A_93 : memref<640xi32, #tpu.memory_space<vmem_shared>>)
      tpu.yield
    }) : () -> ()
    %barrier3A = arith.constant 0 : index
    tpu.barrier barrier_id(%barrier3A)
    %scan3A_30 = arith.constant 0 : i32
    %scan3A_31 = arith.constant 0 : i32
    %scan3A_32 = arith.constant 10 : i32
    %scan3A_33 = arith.addi %scan3A_31, %scan3A_32 : i32
    %scan3A_34 = arith.constant 1 : i32
    %scan3A_35 = scf.for %scan3A_92 = %scan3A_31 to %scan3A_33 step %scan3A_34 iter_args(%scan3A_93 = %scan3A_30) -> (i32)  : i32 {
      %scan3A_94 = arith.constant 0 : i32
      %scan3A_95 = arith.constant 0 : i32
      %scan3A_96 = arith.constant 10 : i32
      %scan3A_97 = arith.addi %scan3A_95, %scan3A_96 : i32
      %scan3A_98 = arith.constant 1 : i32
      %scan3A_99 = scf.for %scan3A_114 = %scan3A_95 to %scan3A_97 step %scan3A_98 iter_args(%scan3A_115 = %scan3A_94) -> (i32)  : i32 {
        %mul3A_116 = arith.constant 2000 : i32
        %mul3A_117 = arith.muli %scan3A_114, %mul3A_116 : i32
        %add3A = arith.addi %mul3A_0, %mul3A_117 : i32
        "tpu.region"() ({
          %run_scoped3A = tpu.sem_alloc : memref<!tpu.dma_semaphore, #tpu.memory_space<semaphore_mem>>
          %dma_start3A = tpu.memref_slice %arg5[%add3A] : memref<320016xi32, #tpu.memory_space<hbm>> -> memref<2000xi32, #tpu.memory_space<hbm>>
          %dma_start3A_126 = tpu.memref_slice %arg5[%add3A] : memref<320016xi32, #tpu.memory_space<hbm>> -> memref<2000xi32, #tpu.memory_space<hbm>>
          tpu.enqueue_dma source(%dma_start3A_126 : memref<2000xi32, #tpu.memory_space<hbm>>) target(%arg25 : memref<2000xi32, #tpu.memory_space<vmem>>) target_semaphore(%run_scoped3A : memref<!tpu.dma_semaphore, #tpu.memory_space<semaphore_mem>>)
          %dma_wait3A = tpu.memref_slice %arg5[%add3A] : memref<320016xi32, #tpu.memory_space<hbm>> -> memref<2000xi32, #tpu.memory_space<hbm>>
          %dma_wait3A_127 = tpu.memref_slice %arg5[%add3A] : memref<320016xi32, #tpu.memory_space<hbm>> -> memref<2000xi32, #tpu.memory_space<hbm>>
          tpu.wait_dma2 semaphore(%run_scoped3A : memref<!tpu.dma_semaphore, #tpu.memory_space<semaphore_mem>>) src(%dma_wait3A_127 : memref<2000xi32, #tpu.memory_space<hbm>>) dst(%arg25 : memref<2000xi32, #tpu.memory_space<vmem>>)
          tpu.yield
        }) : () -> ()
        "tpu.region"() ({
          %run_scoped3A = tpu.sem_alloc : memref<!tpu.dma_semaphore, #tpu.memory_space<semaphore_mem>>
          %dma_start3A = tpu.memref_slice %arg4[%add3A] : memref<320016xi32, #tpu.memory_space<hbm>> -> memref<2000xi32, #tpu.memory_space<hbm>>
          %dma_start3A_126 = tpu.memref_slice %arg4[%add3A] : memref<320016xi32, #tpu.memory_space<hbm>> -> memref<2000xi32, #tpu.memory_space<hbm>>
          tpu.enqueue_dma source(%dma_start3A_126 : memref<2000xi32, #tpu.memory_space<hbm>>) target(%arg26 : memref<2000xi32, #tpu.memory_space<vmem>>) target_semaphore(%run_scoped3A : memref<!tpu.dma_semaphore, #tpu.memory_space<semaphore_mem>>)
          %dma_wait3A = tpu.memref_slice %arg4[%add3A] : memref<320016xi32, #tpu.memory_space<hbm>> -> memref<2000xi32, #tpu.memory_space<hbm>>
          %dma_wait3A_127 = tpu.memref_slice %arg4[%add3A] : memref<320016xi32, #tpu.memory_space<hbm>> -> memref<2000xi32, #tpu.memory_space<hbm>>
          tpu.wait_dma2 semaphore(%run_scoped3A : memref<!tpu.dma_semaphore, #tpu.memory_space<semaphore_mem>>) src(%dma_wait3A_127 : memref<2000xi32, #tpu.memory_space<hbm>>) dst(%arg26 : memref<2000xi32, #tpu.memory_space<vmem>>)
          tpu.yield
        }) : () -> ()
        %scan3A_118 = arith.constant 0 : i32
        %scan3A_119 = arith.constant 0 : i32
        %scan3A_120 = arith.constant 125 : i32
        %scan3A_121 = arith.addi %scan3A_119, %scan3A_120 : i32
        %scan3A_122 = arith.constant 1 : i32
        %scan3A_123 = scf.for %scan3A_126 = %scan3A_119 to %scan3A_121 step %scan3A_122 iter_args(%scan3A_127 = %scan3A_118) -> (i32)  : i32 {
          %mul3A_128 = arith.constant 16 : i32
          %mul3A_129 = arith.muli %scan3A_126, %mul3A_128 : i32
          %get3A = arith.index_cast %mul3A_129 : i32 to index
          %get3A_130 = tpu.vector_load %arg25[%get3A] {strides = array<i32>} : memref<2000xi32, #tpu.memory_space<vmem>>, vector<16xi32>,
          %gather3A = tpu.vector_load_idx %arg10[%get3A_130] : memref<10240xi32, #tpu.memory_space<vmem>>[vector<16xi32>], vector<16xi32>,
          %lt3A_131 = arith.constant 10001 : i32
          %lt3A_132 = vector.broadcast %lt3A_131 : i32 to vector<16xi32>
          %lt3A_133 = arith.cmpi slt, %gather3A, %lt3A_132 : vector<16xi32>
          %jit3A = arith.constant 1 : i32
          %jit3A_134 = arith.constant 0 : i32
          %broadcast_in_dim3A = vector.broadcast %jit3A : i32 to vector<16xi32>
          %broadcast_in_dim3A_135 = vector.broadcast %jit3A_134 : i32 to vector<16xi32>
          %select_n3A = arith.select %lt3A_133, %broadcast_in_dim3A, %broadcast_in_dim3A_135 : vector<16xi1>, vector<16xi32>
          %mul3A_136 = arith.constant 16 : i32
          %mul3A_137 = arith.muli %scan3A_126, %mul3A_136 : i32
          %swap3A = arith.index_cast %mul3A_137 : i32 to index
          %swap3A_138 = tpu.vector_load %arg28[%swap3A] {strides = array<i32>} : memref<2000xi32, #tpu.memory_space<vmem>>, vector<16xi32>,
          tpu.vector_store %arg28[%swap3A], %select_n3A {strides = array<i32>} : memref<2000xi32, #tpu.memory_space<vmem>>, vector<16xi32>,
          %scan3A_139 = arith.constant 0 : i32
          scf.yield %scan3A_139 : i32
        }
        %scan3A_124 = arith.constant 125 : i32
        "tpu.region"() ({
          %run_scoped3A = tpu.sem_alloc : memref<!tpu.dma_semaphore, #tpu.memory_space<semaphore_mem>>
          %dma_start3A = arith.constant 0 : i32
          %dma_start3A_126 = tpu.memref_slice %arg38[%dma_start3A] : memref<10240xi32, #tpu.memory_space<vmem_shared>> -> memref<10240xi32, #tpu.memory_space<vmem_shared>>
          tpu.enqueue_indirect_dma source(%arg28 : memref<2000xi32, #tpu.memory_space<vmem>>) target(%dma_start3A_126 : memref<10240xi32, #tpu.memory_space<vmem_shared>>) offsets(%arg26 : memref<2000xi32, #tpu.memory_space<vmem>>) semaphore(%run_scoped3A : memref<!tpu.dma_semaphore, #tpu.memory_space<semaphore_mem>>) {add = true}
          %dma_wait3A = arith.constant 0 : i32
          %dma_wait3A_127 = tpu.memref_slice %arg38[%dma_wait3A] : memref<10240xi32, #tpu.memory_space<vmem_shared>> -> memref<10240xi32, #tpu.memory_space<vmem_shared>>
          tpu.wait_indirect_dma semaphore(%run_scoped3A : memref<!tpu.dma_semaphore, #tpu.memory_space<semaphore_mem>>) src(%arg28 : memref<2000xi32, #tpu.memory_space<vmem>>) dst(%dma_wait3A_127 : memref<10240xi32, #tpu.memory_space<vmem_shared>>)
          tpu.yield
        }) : () -> ()
        %scan3A_125 = arith.constant 0 : i32
        scf.yield %scan3A_125 : i32
      }
      %scan3A_100 = arith.constant 10 : i32
      %barrier3A_101 = arith.constant 0 : index
      tpu.barrier barrier_id(%barrier3A_101)
      "tpu.region"() ({
        %run_scoped3A = tpu.sem_alloc : memref<!tpu.dma_semaphore, #tpu.memory_space<semaphore_mem>>
        tpu.enqueue_dma source(%arg38 : memref<10240xi32, #tpu.memory_space<vmem_shared>>) target(%arg12 : memref<10240xi32, #tpu.memory_space<vmem>>) target_semaphore(%run_scoped3A : memref<!tpu.dma_semaphore, #tpu.memory_space<semaphore_mem>>)
        tpu.wait_dma2 semaphore(%run_scoped3A : memref<!tpu.dma_semaphore, #tpu.memory_space<semaphore_mem>>) src(%arg38 : memref<10240xi32, #tpu.memory_space<vmem_shared>>) dst(%arg12 : memref<10240xi32, #tpu.memory_space<vmem>>)
        tpu.yield
      }) : () -> ()
      %barrier3A_102 = arith.constant 0 : index
      tpu.barrier barrier_id(%barrier3A_102)
      %mul3A_103 = arith.constant 640 : i32
      %mul3A_104 = arith.muli %arg1, %mul3A_103 : i32
      "tpu.region"() ({
        %run_scoped3A = tpu.sem_alloc : memref<!tpu.dma_semaphore, #tpu.memory_space<semaphore_mem>>
        %dma_start3A = tpu.memref_slice %arg38[%mul3A_104] : memref<10240xi32, #tpu.memory_space<vmem_shared>> -> memref<640xi32, #tpu.memory_space<vmem_shared>>
        %dma_start3A_114 = tpu.memref_slice %arg38[%mul3A_104] : memref<10240xi32, #tpu.memory_space<vmem_shared>> -> memref<640xi32, #tpu.memory_space<vmem_shared>>
        tpu.enqueue_dma source(%arg35 : memref<640xi32, #tpu.memory_space<vmem>>) target(%dma_start3A_114 : memref<640xi32, #tpu.memory_space<vmem_shared>>) target_semaphore(%run_scoped3A : memref<!tpu.dma_semaphore, #tpu.memory_space<semaphore_mem>>)
        %dma_wait3A = tpu.memref_slice %arg38[%mul3A_104] : memref<10240xi32, #tpu.memory_space<vmem_shared>> -> memref<640xi32, #tpu.memory_space<vmem_shared>>
        %dma_wait3A_115 = tpu.memref_slice %arg38[%mul3A_104] : memref<10240xi32, #tpu.memory_space<vmem_shared>> -> memref<640xi32, #tpu.memory_space<vmem_shared>>
        tpu.wait_dma2 semaphore(%run_scoped3A : memref<!tpu.dma_semaphore, #tpu.memory_space<semaphore_mem>>) src(%arg35 : memref<640xi32, #tpu.memory_space<vmem>>) dst(%dma_wait3A_115 : memref<640xi32, #tpu.memory_space<vmem_shared>>)
        tpu.yield
      }) : () -> ()
      %scan3A_105 = arith.constant 0 : i32
      %scan3A_106 = arith.constant 0 : i32
      %scan3A_107 = arith.constant 640 : i32
      %scan3A_108 = arith.addi %scan3A_106, %scan3A_107 : i32
      %scan3A_109 = arith.constant 1 : i32
      %scan3A_110 = scf.for %scan3A_114 = %scan3A_106 to %scan3A_108 step %scan3A_109 iter_args(%scan3A_115 = %scan3A_105) -> (i32)  : i32 {
        %mul3A_116 = arith.constant 16 : i32
        %mul3A_117 = arith.muli %scan3A_114, %mul3A_116 : i32
        %get3A = arith.index_cast %mul3A_117 : i32 to index
        %get3A_118 = tpu.vector_load %arg12[%get3A] {strides = array<i32>} : memref<10240xi32, #tpu.memory_space<vmem>>, vector<16xi32>,
        %mul3A_119 = arith.constant 16 : i32
        %mul3A_120 = arith.muli %scan3A_114, %mul3A_119 : i32
        %get3A_121 = arith.index_cast %mul3A_120 : i32 to index
        %get3A_122 = tpu.vector_load %arg10[%get3A_121] {strides = array<i32>} : memref<10240xi32, #tpu.memory_space<vmem>>, vector<16xi32>,
        %gt3A = arith.constant 0 : i32
        %gt3A_123 = vector.broadcast %gt3A : i32 to vector<16xi32>
        %gt3A_124 = arith.cmpi sgt, %get3A_118, %gt3A_123 : vector<16xi32>
        %ge3A = arith.constant 10001 : i32
        %ge3A_125 = vector.broadcast %ge3A : i32 to vector<16xi32>
        %ge3A_126 = arith.cmpi sge, %get3A_122, %ge3A_125 : vector<16xi32>
        %and3A_127 = arith.andi %gt3A_124, %ge3A_126 : vector<16xi1>
        %add3A = arith.constant 1 : i32
        %add3A_128 = arith.addi %scan3A_92, %add3A : i32
        %broadcast_in_dim3A = vector.broadcast %add3A_128 : i32 to vector<16xi32>
        %select_n3A = arith.select %and3A_127, %broadcast_in_dim3A, %get3A_122 : vector<16xi1>, vector<16xi32>
        %mul3A_129 = arith.constant 16 : i32
        %mul3A_130 = arith.muli %scan3A_114, %mul3A_129 : i32
        %swap3A = arith.index_cast %mul3A_130 : i32 to index
        %swap3A_131 = tpu.vector_load %arg10[%swap3A] {strides = array<i32>} : memref<10240xi32, #tpu.memory_space<vmem>>, vector<16xi32>,
        tpu.vector_store %arg10[%swap3A], %select_n3A {strides = array<i32>} : memref<10240xi32, #tpu.memory_space<vmem>>, vector<16xi32>,
        %scan3A_132 = arith.constant 0 : i32
        scf.yield %scan3A_132 : i32
      }
      %scan3A_111 = arith.constant 640 : i32
      %barrier3A_112 = arith.constant 0 : index
      tpu.barrier barrier_id(%barrier3A_112)
      %scan3A_113 = arith.constant 0 : i32
      scf.yield %scan3A_113 : i32
    }
    %scan3A_36 = arith.constant 10 : i32
    %scan3A_37 = arith.constant 0 : i32
    %scan3A_38 = arith.constant 0 : i32
    %scan3A_39 = arith.constant 640 : i32
    %scan3A_40 = arith.addi %scan3A_38, %scan3A_39 : i32
    %scan3A_41 = arith.constant 1 : i32
    %scan3A_42 = scf.for %scan3A_92 = %scan3A_38 to %scan3A_40 step %scan3A_41 iter_args(%scan3A_93 = %scan3A_37) -> (i32)  : i32 {
      %mul3A_94 = arith.constant 16 : i32
      %mul3A_95 = arith.muli %scan3A_92, %mul3A_94 : i32
      %get3A = arith.index_cast %mul3A_95 : i32 to index
      %get3A_96 = tpu.vector_load %arg10[%get3A] {strides = array<i32>} : memref<10240xi32, #tpu.memory_space<vmem>>, vector<16xi32>,
      %ge3A = arith.constant 10001 : i32
      %ge3A_97 = vector.broadcast %ge3A : i32 to vector<16xi32>
      %ge3A_98 = arith.cmpi sge, %get3A_96, %ge3A_97 : vector<16xi32>
      %jit3A = arith.constant 0 : i32
      %broadcast_in_dim3A = vector.broadcast %jit3A : i32 to vector<16xi32>
      %select_n3A = arith.select %ge3A_98, %broadcast_in_dim3A, %get3A_96 : vector<16xi1>, vector<16xi32>
      %convert_element_type3A_99 = arith.sitofp %select_n3A : vector<16xi32> to vector<16xf32>
      %mul3A_100 = arith.constant 16 : i32
      %mul3A_101 = arith.muli %scan3A_92, %mul3A_100 : i32
      %swap3A = arith.index_cast %mul3A_101 : i32 to index
      %swap3A_102 = tpu.vector_load %arg11[%swap3A] {strides = array<i32>} : memref<10240xf32, #tpu.memory_space<vmem>>, vector<16xf32>,
      tpu.vector_store %arg11[%swap3A], %convert_element_type3A_99 {strides = array<i32>} : memref<10240xf32, #tpu.memory_space<vmem>>, vector<16xf32>,
      %scan3A_103 = arith.constant 0 : i32
      scf.yield %scan3A_103 : i32
    }
    %scan3A_43 = arith.constant 640 : i32
    %eq3A = arith.constant 0 : i32
    %eq3A_44 = arith.cmpi eq, %arg0, %eq3A : i32
    %lt3A = arith.constant 10 : i32
    %lt3A_45 = arith.cmpi slt, %arg1, %lt3A : i32
    %and3A = arith.andi %eq3A_44, %lt3A_45 : i1
    %convert_element_type3A = arith.extui %and3A : i1 to i32
    %cond3A = arith.constant 0 : i32
    %cond3A_46 = arith.cmpi ne, %convert_element_type3A, %cond3A : i32
    scf.if %cond3A_46 {
      %mul3A_92 = arith.constant 1000 : i32
      %mul3A_93 = arith.muli %arg1, %mul3A_92 : i32
      %mul3A_94 = arith.constant 1000 : i32
      %mul3A_95 = arith.muli %arg1, %mul3A_94 : i32
      "tpu.region"() ({
        %run_scoped3A = tpu.sem_alloc : memref<!tpu.dma_semaphore, #tpu.memory_space<semaphore_mem>>
        %dma_start3A = tpu.memref_slice %arg11[%mul3A_93] : memref<10240xf32, #tpu.memory_space<vmem>> -> memref<1000xf32, #tpu.memory_space<vmem>>
        %dma_start3A_96 = tpu.memref_slice %arg8[%mul3A_95] : memref<10000xf32, #tpu.memory_space<hbm>> -> memref<1000xf32, #tpu.memory_space<hbm>>
        %dma_start3A_97 = tpu.memref_slice %arg8[%mul3A_95] : memref<10000xf32, #tpu.memory_space<hbm>> -> memref<1000xf32, #tpu.memory_space<hbm>>
        %dma_start3A_98 = tpu.memref_slice %arg11[%mul3A_93] : memref<10240xf32, #tpu.memory_space<vmem>> -> memref<1000xf32, #tpu.memory_space<vmem>>
        tpu.enqueue_dma source(%dma_start3A_98 : memref<1000xf32, #tpu.memory_space<vmem>>) target(%dma_start3A_97 : memref<1000xf32, #tpu.memory_space<hbm>>) target_semaphore(%run_scoped3A : memref<!tpu.dma_semaphore, #tpu.memory_space<semaphore_mem>>)
        %dma_wait3A = tpu.memref_slice %arg11[%mul3A_93] : memref<10240xf32, #tpu.memory_space<vmem>> -> memref<1000xf32, #tpu.memory_space<vmem>>
        %dma_wait3A_99 = tpu.memref_slice %arg8[%mul3A_95] : memref<10000xf32, #tpu.memory_space<hbm>> -> memref<1000xf32, #tpu.memory_space<hbm>>
        %dma_wait3A_100 = tpu.memref_slice %arg8[%mul3A_95] : memref<10000xf32, #tpu.memory_space<hbm>> -> memref<1000xf32, #tpu.memory_space<hbm>>
        %dma_wait3A_101 = tpu.memref_slice %arg11[%mul3A_93] : memref<10240xf32, #tpu.memory_space<vmem>> -> memref<1000xf32, #tpu.memory_space<vmem>>
        tpu.wait_dma2 semaphore(%run_scoped3A : memref<!tpu.dma_semaphore, #tpu.memory_space<semaphore_mem>>) src(%dma_wait3A_101 : memref<1000xf32, #tpu.memory_space<vmem>>) dst(%dma_wait3A_100 : memref<1000xf32, #tpu.memory_space<hbm>>)
        tpu.yield
      }) : () -> ()
    } else {
    }
    %mul3A_47 = arith.constant 640 : i32
    %mul3A_48 = arith.muli %arg1, %mul3A_47 : i32
    "tpu.region"() ({
      %run_scoped3A = tpu.sem_alloc : memref<!tpu.dma_semaphore, #tpu.memory_space<semaphore_mem>>
      %dma_start3A = tpu.memref_slice %arg39[%mul3A_48] : memref<10240xf32, #tpu.memory_space<vmem_shared>> -> memref<640xf32, #tpu.memory_space<vmem_shared>>
      %dma_start3A_92 = tpu.memref_slice %arg39[%mul3A_48] : memref<10240xf32, #tpu.memory_space<vmem_shared>> -> memref<640xf32, #tpu.memory_space<vmem_shared>>
      tpu.enqueue_dma source(%arg36 : memref<640xf32, #tpu.memory_space<vmem>>) target(%dma_start3A_92 : memref<640xf32, #tpu.memory_space<vmem_shared>>) target_semaphore(%run_scoped3A : memref<!tpu.dma_semaphore, #tpu.memory_space<semaphore_mem>>)
      %dma_wait3A = tpu.memref_slice %arg39[%mul3A_48] : memref<10240xf32, #tpu.memory_space<vmem_shared>> -> memref<640xf32, #tpu.memory_space<vmem_shared>>
      %dma_wait3A_93 = tpu.memref_slice %arg39[%mul3A_48] : memref<10240xf32, #tpu.memory_space<vmem_shared>> -> memref<640xf32, #tpu.memory_space<vmem_shared>>
      tpu.wait_dma2 semaphore(%run_scoped3A : memref<!tpu.dma_semaphore, #tpu.memory_space<semaphore_mem>>) src(%arg36 : memref<640xf32, #tpu.memory_space<vmem>>) dst(%dma_wait3A_93 : memref<640xf32, #tpu.memory_space<vmem_shared>>)
      tpu.yield
    }) : () -> ()
    %barrier3A_49 = arith.constant 0 : index
    tpu.barrier barrier_id(%barrier3A_49)
    %scan3A_50 = arith.constant 0 : i32
    %scan3A_51 = arith.constant 0 : i32
    %scan3A_52 = arith.constant 10 : i32
    %scan3A_53 = arith.addi %scan3A_51, %scan3A_52 : i32
    %scan3A_54 = arith.constant 1 : i32
    %scan3A_55 = scf.for %scan3A_92 = %scan3A_51 to %scan3A_53 step %scan3A_54 iter_args(%scan3A_93 = %scan3A_50) -> (i32)  : i32 {
      %mul3A_94 = arith.constant 2000 : i32
      %mul3A_95 = arith.muli %scan3A_92, %mul3A_94 : i32
      %add3A = arith.addi %mul3A_0, %mul3A_95 : i32
      "tpu.region"() ({
        %run_scoped3A = tpu.sem_alloc : memref<!tpu.dma_semaphore, #tpu.memory_space<semaphore_mem>>
        %dma_start3A = tpu.memref_slice %arg5[%add3A] : memref<320016xi32, #tpu.memory_space<hbm>> -> memref<2000xi32, #tpu.memory_space<hbm>>
        %dma_start3A_107 = tpu.memref_slice %arg5[%add3A] : memref<320016xi32, #tpu.memory_space<hbm>> -> memref<2000xi32, #tpu.memory_space<hbm>>
        tpu.enqueue_dma source(%dma_start3A_107 : memref<2000xi32, #tpu.memory_space<hbm>>) target(%arg25 : memref<2000xi32, #tpu.memory_space<vmem>>) target_semaphore(%run_scoped3A : memref<!tpu.dma_semaphore, #tpu.memory_space<semaphore_mem>>)
        %dma_wait3A = tpu.memref_slice %arg5[%add3A] : memref<320016xi32, #tpu.memory_space<hbm>> -> memref<2000xi32, #tpu.memory_space<hbm>>
        %dma_wait3A_108 = tpu.memref_slice %arg5[%add3A] : memref<320016xi32, #tpu.memory_space<hbm>> -> memref<2000xi32, #tpu.memory_space<hbm>>
        tpu.wait_dma2 semaphore(%run_scoped3A : memref<!tpu.dma_semaphore, #tpu.memory_space<semaphore_mem>>) src(%dma_wait3A_108 : memref<2000xi32, #tpu.memory_space<hbm>>) dst(%arg25 : memref<2000xi32, #tpu.memory_space<vmem>>)
        tpu.yield
      }) : () -> ()
      "tpu.region"() ({
        %run_scoped3A = tpu.sem_alloc : memref<!tpu.dma_semaphore, #tpu.memory_space<semaphore_mem>>
        %dma_start3A = tpu.memref_slice %arg4[%add3A] : memref<320016xi32, #tpu.memory_space<hbm>> -> memref<2000xi32, #tpu.memory_space<hbm>>
        %dma_start3A_107 = tpu.memref_slice %arg4[%add3A] : memref<320016xi32, #tpu.memory_space<hbm>> -> memref<2000xi32, #tpu.memory_space<hbm>>
        tpu.enqueue_dma source(%dma_start3A_107 : memref<2000xi32, #tpu.memory_space<hbm>>) target(%arg26 : memref<2000xi32, #tpu.memory_space<vmem>>) target_semaphore(%run_scoped3A : memref<!tpu.dma_semaphore, #tpu.memory_space<semaphore_mem>>)
        %dma_wait3A = tpu.memref_slice %arg4[%add3A] : memref<320016xi32, #tpu.memory_space<hbm>> -> memref<2000xi32, #tpu.memory_space<hbm>>
        %dma_wait3A_108 = tpu.memref_slice %arg4[%add3A] : memref<320016xi32, #tpu.memory_space<hbm>> -> memref<2000xi32, #tpu.memory_space<hbm>>
        tpu.wait_dma2 semaphore(%run_scoped3A : memref<!tpu.dma_semaphore, #tpu.memory_space<semaphore_mem>>) src(%dma_wait3A_108 : memref<2000xi32, #tpu.memory_space<hbm>>) dst(%arg26 : memref<2000xi32, #tpu.memory_space<vmem>>)
        tpu.yield
      }) : () -> ()
      %scan3A_96 = arith.constant 0 : i32
      %scan3A_97 = arith.constant 0 : i32
      %scan3A_98 = arith.constant 125 : i32
      %scan3A_99 = arith.addi %scan3A_97, %scan3A_98 : i32
      %scan3A_100 = arith.constant 1 : i32
      %scan3A_101 = scf.for %scan3A_107 = %scan3A_97 to %scan3A_99 step %scan3A_100 iter_args(%scan3A_108 = %scan3A_96) -> (i32)  : i32 {
        %mul3A_109 = arith.constant 16 : i32
        %mul3A_110 = arith.muli %scan3A_107, %mul3A_109 : i32
        %get3A = arith.index_cast %mul3A_110 : i32 to index
        %get3A_111 = tpu.vector_load %arg25[%get3A] {strides = array<i32>} : memref<2000xi32, #tpu.memory_space<vmem>>, vector<16xi32>,
        %mul3A_112 = arith.constant 16 : i32
        %mul3A_113 = arith.muli %scan3A_107, %mul3A_112 : i32
        %get3A_114 = arith.index_cast %mul3A_113 : i32 to index
        %get3A_115 = tpu.vector_load %arg26[%get3A_114] {strides = array<i32>} : memref<2000xi32, #tpu.memory_space<vmem>>, vector<16xi32>,
        %gather3A = tpu.vector_load_idx %arg11[%get3A_111] : memref<10240xf32, #tpu.memory_space<vmem>>[vector<16xi32>], vector<16xf32>,
        %gather3A_116 = tpu.vector_load_idx %arg11[%get3A_115] : memref<10240xf32, #tpu.memory_space<vmem>>[vector<16xi32>], vector<16xf32>,
        %sub3A = arith.subf %gather3A, %gather3A_116 : vector<16xf32>
        %add3A_117 = arith.constant 1.000000e+00 : f32
        %add3A_118 = vector.broadcast %add3A_117 : f32 to vector<16xf32>
        %add3A_119 = arith.addf %sub3A, %add3A_118 : vector<16xf32>
        %mul3A_120 = arith.constant -0.105360515 : f32
        %mul3A_121 = vector.broadcast %mul3A_120 : f32 to vector<16xf32>
        %mul3A_122 = arith.mulf %mul3A_121, %add3A_119 : vector<16xf32>
        %exp3A = math.exp %mul3A_122 : vector<16xf32>
        %mul3A_123 = arith.constant 16 : i32
        %mul3A_124 = arith.muli %scan3A_107, %mul3A_123 : i32
        %swap3A = arith.index_cast %mul3A_124 : i32 to index
        %swap3A_125 = tpu.vector_load %arg29[%swap3A] {strides = array<i32>} : memref<2000xf32, #tpu.memory_space<vmem>>, vector<16xf32>,
        tpu.vector_store %arg29[%swap3A], %exp3A {strides = array<i32>} : memref<2000xf32, #tpu.memory_space<vmem>>, vector<16xf32>,
        %scan3A_126 = arith.constant 0 : i32
        scf.yield %scan3A_126 : i32
      }
      %scan3A_102 = arith.constant 125 : i32
      "tpu.region"() ({
        %run_scoped3A = tpu.sem_alloc : memref<!tpu.dma_semaphore, #tpu.memory_space<semaphore_mem>>
        %dma_start3A = arith.constant 0 : i32
        %dma_start3A_107 = tpu.memref_slice %arg39[%dma_start3A] : memref<10240xf32, #tpu.memory_space<vmem_shared>> -> memref<10240xf32, #tpu.memory_space<vmem_shared>>
        tpu.enqueue_indirect_dma source(%arg29 : memref<2000xf32, #tpu.memory_space<vmem>>) target(%dma_start3A_107 : memref<10240xf32, #tpu.memory_space<vmem_shared>>) offsets(%arg26 : memref<2000xi32, #tpu.memory_space<vmem>>) semaphore(%run_scoped3A : memref<!tpu.dma_semaphore, #tpu.memory_space<semaphore_mem>>) {add = true}
        %dma_wait3A = arith.constant 0 : i32
        %dma_wait3A_108 = tpu.memref_slice %arg39[%dma_wait3A] : memref<10240xf32, #tpu.memory_space<vmem_shared>> -> memref<10240xf32, #tpu.memory_space<vmem_shared>>
        tpu.wait_indirect_dma semaphore(%run_scoped3A : memref<!tpu.dma_semaphore, #tpu.memory_space<semaphore_mem>>) src(%arg29 : memref<2000xf32, #tpu.memory_space<vmem>>) dst(%dma_wait3A_108 : memref<10240xf32, #tpu.memory_space<vmem_shared>>)
        tpu.yield
      }) : () -> ()
      %mul3A_103 = arith.constant 320000 : i32
      %mul3A_104 = arith.muli %arg0, %mul3A_103 : i32
      %add3A_105 = arith.addi %mul3A_104, %add3A : i32
      "tpu.region"() ({
        %run_scoped3A = tpu.sem_alloc : memref<!tpu.dma_semaphore, #tpu.memory_space<semaphore_mem>>
        %dma_start3A = tpu.memref_slice %arg9[%add3A_105] : memref<640016xf32, #tpu.memory_space<hbm>> -> memref<2000xf32, #tpu.memory_space<hbm>>
        %dma_start3A_107 = tpu.memref_slice %arg9[%add3A_105] : memref<640016xf32, #tpu.memory_space<hbm>> -> memref<2000xf32, #tpu.memory_space<hbm>>
        tpu.enqueue_dma source(%arg29 : memref<2000xf32, #tpu.memory_space<vmem>>) target(%dma_start3A_107 : memref<2000xf32, #tpu.memory_space<hbm>>) target_semaphore(%run_scoped3A : memref<!tpu.dma_semaphore, #tpu.memory_space<semaphore_mem>>)
        %dma_wait3A = tpu.memref_slice %arg9[%add3A_105] : memref<640016xf32, #tpu.memory_space<hbm>> -> memref<2000xf32, #tpu.memory_space<hbm>>
        %dma_wait3A_108 = tpu.memref_slice %arg9[%add3A_105] : memref<640016xf32, #tpu.memory_space<hbm>> -> memref<2000xf32, #tpu.memory_space<hbm>>
        tpu.wait_dma2 semaphore(%run_scoped3A : memref<!tpu.dma_semaphore, #tpu.memory_space<semaphore_mem>>) src(%arg29 : memref<2000xf32, #tpu.memory_space<vmem>>) dst(%dma_wait3A_108 : memref<2000xf32, #tpu.memory_space<hbm>>)
        tpu.yield
      }) : () -> ()
      %scan3A_106 = arith.constant 0 : i32
      scf.yield %scan3A_106 : i32
    }
    %scan3A_56 = arith.constant 10 : i32
    %barrier3A_57 = arith.constant 0 : index
    tpu.barrier barrier_id(%barrier3A_57)
    %mul3A_58 = arith.constant 640 : i32
    %mul3A_59 = arith.muli %arg1, %mul3A_58 : i32
    "tpu.region"() ({
      %run_scoped3A = tpu.sem_alloc : memref<!tpu.dma_semaphore, #tpu.memory_space<semaphore_mem>>
      %dma_start3A = tpu.memref_slice %arg39[%mul3A_59] : memref<10240xf32, #tpu.memory_space<vmem_shared>> -> memref<640xf32, #tpu.memory_space<vmem_shared>>
      %dma_start3A_92 = tpu.memref_slice %arg39[%mul3A_59] : memref<10240xf32, #tpu.memory_space<vmem_shared>> -> memref<640xf32, #tpu.memory_space<vmem_shared>>
      tpu.enqueue_dma source(%dma_start3A_92 : memref<640xf32, #tpu.memory_space<vmem_shared>>) target(%arg30 : memref<640xf32, #tpu.memory_space<vmem>>) target_semaphore(%run_scoped3A : memref<!tpu.dma_semaphore, #tpu.memory_space<semaphore_mem>>)
      %dma_wait3A = tpu.memref_slice %arg39[%mul3A_59] : memref<10240xf32, #tpu.memory_space<vmem_shared>> -> memref<640xf32, #tpu.memory_space<vmem_shared>>
      %dma_wait3A_93 = tpu.memref_slice %arg39[%mul3A_59] : memref<10240xf32, #tpu.memory_space<vmem_shared>> -> memref<640xf32, #tpu.memory_space<vmem_shared>>
      tpu.wait_dma2 semaphore(%run_scoped3A : memref<!tpu.dma_semaphore, #tpu.memory_space<semaphore_mem>>) src(%dma_wait3A_93 : memref<640xf32, #tpu.memory_space<vmem_shared>>) dst(%arg30 : memref<640xf32, #tpu.memory_space<vmem>>)
      tpu.yield
    }) : () -> ()
    %scan3A_60 = arith.constant 0 : i32
    %scan3A_61 = arith.constant 0 : i32
    %scan3A_62 = arith.constant 40 : i32
    %scan3A_63 = arith.addi %scan3A_61, %scan3A_62 : i32
    %scan3A_64 = arith.constant 1 : i32
    %scan3A_65 = scf.for %scan3A_92 = %scan3A_61 to %scan3A_63 step %scan3A_64 iter_args(%scan3A_93 = %scan3A_60) -> (i32)  : i32 {
      %mul3A_94 = arith.constant 16 : i32
      %mul3A_95 = arith.muli %scan3A_92, %mul3A_94 : i32
      %get3A = arith.index_cast %mul3A_95 : i32 to index
      %get3A_96 = tpu.vector_load %arg30[%get3A] {strides = array<i32>} : memref<640xf32, #tpu.memory_space<vmem>>, vector<16xf32>,
      %gt3A = arith.constant 0.000000e+00 : f32
      %gt3A_97 = vector.broadcast %gt3A : f32 to vector<16xf32>
      %gt3A_98 = arith.cmpf ogt, %get3A_96, %gt3A_97 : vector<16xf32>
      %div3A = arith.constant 1.000000e+00 : f32
      %div3A_99 = vector.broadcast %div3A : f32 to vector<16xf32>
      %div3A_100 = arith.divf %div3A_99, %get3A_96 : vector<16xf32>
      %jit3A = arith.constant 0.000000e+00 : f32
      %broadcast_in_dim3A = vector.broadcast %jit3A : f32 to vector<16xf32>
      %select_n3A = arith.select %gt3A_98, %div3A_100, %broadcast_in_dim3A : vector<16xi1>, vector<16xf32>
      %mul3A_101 = arith.constant 16 : i32
      %mul3A_102 = arith.muli %scan3A_92, %mul3A_101 : i32
      %swap3A = arith.index_cast %mul3A_102 : i32 to index
      %swap3A_103 = tpu.vector_load %arg30[%swap3A] {strides = array<i32>} : memref<640xf32, #tpu.memory_space<vmem>>, vector<16xf32>,
      tpu.vector_store %arg30[%swap3A], %select_n3A {strides = array<i32>} : memref<640xf32, #tpu.memory_space<vmem>>, vector<16xf32>,
      %scan3A_104 = arith.constant 0 : i32
      scf.yield %scan3A_104 : i32
    }
    %scan3A_66 = arith.constant 40 : i32
    %mul3A_67 = arith.constant 640 : i32
    %mul3A_68 = arith.muli %arg1, %mul3A_67 : i32
    "tpu.region"() ({
      %run_scoped3A = tpu.sem_alloc : memref<!tpu.dma_semaphore, #tpu.memory_space<semaphore_mem>>
      %dma_start3A = tpu.memref_slice %arg39[%mul3A_68] : memref<10240xf32, #tpu.memory_space<vmem_shared>> -> memref<640xf32, #tpu.memory_space<vmem_shared>>
      %dma_start3A_92 = tpu.memref_slice %arg39[%mul3A_68] : memref<10240xf32, #tpu.memory_space<vmem_shared>> -> memref<640xf32, #tpu.memory_space<vmem_shared>>
      tpu.enqueue_dma source(%arg30 : memref<640xf32, #tpu.memory_space<vmem>>) target(%dma_start3A_92 : memref<640xf32, #tpu.memory_space<vmem_shared>>) target_semaphore(%run_scoped3A : memref<!tpu.dma_semaphore, #tpu.memory_space<semaphore_mem>>)
      %dma_wait3A = tpu.memref_slice %arg39[%mul3A_68] : memref<10240xf32, #tpu.memory_space<vmem_shared>> -> memref<640xf32, #tpu.memory_space<vmem_shared>>
      %dma_wait3A_93 = tpu.memref_slice %arg39[%mul3A_68] : memref<10240xf32, #tpu.memory_space<vmem_shared>> -> memref<640xf32, #tpu.memory_space<vmem_shared>>
      tpu.wait_dma2 semaphore(%run_scoped3A : memref<!tpu.dma_semaphore, #tpu.memory_space<semaphore_mem>>) src(%arg30 : memref<640xf32, #tpu.memory_space<vmem>>) dst(%dma_wait3A_93 : memref<640xf32, #tpu.memory_space<vmem_shared>>)
      tpu.yield
    }) : () -> ()
    %barrier3A_69 = arith.constant 0 : index
    tpu.barrier barrier_id(%barrier3A_69)
    "tpu.region"() ({
      %run_scoped3A = tpu.sem_alloc : memref<!tpu.dma_semaphore, #tpu.memory_space<semaphore_mem>>
      tpu.enqueue_dma source(%arg39 : memref<10240xf32, #tpu.memory_space<vmem_shared>>) target(%arg11 : memref<10240xf32, #tpu.memory_space<vmem>>) target_semaphore(%run_scoped3A : memref<!tpu.dma_semaphore, #tpu.memory_space<semaphore_mem>>)
      tpu.wait_dma2 semaphore(%run_scoped3A : memref<!tpu.dma_semaphore, #tpu.memory_space<semaphore_mem>>) src(%arg39 : memref<10240xf32, #tpu.memory_space<vmem_shared>>) dst(%arg11 : memref<10240xf32, #tpu.memory_space<vmem>>)
      tpu.yield
    }) : () -> ()
    %scan3A_70 = arith.constant 0 : i32
    %scan3A_71 = arith.constant 0 : i32
    %scan3A_72 = arith.constant 10 : i32
    %scan3A_73 = arith.addi %scan3A_71, %scan3A_72 : i32
    %scan3A_74 = arith.constant 1 : i32
    %scan3A_75 = scf.for %scan3A_92 = %scan3A_71 to %scan3A_73 step %scan3A_74 iter_args(%scan3A_93 = %scan3A_70) -> (i32)  : i32 {
      %mul3A_94 = arith.constant 2000 : i32
      %mul3A_95 = arith.muli %scan3A_92, %mul3A_94 : i32
      %add3A = arith.addi %mul3A_0, %mul3A_95 : i32
      "tpu.region"() ({
        %run_scoped3A = tpu.sem_alloc : memref<!tpu.dma_semaphore, #tpu.memory_space<semaphore_mem>>
        %dma_start3A = tpu.memref_slice %arg4[%add3A] : memref<320016xi32, #tpu.memory_space<hbm>> -> memref<2000xi32, #tpu.memory_space<hbm>>
        %dma_start3A_110 = tpu.memref_slice %arg4[%add3A] : memref<320016xi32, #tpu.memory_space<hbm>> -> memref<2000xi32, #tpu.memory_space<hbm>>
        tpu.enqueue_dma source(%dma_start3A_110 : memref<2000xi32, #tpu.memory_space<hbm>>) target(%arg26 : memref<2000xi32, #tpu.memory_space<vmem>>) target_semaphore(%run_scoped3A : memref<!tpu.dma_semaphore, #tpu.memory_space<semaphore_mem>>)
        %dma_wait3A = tpu.memref_slice %arg4[%add3A] : memref<320016xi32, #tpu.memory_space<hbm>> -> memref<2000xi32, #tpu.memory_space<hbm>>
        %dma_wait3A_111 = tpu.memref_slice %arg4[%add3A] : memref<320016xi32, #tpu.memory_space<hbm>> -> memref<2000xi32, #tpu.memory_space<hbm>>
        tpu.wait_dma2 semaphore(%run_scoped3A : memref<!tpu.dma_semaphore, #tpu.memory_space<semaphore_mem>>) src(%dma_wait3A_111 : memref<2000xi32, #tpu.memory_space<hbm>>) dst(%arg26 : memref<2000xi32, #tpu.memory_space<vmem>>)
        tpu.yield
      }) : () -> ()
      %mul3A_96 = arith.constant 320000 : i32
      %mul3A_97 = arith.muli %arg0, %mul3A_96 : i32
      %add3A_98 = arith.addi %mul3A_97, %add3A : i32
      "tpu.region"() ({
        %run_scoped3A = tpu.sem_alloc : memref<!tpu.dma_semaphore, #tpu.memory_space<semaphore_mem>>
        %dma_start3A = tpu.memref_slice %arg9[%add3A_98] : memref<640016xf32, #tpu.memory_space<hbm>> -> memref<2000xf32, #tpu.memory_space<hbm>>
        %dma_start3A_110 = tpu.memref_slice %arg9[%add3A_98] : memref<640016xf32, #tpu.memory_space<hbm>> -> memref<2000xf32, #tpu.memory_space<hbm>>
        tpu.enqueue_dma source(%dma_start3A_110 : memref<2000xf32, #tpu.memory_space<hbm>>) target(%arg29 : memref<2000xf32, #tpu.memory_space<vmem>>) target_semaphore(%run_scoped3A : memref<!tpu.dma_semaphore, #tpu.memory_space<semaphore_mem>>)
        %dma_wait3A = tpu.memref_slice %arg9[%add3A_98] : memref<640016xf32, #tpu.memory_space<hbm>> -> memref<2000xf32, #tpu.memory_space<hbm>>
        %dma_wait3A_111 = tpu.memref_slice %arg9[%add3A_98] : memref<640016xf32, #tpu.memory_space<hbm>> -> memref<2000xf32, #tpu.memory_space<hbm>>
        tpu.wait_dma2 semaphore(%run_scoped3A : memref<!tpu.dma_semaphore, #tpu.memory_space<semaphore_mem>>) src(%dma_wait3A_111 : memref<2000xf32, #tpu.memory_space<hbm>>) dst(%arg29 : memref<2000xf32, #tpu.memory_space<vmem>>)
        tpu.yield
      }) : () -> ()
      %scan3A_99 = arith.constant 0 : i32
      %scan3A_100 = arith.constant 0 : i32
      %scan3A_101 = arith.constant 125 : i32
      %scan3A_102 = arith.addi %scan3A_100, %scan3A_101 : i32
      %scan3A_103 = arith.constant 1 : i32
      %scan3A_104 = scf.for %scan3A_110 = %scan3A_100 to %scan3A_102 step %scan3A_103 iter_args(%scan3A_111 = %scan3A_99) -> (i32)  : i32 {
        %mul3A_112 = arith.constant 16 : i32
        %mul3A_113 = arith.muli %scan3A_110, %mul3A_112 : i32
        %get3A = arith.index_cast %mul3A_113 : i32 to index
        %get3A_114 = tpu.vector_load %arg26[%get3A] {strides = array<i32>} : memref<2000xi32, #tpu.memory_space<vmem>>, vector<16xi32>,
        %gather3A = tpu.vector_load_idx %arg11[%get3A_114] : memref<10240xf32, #tpu.memory_space<vmem>>[vector<16xi32>], vector<16xf32>,
        %mul3A_115 = arith.constant 16 : i32
        %mul3A_116 = arith.muli %scan3A_110, %mul3A_115 : i32
        %get3A_117 = arith.index_cast %mul3A_116 : i32 to index
        %get3A_118 = tpu.vector_load %arg29[%get3A_117] {strides = array<i32>} : memref<2000xf32, #tpu.memory_space<vmem>>, vector<16xf32>,
        %mul3A_119 = arith.mulf %get3A_118, %gather3A : vector<16xf32>
        %mul3A_120 = arith.constant 16 : i32
        %mul3A_121 = arith.muli %scan3A_110, %mul3A_120 : i32
        %swap3A = arith.index_cast %mul3A_121 : i32 to index
        %swap3A_122 = tpu.vector_load %arg29[%swap3A] {strides = array<i32>} : memref<2000xf32, #tpu.memory_space<vmem>>, vector<16xf32>,
        tpu.vector_store %arg29[%swap3A], %mul3A_119 {strides = array<i32>} : memref<2000xf32, #tpu.memory_space<vmem>>, vector<16xf32>,
        %scan3A_123 = arith.constant 0 : i32
        scf.yield %scan3A_123 : i32
      }
      %scan3A_105 = arith.constant 125 : i32
      %mul3A_106 = arith.constant 320000 : i32
      %mul3A_107 = arith.muli %arg0, %mul3A_106 : i32
      %add3A_108 = arith.addi %mul3A_107, %add3A : i32
      "tpu.region"() ({
        %run_scoped3A = tpu.sem_alloc : memref<!tpu.dma_semaphore, #tpu.memory_space<semaphore_mem>>
        %dma_start3A = tpu.memref_slice %arg9[%add3A_108] : memref<640016xf32, #tpu.memory_space<hbm>> -> memref<2000xf32, #tpu.memory_space<hbm>>
        %dma_start3A_110 = tpu.memref_slice %arg9[%add3A_108] : memref<640016xf32, #tpu.memory_space<hbm>> -> memref<2000xf32, #tpu.memory_space<hbm>>
        tpu.enqueue_dma source(%arg29 : memref<2000xf32, #tpu.memory_space<vmem>>) target(%dma_start3A_110 : memref<2000xf32, #tpu.memory_space<hbm>>) target_semaphore(%run_scoped3A : memref<!tpu.dma_semaphore, #tpu.memory_space<semaphore_mem>>)
        %dma_wait3A = tpu.memref_slice %arg9[%add3A_108] : memref<640016xf32, #tpu.memory_space<hbm>> -> memref<2000xf32, #tpu.memory_space<hbm>>
        %dma_wait3A_111 = tpu.memref_slice %arg9[%add3A_108] : memref<640016xf32, #tpu.memory_space<hbm>> -> memref<2000xf32, #tpu.memory_space<hbm>>
        tpu.wait_dma2 semaphore(%run_scoped3A : memref<!tpu.dma_semaphore, #tpu.memory_space<semaphore_mem>>) src(%arg29 : memref<2000xf32, #tpu.memory_space<vmem>>) dst(%dma_wait3A_111 : memref<2000xf32, #tpu.memory_space<hbm>>)
        tpu.yield
      }) : () -> ()
      %scan3A_109 = arith.constant 0 : i32
      scf.yield %scan3A_109 : i32
    }
    %scan3A_76 = arith.constant 10 : i32
    %scan3A_77 = arith.constant 0 : i32
    %scan3A_78 = arith.constant 0 : i32
    %scan3A_79 = arith.constant 10 : i32
    %scan3A_80 = arith.addi %scan3A_78, %scan3A_79 : i32
    %scan3A_81 = arith.constant 1 : i32
    %scan3A_82 = scf.for %scan3A_92 = %scan3A_78 to %scan3A_80 step %scan3A_81 iter_args(%scan3A_93 = %scan3A_77) -> (i32)  : i32 {
      %mul3A_94 = arith.constant 640 : i32
      %mul3A_95 = arith.muli %arg1, %mul3A_94 : i32
      %mul3A_96 = arith.constant 64 : i32
      %mul3A_97 = arith.muli %scan3A_92, %mul3A_96 : i32
      %add3A = arith.addi %mul3A_95, %mul3A_97 : i32
      %mul3A_98 = arith.constant 10240 : i32
      %mul3A_99 = arith.muli %arg0, %mul3A_98 : i32
      %add3A_100 = arith.addi %mul3A_99, %add3A : i32
      "tpu.region"() ({
        %run_scoped3A = tpu.sem_alloc : memref<!tpu.dma_semaphore, #tpu.memory_space<semaphore_mem>>
        %dma_start3A = arith.constant 0 : i32
        %dma_start3A_102 = tpu.memref_slice %arg2[%add3A_100, %dma_start3A] : memref<20480x64xf32, #tpu.memory_space<hbm>> -> memref<64x64xf32, #tpu.memory_space<hbm>>
        %dma_start3A_103 = arith.constant 0 : i32
        %dma_start3A_104 = tpu.memref_slice %arg2[%add3A_100, %dma_start3A_103] : memref<20480x64xf32, #tpu.memory_space<hbm>> -> memref<64x64xf32, #tpu.memory_space<hbm>>
        tpu.enqueue_dma source(%dma_start3A_104 : memref<64x64xf32, #tpu.memory_space<hbm>>) target(%arg32 : memref<64x64xf32, #tpu.memory_space<vmem>>) target_semaphore(%run_scoped3A : memref<!tpu.dma_semaphore, #tpu.memory_space<semaphore_mem>>)
        %dma_wait3A = arith.constant 0 : i32
        %dma_wait3A_105 = tpu.memref_slice %arg2[%add3A_100, %dma_wait3A] : memref<20480x64xf32, #tpu.memory_space<hbm>> -> memref<64x64xf32, #tpu.memory_space<hbm>>
        %dma_wait3A_106 = arith.constant 0 : i32
        %dma_wait3A_107 = tpu.memref_slice %arg2[%add3A_100, %dma_wait3A_106] : memref<20480x64xf32, #tpu.memory_space<hbm>> -> memref<64x64xf32, #tpu.memory_space<hbm>>
        tpu.wait_dma2 semaphore(%run_scoped3A : memref<!tpu.dma_semaphore, #tpu.memory_space<semaphore_mem>>) src(%dma_wait3A_107 : memref<64x64xf32, #tpu.memory_space<hbm>>) dst(%arg32 : memref<64x64xf32, #tpu.memory_space<vmem>>)
        tpu.yield
      }) : () -> ()
      "tpu.region"() ({
        %run_scoped3A = tpu.sem_alloc : memref<!tpu.dma_semaphore, #tpu.memory_space<semaphore_mem>>
        %dma_start3A = arith.constant 0 : i32
        %dma_start3A_102 = tpu.memref_slice %arg7[%add3A_100, %dma_start3A] : memref<20480x64xf32, #tpu.memory_space<hbm>> -> memref<64x64xf32, #tpu.memory_space<hbm>>
        %dma_start3A_103 = arith.constant 0 : i32
        %dma_start3A_104 = tpu.memref_slice %arg7[%add3A_100, %dma_start3A_103] : memref<20480x64xf32, #tpu.memory_space<hbm>> -> memref<64x64xf32, #tpu.memory_space<hbm>>
        tpu.enqueue_dma source(%arg32 : memref<64x64xf32, #tpu.memory_space<vmem>>) target(%dma_start3A_104 : memref<64x64xf32, #tpu.memory_space<hbm>>) target_semaphore(%run_scoped3A : memref<!tpu.dma_semaphore, #tpu.memory_space<semaphore_mem>>)
        %dma_wait3A = arith.constant 0 : i32
        %dma_wait3A_105 = tpu.memref_slice %arg7[%add3A_100, %dma_wait3A] : memref<20480x64xf32, #tpu.memory_space<hbm>> -> memref<64x64xf32, #tpu.memory_space<hbm>>
        %dma_wait3A_106 = arith.constant 0 : i32
        %dma_wait3A_107 = tpu.memref_slice %arg7[%add3A_100, %dma_wait3A_106] : memref<20480x64xf32, #tpu.memory_space<hbm>> -> memref<64x64xf32, #tpu.memory_space<hbm>>
        tpu.wait_dma2 semaphore(%run_scoped3A : memref<!tpu.dma_semaphore, #tpu.memory_space<semaphore_mem>>) src(%arg32 : memref<64x64xf32, #tpu.memory_space<vmem>>) dst(%dma_wait3A_107 : memref<64x64xf32, #tpu.memory_space<hbm>>)
        tpu.yield
      }) : () -> ()
      "tpu.region"() ({
        %run_scoped3A = tpu.sem_alloc : memref<!tpu.dma_semaphore, #tpu.memory_space<semaphore_mem>>
        %dma_start3A = arith.constant 0 : i32
        %dma_start3A_102 = tpu.memref_slice %arg37[%add3A, %dma_start3A] : memref<10256x64xf32, #tpu.memory_space<vmem_shared>> -> memref<64x64xf32, #tpu.memory_space<vmem_shared>>
        %dma_start3A_103 = arith.constant 0 : i32
        %dma_start3A_104 = tpu.memref_slice %arg37[%add3A, %dma_start3A_103] : memref<10256x64xf32, #tpu.memory_space<vmem_shared>> -> memref<64x64xf32, #tpu.memory_space<vmem_shared>>
        tpu.enqueue_dma source(%arg34 : memref<64x64xf32, #tpu.memory_space<vmem>>) target(%dma_start3A_104 : memref<64x64xf32, #tpu.memory_space<vmem_shared>>) target_semaphore(%run_scoped3A : memref<!tpu.dma_semaphore, #tpu.memory_space<semaphore_mem>>)
        %dma_wait3A = arith.constant 0 : i32
        %dma_wait3A_105 = tpu.memref_slice %arg37[%add3A, %dma_wait3A] : memref<10256x64xf32, #tpu.memory_space<vmem_shared>> -> memref<64x64xf32, #tpu.memory_space<vmem_shared>>
        %dma_wait3A_106 = arith.constant 0 : i32
        %dma_wait3A_107 = tpu.memref_slice %arg37[%add3A, %dma_wait3A_106] : memref<10256x64xf32, #tpu.memory_space<vmem_shared>> -> memref<64x64xf32, #tpu.memory_space<vmem_shared>>
        tpu.wait_dma2 semaphore(%run_scoped3A : memref<!tpu.dma_semaphore, #tpu.memory_space<semaphore_mem>>) src(%arg34 : memref<64x64xf32, #tpu.memory_space<vmem>>) dst(%dma_wait3A_107 : memref<64x64xf32, #tpu.memory_space<vmem_shared>>)
        tpu.yield
      }) : () -> ()
      %scan3A_101 = arith.constant 0 : i32
      scf.yield %scan3A_101 : i32
    }
    %scan3A_83 = arith.constant 10 : i32
    %barrier3A_84 = arith.constant 0 : index
    tpu.barrier barrier_id(%barrier3A_84)
    %scan3A_85 = arith.constant 0 : i32
    %scan3A_86 = arith.constant 0 : i32
    %scan3A_87 = arith.constant 20 : i32
    %scan3A_88 = arith.addi %scan3A_86, %scan3A_87 : i32
    %scan3A_89 = arith.constant 1 : i32
    %scan3A_90 = scf.for %scan3A_92 = %scan3A_86 to %scan3A_88 step %scan3A_89 iter_args(%scan3A_93 = %scan3A_85) -> (i32)  : i32 {
      %add3A = arith.constant 0 : i32
      %add3A_94 = arith.addi %mul3A_0, %add3A : i32
      "tpu.region"() ({
        %run_scoped3A = tpu.sem_alloc : memref<!tpu.dma_semaphore, #tpu.memory_space<semaphore_mem>>
        %dma_start3A_139 = tpu.memref_slice %arg5[%add3A_94] : memref<320016xi32, #tpu.memory_space<hbm>> -> memref<2000xi32, #tpu.memory_space<hbm>>
        %dma_start3A_140 = tpu.memref_slice %arg5[%add3A_94] : memref<320016xi32, #tpu.memory_space<hbm>> -> memref<2000xi32, #tpu.memory_space<hbm>>
        tpu.enqueue_dma source(%dma_start3A_140 : memref<2000xi32, #tpu.memory_space<hbm>>) target(%arg25 : memref<2000xi32, #tpu.memory_space<vmem>>) target_semaphore(%run_scoped3A : memref<!tpu.dma_semaphore, #tpu.memory_space<semaphore_mem>>)
        %dma_wait3A_141 = tpu.memref_slice %arg5[%add3A_94] : memref<320016xi32, #tpu.memory_space<hbm>> -> memref<2000xi32, #tpu.memory_space<hbm>>
        %dma_wait3A_142 = tpu.memref_slice %arg5[%add3A_94] : memref<320016xi32, #tpu.memory_space<hbm>> -> memref<2000xi32, #tpu.memory_space<hbm>>
        tpu.wait_dma2 semaphore(%run_scoped3A : memref<!tpu.dma_semaphore, #tpu.memory_space<semaphore_mem>>) src(%dma_wait3A_142 : memref<2000xi32, #tpu.memory_space<hbm>>) dst(%arg25 : memref<2000xi32, #tpu.memory_space<vmem>>)
        tpu.yield
      }) : () -> ()
      "tpu.region"() ({
        %run_scoped3A = tpu.sem_alloc : memref<!tpu.dma_semaphore, #tpu.memory_space<semaphore_mem>>
        %dma_start3A_139 = tpu.memref_slice %arg4[%add3A_94] : memref<320016xi32, #tpu.memory_space<hbm>> -> memref<2000xi32, #tpu.memory_space<hbm>>
        %dma_start3A_140 = tpu.memref_slice %arg4[%add3A_94] : memref<320016xi32, #tpu.memory_space<hbm>> -> memref<2000xi32, #tpu.memory_space<hbm>>
        tpu.enqueue_dma source(%dma_start3A_140 : memref<2000xi32, #tpu.memory_space<hbm>>) target(%arg26 : memref<2000xi32, #tpu.memory_space<vmem>>) target_semaphore(%run_scoped3A : memref<!tpu.dma_semaphore, #tpu.memory_space<semaphore_mem>>)
        %dma_wait3A_141 = tpu.memref_slice %arg4[%add3A_94] : memref<320016xi32, #tpu.memory_space<hbm>> -> memref<2000xi32, #tpu.memory_space<hbm>>
        %dma_wait3A_142 = tpu.memref_slice %arg4[%add3A_94] : memref<320016xi32, #tpu.memory_space<hbm>> -> memref<2000xi32, #tpu.memory_space<hbm>>
        tpu.wait_dma2 semaphore(%run_scoped3A : memref<!tpu.dma_semaphore, #tpu.memory_space<semaphore_mem>>) src(%dma_wait3A_142 : memref<2000xi32, #tpu.memory_space<hbm>>) dst(%arg26 : memref<2000xi32, #tpu.memory_space<vmem>>)
        tpu.yield
      }) : () -> ()
      %mul3A_95 = arith.constant 320000 : i32
      %mul3A_96 = arith.muli %arg0, %mul3A_95 : i32
      %add3A_97 = arith.addi %mul3A_96, %add3A_94 : i32
      "tpu.region"() ({
        %run_scoped3A = tpu.sem_alloc : memref<!tpu.dma_semaphore, #tpu.memory_space<semaphore_mem>>
        %dma_start3A_139 = arith.constant 0 : i32
        %dma_start3A_140 = tpu.memref_slice %arg27[%dma_start3A_139] : memref<2016xf32, #tpu.memory_space<vmem>> -> memref<2000xf32, #tpu.memory_space<vmem>>
        %dma_start3A_141 = tpu.memref_slice %arg9[%add3A_97] : memref<640016xf32, #tpu.memory_space<hbm>> -> memref<2000xf32, #tpu.memory_space<hbm>>
        %dma_start3A_142 = arith.constant 0 : i32
        %dma_start3A_143 = tpu.memref_slice %arg27[%dma_start3A_142] : memref<2016xf32, #tpu.memory_space<vmem>> -> memref<2000xf32, #tpu.memory_space<vmem>>
        %dma_start3A_144 = tpu.memref_slice %arg9[%add3A_97] : memref<640016xf32, #tpu.memory_space<hbm>> -> memref<2000xf32, #tpu.memory_space<hbm>>
        tpu.enqueue_dma source(%dma_start3A_144 : memref<2000xf32, #tpu.memory_space<hbm>>) target(%dma_start3A_143 : memref<2000xf32, #tpu.memory_space<vmem>>) target_semaphore(%run_scoped3A : memref<!tpu.dma_semaphore, #tpu.memory_space<semaphore_mem>>)
        %dma_wait3A_145 = arith.constant 0 : i32
        %dma_wait3A_146 = tpu.memref_slice %arg27[%dma_wait3A_145] : memref<2016xf32, #tpu.memory_space<vmem>> -> memref<2000xf32, #tpu.memory_space<vmem>>
        %dma_wait3A_147 = tpu.memref_slice %arg9[%add3A_97] : memref<640016xf32, #tpu.memory_space<hbm>> -> memref<2000xf32, #tpu.memory_space<hbm>>
        %dma_wait3A_148 = arith.constant 0 : i32
        %dma_wait3A_149 = tpu.memref_slice %arg27[%dma_wait3A_148] : memref<2016xf32, #tpu.memory_space<vmem>> -> memref<2000xf32, #tpu.memory_space<vmem>>
        %dma_wait3A_150 = tpu.memref_slice %arg9[%add3A_97] : memref<640016xf32, #tpu.memory_space<hbm>> -> memref<2000xf32, #tpu.memory_space<hbm>>
        tpu.wait_dma2 semaphore(%run_scoped3A : memref<!tpu.dma_semaphore, #tpu.memory_space<semaphore_mem>>) src(%dma_wait3A_150 : memref<2000xf32, #tpu.memory_space<hbm>>) dst(%dma_wait3A_149 : memref<2000xf32, #tpu.memory_space<vmem>>)
        tpu.yield
      }) : () -> ()
      %scan3A_98 = arith.constant 0 : i32
      %scan3A_99 = arith.constant 0 : i32
      %scan3A_100 = arith.constant 125 : i32
      %scan3A_101 = arith.addi %scan3A_99, %scan3A_100 : i32
      %scan3A_102 = arith.constant 1 : i32
      %scan3A_103 = scf.for %scan3A_139 = %scan3A_99 to %scan3A_101 step %scan3A_102 iter_args(%scan3A_140 = %scan3A_98) -> (i32)  : i32 {
        %mul3A_141 = arith.constant 16 : i32
        %mul3A_142 = arith.muli %scan3A_139, %mul3A_141 : i32
        %get3A_143 = arith.index_cast %mul3A_142 : i32 to index
        %get3A_144 = tpu.vector_load %arg25[%get3A_143] {strides = array<i32>} : memref<2000xi32, #tpu.memory_space<vmem>>, vector<16xi32>,
        %mul3A_145 = arith.constant 10240 : i32
        %mul3A_146 = arith.muli %arg0, %mul3A_145 : i32
        %add3A_147 = vector.broadcast %mul3A_146 : i32 to vector<16xi32>
        %add3A_148 = arith.addi %get3A_144, %add3A_147 : vector<16xi32>
        %mul3A_149 = arith.constant 16 : i32
        %mul3A_150 = arith.muli %scan3A_139, %mul3A_149 : i32
        %swap3A_151 = arith.index_cast %mul3A_150 : i32 to index
        %swap3A_152 = tpu.vector_load %arg25[%swap3A_151] {strides = array<i32>} : memref<2000xi32, #tpu.memory_space<vmem>>, vector<16xi32>,
        tpu.vector_store %arg25[%swap3A_151], %add3A_148 {strides = array<i32>} : memref<2000xi32, #tpu.memory_space<vmem>>, vector<16xi32>,
        %scan3A_153 = arith.constant 0 : i32
        scf.yield %scan3A_153 : i32
      }
      %scan3A_104 = arith.constant 125 : i32
      %scan3A_105 = arith.constant 0 : i32
      %scan3A_106 = arith.constant 0 : i32
      %scan3A_107 = arith.constant 12 : i32
      %scan3A_108 = arith.addi %scan3A_106, %scan3A_107 : i32
      %scan3A_109 = arith.constant 1 : i32
      %scan3A_110 = scf.for %scan3A_139 = %scan3A_106 to %scan3A_108 step %scan3A_109 iter_args(%scan3A_140 = %scan3A_105) -> (i32)  : i32 {
        %mul3A_141 = arith.constant 16 : i32
        %mul3A_142 = arith.muli %scan3A_139, %mul3A_141 : i32
        %add3A_143 = arith.constant 0 : i32
        %add3A_144 = arith.addi %add3A_143, %mul3A_142 : i32
        %get3A_145 = arith.index_cast %add3A_144 : i32 to index
        %get3A_146 = tpu.vector_load %arg25[%get3A_145] {strides = array<i32>} : memref<2000xi32, #tpu.memory_space<vmem>>, vector<16xi32>,
        %mul3A_147 = arith.constant 16 : i32
        %mul3A_148 = arith.muli %scan3A_139, %mul3A_147 : i32
        %swap3A_149 = arith.index_cast %mul3A_148 : i32 to index
        %swap3A_150 = tpu.vector_load %arg21[%swap3A_149] {strides = array<i32>} : memref<200xi32, #tpu.memory_space<vmem>>, vector<16xi32>,
        tpu.vector_store %arg21[%swap3A_149], %get3A_146 {strides = array<i32>} : memref<200xi32, #tpu.memory_space<vmem>>, vector<16xi32>,
        %mul3A_151 = arith.constant 16 : i32
        %mul3A_152 = arith.muli %scan3A_139, %mul3A_151 : i32
        %add3A_153 = arith.constant 0 : i32
        %add3A_154 = arith.addi %add3A_153, %mul3A_152 : i32
        %get3A_155 = arith.index_cast %add3A_154 : i32 to index
        %get3A_156 = tpu.vector_load %arg26[%get3A_155] {strides = array<i32>} : memref<2000xi32, #tpu.memory_space<vmem>>, vector<16xi32>,
        %mul3A_157 = arith.constant 16 : i32
        %mul3A_158 = arith.muli %scan3A_139, %mul3A_157 : i32
        %swap3A_159 = arith.index_cast %mul3A_158 : i32 to index
        %swap3A_160 = tpu.vector_load %arg23[%swap3A_159] {strides = array<i32>} : memref<200xi32, #tpu.memory_space<vmem>>, vector<16xi32>,
        tpu.vector_store %arg23[%swap3A_159], %get3A_156 {strides = array<i32>} : memref<200xi32, #tpu.memory_space<vmem>>, vector<16xi32>,
        %scan3A_161 = arith.constant 0 : i32
        scf.yield %scan3A_161 : i32
      }
      %scan3A_111 = arith.constant 12 : i32
      %get3A = arith.constant 184 : index
      %get3A_112 = tpu.vector_load %arg25[%get3A] {strides = array<i32>} : memref<2000xi32, #tpu.memory_space<vmem>>, vector<16xi32>,
      %swap3A = arith.constant 184 : index
      %swap3A_113 = tpu.vector_load %arg21[%swap3A] {strides = array<i32>} : memref<200xi32, #tpu.memory_space<vmem>>, vector<16xi32>,
      tpu.vector_store %arg21[%swap3A], %get3A_112 {strides = array<i32>} : memref<200xi32, #tpu.memory_space<vmem>>, vector<16xi32>,
      %get3A_114 = arith.constant 184 : index
      %get3A_115 = tpu.vector_load %arg26[%get3A_114] {strides = array<i32>} : memref<2000xi32, #tpu.memory_space<vmem>>, vector<16xi32>,
      %swap3A_116 = arith.constant 184 : index
      %swap3A_117 = tpu.vector_load %arg23[%swap3A_116] {strides = array<i32>} : memref<200xi32, #tpu.memory_space<vmem>>, vector<16xi32>,
      tpu.vector_store %arg23[%swap3A_116], %get3A_115 {strides = array<i32>} : memref<200xi32, #tpu.memory_space<vmem>>, vector<16xi32>,
      %dma_start3A = arith.constant 0 : i32
      %dma_start3A_118 = arith.constant 0 : i32
      %dma_start3A_119 = tpu.memref_slice %arg7[%dma_start3A, %dma_start3A_118] : memref<20480x64xf32, #tpu.memory_space<hbm>> -> memref<20480x64xf32, #tpu.memory_space<hbm>>
      tpu.enqueue_indirect_dma source(%dma_start3A_119 : memref<20480x64xf32, #tpu.memory_space<hbm>>) target(%arg13 : memref<200x64xf32, #tpu.memory_space<vmem>>) offsets(%arg21 : memref<200xi32, #tpu.memory_space<vmem>>) semaphore(%arg41 : memref<!tpu.dma_semaphore, #tpu.memory_space<semaphore_mem>>)
      %scan3A_120 = arith.constant 0 : i32
      %scan3A_121 = arith.constant 0 : i32
      %scan3A_122 = arith.constant 50 : i32
      %scan3A_123 = arith.addi %scan3A_121, %scan3A_122 : i32
      %scan3A_124 = arith.constant 1 : i32
      %scan3A_125 = scf.for %scan3A_139 = %scan3A_121 to %scan3A_123 step %scan3A_124 iter_args(%scan3A_140 = %scan3A_120) -> (i32)  : i32 {
        %mul3A_141 = arith.constant 2 : i32
        %mul3A_142 = arith.muli %mul3A_141, %scan3A_139 : i32
        %dma_wait3A_143 = arith.constant 0 : i32
        %dma_wait3A_144 = arith.constant 0 : i32
        %dma_wait3A_145 = tpu.memref_slice %arg7[%dma_wait3A_143, %dma_wait3A_144] : memref<20480x64xf32, #tpu.memory_space<hbm>> -> memref<20480x64xf32, #tpu.memory_space<hbm>>
        tpu.wait_indirect_dma semaphore(%arg41 : memref<!tpu.dma_semaphore, #tpu.memory_space<semaphore_mem>>) src(%dma_wait3A_145 : memref<20480x64xf32, #tpu.memory_space<hbm>>) dst(%arg13 : memref<200x64xf32, #tpu.memory_space<vmem>>)
        %rem3A = arith.constant 10 : i32
        %rem3A_146 = arith.remsi %mul3A_142, %rem3A : i32
        %mul3A_147 = arith.constant 200 : i32
        %mul3A_148 = arith.muli %rem3A_146, %mul3A_147 : i32
        %scan3A_149 = arith.constant 0 : i32
        %scan3A_150 = arith.constant 0 : i32
        %scan3A_151 = arith.constant 12 : i32
        %scan3A_152 = arith.addi %scan3A_150, %scan3A_151 : i32
        %scan3A_153 = arith.constant 1 : i32
        %scan3A_154 = scf.for %scan3A_278 = %scan3A_150 to %scan3A_152 step %scan3A_153 iter_args(%scan3A_279 = %scan3A_149) -> (i32)  : i32 {
          %mul3A_280 = arith.constant 16 : i32
          %mul3A_281 = arith.muli %scan3A_278, %mul3A_280 : i32
          %add3A_282 = arith.addi %mul3A_148, %mul3A_281 : i32
          %get3A_283 = arith.index_cast %add3A_282 : i32 to index
          %get3A_284 = tpu.vector_load %arg27[%get3A_283] {strides = array<i32>} : memref<2016xf32, #tpu.memory_space<vmem>>, vector<16xf32>,
          %mul3A_285 = arith.constant 16 : i32
          %mul3A_286 = arith.muli %scan3A_278, %mul3A_285 : i32
          %iota3A_287 = tpu.iota {dimensions = array<i32: 0>} : vector<16xi32>
          %add3A_288 = vector.broadcast %mul3A_286 : i32 to vector<16xi32>
          %add3A_289 = arith.addi %add3A_288, %iota3A_287 : vector<16xi32>
          %iota3A_290 = tpu.iota {dimensions = array<i32: 0>} : vector<16xi32>
          %add3A_291 = arith.constant 0 : i32
          %add3A_292 = vector.broadcast %add3A_291 : i32 to vector<16xi32>
          %add3A_293 = arith.addi %iota3A_290, %add3A_292 : vector<16xi32>
          %gather3A_294 = tpu.vector_load_idx %arg13[%add3A_289, %add3A_293] : memref<200x64xf32, #tpu.memory_space<vmem>>[vector<16xi32>, vector<16xi32>], vector<16xf32>,
          %mul3A_295 = arith.mulf %gather3A_294, %get3A_284 : vector<16xf32>
          tpu.vector_store_idx %arg13[%add3A_289, %add3A_293], %mul3A_295 : memref<200x64xf32, #tpu.memory_space<vmem>>[vector<16xi32>, vector<16xi32>], vector<16xf32>,
          %iota3A_296 = tpu.iota {dimensions = array<i32: 0>} : vector<16xi32>
          %add3A_297 = arith.constant 16 : i32
          %add3A_298 = vector.broadcast %add3A_297 : i32 to vector<16xi32>
          %add3A_299 = arith.addi %iota3A_296, %add3A_298 : vector<16xi32>
          %gather3A_300 = tpu.vector_load_idx %arg13[%add3A_289, %add3A_299] : memref<200x64xf32, #tpu.memory_space<vmem>>[vector<16xi32>, vector<16xi32>], vector<16xf32>,
          %mul3A_301 = arith.mulf %gather3A_300, %get3A_284 : vector<16xf32>
          tpu.vector_store_idx %arg13[%add3A_289, %add3A_299], %mul3A_301 : memref<200x64xf32, #tpu.memory_space<vmem>>[vector<16xi32>, vector<16xi32>], vector<16xf32>,
          %iota3A_302 = tpu.iota {dimensions = array<i32: 0>} : vector<16xi32>
          %add3A_303 = arith.constant 32 : i32
          %add3A_304 = vector.broadcast %add3A_303 : i32 to vector<16xi32>
          %add3A_305 = arith.addi %iota3A_302, %add3A_304 : vector<16xi32>
          %gather3A_306 = tpu.vector_load_idx %arg13[%add3A_289, %add3A_305] : memref<200x64xf32, #tpu.memory_space<vmem>>[vector<16xi32>, vector<16xi32>], vector<16xf32>,
          %mul3A_307 = arith.mulf %gather3A_306, %get3A_284 : vector<16xf32>
          tpu.vector_store_idx %arg13[%add3A_289, %add3A_305], %mul3A_307 : memref<200x64xf32, #tpu.memory_space<vmem>>[vector<16xi32>, vector<16xi32>], vector<16xf32>,
          %iota3A_308 = tpu.iota {dimensions = array<i32: 0>} : vector<16xi32>
          %add3A_309 = arith.constant 48 : i32
          %add3A_310 = vector.broadcast %add3A_309 : i32 to vector<16xi32>
          %add3A_311 = arith.addi %iota3A_308, %add3A_310 : vector<16xi32>
          %gather3A_312 = tpu.vector_load_idx %arg13[%add3A_289, %add3A_311] : memref<200x64xf32, #tpu.memory_space<vmem>>[vector<16xi32>, vector<16xi32>], vector<16xf32>,
          %mul3A_313 = arith.mulf %gather3A_312, %get3A_284 : vector<16xf32>
          tpu.vector_store_idx %arg13[%add3A_289, %add3A_311], %mul3A_313 : memref<200x64xf32, #tpu.memory_space<vmem>>[vector<16xi32>, vector<16xi32>], vector<16xf32>,
          %scan3A_314 = arith.constant 0 : i32
          scf.yield %scan3A_314 : i32
        }
        %scan3A_155 = arith.constant 12 : i32
        %iota3A = tpu.iota {dimensions = array<i32: 0>} : vector<16xi32>
        %add3A_156 = arith.constant 200 : i32
        %add3A_157 = arith.addi %mul3A_148, %add3A_156 : i32
        %sub3A = arith.constant 8 : i32
        %sub3A_158 = arith.subi %add3A_157, %sub3A : i32
        %get3A_159 = arith.index_cast %sub3A_158 : i32 to index
        %get3A_160 = tpu.vector_load %arg27[%get3A_159] {strides = array<i32>} : memref<2016xf32, #tpu.memory_space<vmem>>, vector<16xf32>,
        %lt3A_161 = arith.constant 8 : i32
        %lt3A_162 = vector.broadcast %lt3A_161 : i32 to vector<16xi32>
        %lt3A_163 = arith.cmpi slt, %iota3A, %lt3A_162 : vector<16xi32>
        %add3A_164 = arith.constant 192 : i32
        %add3A_165 = vector.broadcast %add3A_164 : i32 to vector<16xi32>
        %add3A_166 = arith.addi %add3A_165, %iota3A : vector<16xi32>
        %jit3A = arith.constant 0 : i32
        %broadcast_in_dim3A = vector.broadcast %jit3A : i32 to vector<16xi32>
        %select_n3A = arith.select %lt3A_163, %add3A_166, %broadcast_in_dim3A : vector<16xi1>, vector<16xi32>
        %iota3A_167 = tpu.iota {dimensions = array<i32: 0>} : vector<16xi32>
        %add3A_168 = arith.constant 0 : i32
        %add3A_169 = vector.broadcast %add3A_168 : i32 to vector<16xi32>
        %add3A_170 = arith.addi %iota3A_167, %add3A_169 : vector<16xi32>
        %gather3A = tpu.vector_load_idx %arg13[%select_n3A, %add3A_170] masked %lt3A_163 : memref<200x64xf32, #tpu.memory_space<vmem>>[vector<16xi32>, vector<16xi32>], vector<16xf32>, vector<16xi1>
        %mul3A_171 = arith.mulf %gather3A, %get3A_160 : vector<16xf32>
        tpu.vector_store_idx %arg13[%select_n3A, %add3A_170], %mul3A_171 masked %lt3A_163 : memref<200x64xf32, #tpu.memory_space<vmem>>[vector<16xi32>, vector<16xi32>], vector<16xf32>, vector<16xi1>
        %iota3A_172 = tpu.iota {dimensions = array<i32: 0>} : vector<16xi32>
        %add3A_173 = arith.constant 16 : i32
        %add3A_174 = vector.broadcast %add3A_173 : i32 to vector<16xi32>
        %add3A_175 = arith.addi %iota3A_172, %add3A_174 : vector<16xi32>
        %gather3A_176 = tpu.vector_load_idx %arg13[%select_n3A, %add3A_175] masked %lt3A_163 : memref<200x64xf32, #tpu.memory_space<vmem>>[vector<16xi32>, vector<16xi32>], vector<16xf32>, vector<16xi1>
        %mul3A_177 = arith.mulf %gather3A_176, %get3A_160 : vector<16xf32>
        tpu.vector_store_idx %arg13[%select_n3A, %add3A_175], %mul3A_177 masked %lt3A_163 : memref<200x64xf32, #tpu.memory_space<vmem>>[vector<16xi32>, vector<16xi32>], vector<16xf32>, vector<16xi1>
        %iota3A_178 = tpu.iota {dimensions = array<i32: 0>} : vector<16xi32>
        %add3A_179 = arith.constant 32 : i32
        %add3A_180 = vector.broadcast %add3A_179 : i32 to vector<16xi32>
        %add3A_181 = arith.addi %iota3A_178, %add3A_180 : vector<16xi32>
        %gather3A_182 = tpu.vector_load_idx %arg13[%select_n3A, %add3A_181] masked %lt3A_163 : memref<200x64xf32, #tpu.memory_space<vmem>>[vector<16xi32>, vector<16xi32>], vector<16xf32>, vector<16xi1>
        %mul3A_183 = arith.mulf %gather3A_182, %get3A_160 : vector<16xf32>
        tpu.vector_store_idx %arg13[%select_n3A, %add3A_181], %mul3A_183 masked %lt3A_163 : memref<200x64xf32, #tpu.memory_space<vmem>>[vector<16xi32>, vector<16xi32>], vector<16xf32>, vector<16xi1>
        %iota3A_184 = tpu.iota {dimensions = array<i32: 0>} : vector<16xi32>
        %add3A_185 = arith.constant 48 : i32
        %add3A_186 = vector.broadcast %add3A_185 : i32 to vector<16xi32>
        %add3A_187 = arith.addi %iota3A_184, %add3A_186 : vector<16xi32>
        %gather3A_188 = tpu.vector_load_idx %arg13[%select_n3A, %add3A_187] masked %lt3A_163 : memref<200x64xf32, #tpu.memory_space<vmem>>[vector<16xi32>, vector<16xi32>], vector<16xf32>, vector<16xi1>
        %mul3A_189 = arith.mulf %gather3A_188, %get3A_160 : vector<16xf32>
        tpu.vector_store_idx %arg13[%select_n3A, %add3A_187], %mul3A_189 masked %lt3A_163 : memref<200x64xf32, #tpu.memory_space<vmem>>[vector<16xi32>, vector<16xi32>], vector<16xf32>, vector<16xi1>
        %gt3A = arith.constant 0 : i32
        %gt3A_190 = arith.cmpi sgt, %mul3A_142, %gt3A : i32
        %convert_element_type3A_191 = arith.extui %gt3A_190 : i1 to i32
        %cond3A_192 = arith.constant 0 : i32
        %cond3A_193 = arith.cmpi ne, %convert_element_type3A_191, %cond3A_192 : i32
        scf.if %cond3A_193 {
          %dma_wait3A_278 = arith.constant 0 : i32
          %dma_wait3A_279 = arith.constant 0 : i32
          %dma_wait3A_280 = tpu.memref_slice %arg37[%dma_wait3A_278, %dma_wait3A_279] : memref<10256x64xf32, #tpu.memory_space<vmem_shared>> -> memref<10256x64xf32, #tpu.memory_space<vmem_shared>>
          tpu.wait_indirect_dma semaphore(%arg46 : memref<!tpu.dma_semaphore, #tpu.memory_space<semaphore_mem>>) src(%arg14 : memref<200x64xf32, #tpu.memory_space<vmem>>) dst(%dma_wait3A_280 : memref<10256x64xf32, #tpu.memory_space<vmem_shared>>)
        } else {
        }
        %add3A_194 = arith.constant 1 : i32
        %add3A_195 = arith.addi %mul3A_142, %add3A_194 : i32
        %lt3A_196 = arith.constant 100 : i32
        %lt3A_197 = arith.cmpi slt, %add3A_195, %lt3A_196 : i32
        %convert_element_type3A_198 = arith.extui %lt3A_197 : i1 to i32
        %cond3A_199 = arith.constant 0 : i32
        %cond3A_200 = arith.cmpi ne, %convert_element_type3A_198, %cond3A_199 : i32
        scf.if %cond3A_200 {
          %add3A_278 = arith.constant 1 : i32
          %add3A_279 = arith.addi %mul3A_142, %add3A_278 : i32
          %rem3A_280 = arith.constant 10 : i32
          %rem3A_281 = arith.remsi %add3A_279, %rem3A_280 : i32
          %eq3A_282 = arith.constant 0 : i32
          %eq3A_283 = arith.cmpi eq, %rem3A_281, %eq3A_282 : i32
          %convert_element_type3A_284 = arith.extui %eq3A_283 : i1 to i32
          %cond3A_285 = arith.constant 0 : i32
          %cond3A_286 = arith.cmpi ne, %convert_element_type3A_284, %cond3A_285 : i32
          scf.if %cond3A_286 {
            %add3A_315 = arith.constant 1 : i32
            %add3A_316 = arith.addi %mul3A_142, %add3A_315 : i32
            %div3A = arith.constant 10 : i32
            %div3A_317 = arith.divsi %add3A_316, %div3A : i32
            %mul3A_318 = arith.constant 2000 : i32
            %mul3A_319 = arith.muli %div3A_317, %mul3A_318 : i32
            %add3A_320 = arith.addi %mul3A_0, %mul3A_319 : i32
            "tpu.region"() ({
              %run_scoped3A = tpu.sem_alloc : memref<!tpu.dma_semaphore, #tpu.memory_space<semaphore_mem>>
              %dma_start3A_331 = tpu.memref_slice %arg5[%add3A_320] : memref<320016xi32, #tpu.memory_space<hbm>> -> memref<2000xi32, #tpu.memory_space<hbm>>
              %dma_start3A_332 = tpu.memref_slice %arg5[%add3A_320] : memref<320016xi32, #tpu.memory_space<hbm>> -> memref<2000xi32, #tpu.memory_space<hbm>>
              tpu.enqueue_dma source(%dma_start3A_332 : memref<2000xi32, #tpu.memory_space<hbm>>) target(%arg25 : memref<2000xi32, #tpu.memory_space<vmem>>) target_semaphore(%run_scoped3A : memref<!tpu.dma_semaphore, #tpu.memory_space<semaphore_mem>>)
              %dma_wait3A_333 = tpu.memref_slice %arg5[%add3A_320] : memref<320016xi32, #tpu.memory_space<hbm>> -> memref<2000xi32, #tpu.memory_space<hbm>>
              %dma_wait3A_334 = tpu.memref_slice %arg5[%add3A_320] : memref<320016xi32, #tpu.memory_space<hbm>> -> memref<2000xi32, #tpu.memory_space<hbm>>
              tpu.wait_dma2 semaphore(%run_scoped3A : memref<!tpu.dma_semaphore, #tpu.memory_space<semaphore_mem>>) src(%dma_wait3A_334 : memref<2000xi32, #tpu.memory_space<hbm>>) dst(%arg25 : memref<2000xi32, #tpu.memory_space<vmem>>)
              tpu.yield
            }) : () -> ()
            "tpu.region"() ({
              %run_scoped3A = tpu.sem_alloc : memref<!tpu.dma_semaphore, #tpu.memory_space<semaphore_mem>>
              %dma_start3A_331 = tpu.memref_slice %arg4[%add3A_320] : memref<320016xi32, #tpu.memory_space<hbm>> -> memref<2000xi32, #tpu.memory_space<hbm>>
              %dma_start3A_332 = tpu.memref_slice %arg4[%add3A_320] : memref<320016xi32, #tpu.memory_space<hbm>> -> memref<2000xi32, #tpu.memory_space<hbm>>
              tpu.enqueue_dma source(%dma_start3A_332 : memref<2000xi32, #tpu.memory_space<hbm>>) target(%arg26 : memref<2000xi32, #tpu.memory_space<vmem>>) target_semaphore(%run_scoped3A : memref<!tpu.dma_semaphore, #tpu.memory_space<semaphore_mem>>)
              %dma_wait3A_333 = tpu.memref_slice %arg4[%add3A_320] : memref<320016xi32, #tpu.memory_space<hbm>> -> memref<2000xi32, #tpu.memory_space<hbm>>
              %dma_wait3A_334 = tpu.memref_slice %arg4[%add3A_320] : memref<320016xi32, #tpu.memory_space<hbm>> -> memref<2000xi32, #tpu.memory_space<hbm>>
              tpu.wait_dma2 semaphore(%run_scoped3A : memref<!tpu.dma_semaphore, #tpu.memory_space<semaphore_mem>>) src(%dma_wait3A_334 : memref<2000xi32, #tpu.memory_space<hbm>>) dst(%arg26 : memref<2000xi32, #tpu.memory_space<vmem>>)
              tpu.yield
            }) : () -> ()
            %mul3A_321 = arith.constant 320000 : i32
            %mul3A_322 = arith.muli %arg0, %mul3A_321 : i32
            %add3A_323 = arith.addi %mul3A_322, %add3A_320 : i32
            "tpu.region"() ({
              %run_scoped3A = tpu.sem_alloc : memref<!tpu.dma_semaphore, #tpu.memory_space<semaphore_mem>>
              %dma_start3A_331 = arith.constant 0 : i32
              %dma_start3A_332 = tpu.memref_slice %arg27[%dma_start3A_331] : memref<2016xf32, #tpu.memory_space<vmem>> -> memref<2000xf32, #tpu.memory_space<vmem>>
              %dma_start3A_333 = tpu.memref_slice %arg9[%add3A_323] : memref<640016xf32, #tpu.memory_space<hbm>> -> memref<2000xf32, #tpu.memory_space<hbm>>
              %dma_start3A_334 = arith.constant 0 : i32
              %dma_start3A_335 = tpu.memref_slice %arg27[%dma_start3A_334] : memref<2016xf32, #tpu.memory_space<vmem>> -> memref<2000xf32, #tpu.memory_space<vmem>>
              %dma_start3A_336 = tpu.memref_slice %arg9[%add3A_323] : memref<640016xf32, #tpu.memory_space<hbm>> -> memref<2000xf32, #tpu.memory_space<hbm>>
              tpu.enqueue_dma source(%dma_start3A_336 : memref<2000xf32, #tpu.memory_space<hbm>>) target(%dma_start3A_335 : memref<2000xf32, #tpu.memory_space<vmem>>) target_semaphore(%run_scoped3A : memref<!tpu.dma_semaphore, #tpu.memory_space<semaphore_mem>>)
              %dma_wait3A_337 = arith.constant 0 : i32
              %dma_wait3A_338 = tpu.memref_slice %arg27[%dma_wait3A_337] : memref<2016xf32, #tpu.memory_space<vmem>> -> memref<2000xf32, #tpu.memory_space<vmem>>
              %dma_wait3A_339 = tpu.memref_slice %arg9[%add3A_323] : memref<640016xf32, #tpu.memory_space<hbm>> -> memref<2000xf32, #tpu.memory_space<hbm>>
              %dma_wait3A_340 = arith.constant 0 : i32
              %dma_wait3A_341 = tpu.memref_slice %arg27[%dma_wait3A_340] : memref<2016xf32, #tpu.memory_space<vmem>> -> memref<2000xf32, #tpu.memory_space<vmem>>
              %dma_wait3A_342 = tpu.memref_slice %arg9[%add3A_323] : memref<640016xf32, #tpu.memory_space<hbm>> -> memref<2000xf32, #tpu.memory_space<hbm>>
              tpu.wait_dma2 semaphore(%run_scoped3A : memref<!tpu.dma_semaphore, #tpu.memory_space<semaphore_mem>>) src(%dma_wait3A_342 : memref<2000xf32, #tpu.memory_space<hbm>>) dst(%dma_wait3A_341 : memref<2000xf32, #tpu.memory_space<vmem>>)
              tpu.yield
            }) : () -> ()
            %scan3A_324 = arith.constant 0 : i32
            %scan3A_325 = arith.constant 0 : i32
            %scan3A_326 = arith.constant 125 : i32
            %scan3A_327 = arith.addi %scan3A_325, %scan3A_326 : i32
            %scan3A_328 = arith.constant 1 : i32
            %scan3A_329 = scf.for %scan3A_331 = %scan3A_325 to %scan3A_327 step %scan3A_328 iter_args(%scan3A_332 = %scan3A_324) -> (i32)  : i32 {
              %mul3A_333 = arith.constant 16 : i32
              %mul3A_334 = arith.muli %scan3A_331, %mul3A_333 : i32
              %get3A_335 = arith.index_cast %mul3A_334 : i32 to index
              %get3A_336 = tpu.vector_load %arg25[%get3A_335] {strides = array<i32>} : memref<2000xi32, #tpu.memory_space<vmem>>, vector<16xi32>,
              %mul3A_337 = arith.constant 10240 : i32
              %mul3A_338 = arith.muli %arg0, %mul3A_337 : i32
              %add3A_339 = vector.broadcast %mul3A_338 : i32 to vector<16xi32>
              %add3A_340 = arith.addi %get3A_336, %add3A_339 : vector<16xi32>
              %mul3A_341 = arith.constant 16 : i32
              %mul3A_342 = arith.muli %scan3A_331, %mul3A_341 : i32
              %swap3A_343 = arith.index_cast %mul3A_342 : i32 to index
              %swap3A_344 = tpu.vector_load %arg25[%swap3A_343] {strides = array<i32>} : memref<2000xi32, #tpu.memory_space<vmem>>, vector<16xi32>,
              tpu.vector_store %arg25[%swap3A_343], %add3A_340 {strides = array<i32>} : memref<2000xi32, #tpu.memory_space<vmem>>, vector<16xi32>,
              %scan3A_345 = arith.constant 0 : i32
              scf.yield %scan3A_345 : i32
            }
            %scan3A_330 = arith.constant 125 : i32
          } else {
          }
          %mul3A_287 = arith.constant 200 : i32
          %mul3A_288 = arith.muli %rem3A_281, %mul3A_287 : i32
          %scan3A_289 = arith.constant 0 : i32
          %scan3A_290 = arith.constant 0 : i32
          %scan3A_291 = arith.constant 12 : i32
          %scan3A_292 = arith.addi %scan3A_290, %scan3A_291 : i32
          %scan3A_293 = arith.constant 1 : i32
          %scan3A_294 = scf.for %scan3A_315 = %scan3A_290 to %scan3A_292 step %scan3A_293 iter_args(%scan3A_316 = %scan3A_289) -> (i32)  : i32 {
            %mul3A_317 = arith.constant 16 : i32
            %mul3A_318 = arith.muli %scan3A_315, %mul3A_317 : i32
            %add3A_319 = arith.addi %mul3A_288, %mul3A_318 : i32
            %get3A_320 = arith.index_cast %add3A_319 : i32 to index
            %get3A_321 = tpu.vector_load %arg25[%get3A_320] {strides = array<i32>} : memref<2000xi32, #tpu.memory_space<vmem>>, vector<16xi32>,
            %mul3A_322 = arith.constant 16 : i32
            %mul3A_323 = arith.muli %scan3A_315, %mul3A_322 : i32
            %swap3A_324 = arith.index_cast %mul3A_323 : i32 to index
            %swap3A_325 = tpu.vector_load %arg22[%swap3A_324] {strides = array<i32>} : memref<200xi32, #tpu.memory_space<vmem>>, vector<16xi32>,
            tpu.vector_store %arg22[%swap3A_324], %get3A_321 {strides = array<i32>} : memref<200xi32, #tpu.memory_space<vmem>>, vector<16xi32>,
            %mul3A_326 = arith.constant 16 : i32
            %mul3A_327 = arith.muli %scan3A_315, %mul3A_326 : i32
            %add3A_328 = arith.addi %mul3A_288, %mul3A_327 : i32
            %get3A_329 = arith.index_cast %add3A_328 : i32 to index
            %get3A_330 = tpu.vector_load %arg26[%get3A_329] {strides = array<i32>} : memref<2000xi32, #tpu.memory_space<vmem>>, vector<16xi32>,
            %mul3A_331 = arith.constant 16 : i32
            %mul3A_332 = arith.muli %scan3A_315, %mul3A_331 : i32
            %swap3A_333 = arith.index_cast %mul3A_332 : i32 to index
            %swap3A_334 = tpu.vector_load %arg24[%swap3A_333] {strides = array<i32>} : memref<200xi32, #tpu.memory_space<vmem>>, vector<16xi32>,
            tpu.vector_store %arg24[%swap3A_333], %get3A_330 {strides = array<i32>} : memref<200xi32, #tpu.memory_space<vmem>>, vector<16xi32>,
            %scan3A_335 = arith.constant 0 : i32
            scf.yield %scan3A_335 : i32
          }
          %scan3A_295 = arith.constant 12 : i32
          %add3A_296 = arith.constant 200 : i32
          %add3A_297 = arith.addi %mul3A_288, %add3A_296 : i32
          %sub3A_298 = arith.constant 16 : i32
          %sub3A_299 = arith.subi %add3A_297, %sub3A_298 : i32
          %get3A_300 = arith.index_cast %sub3A_299 : i32 to index
          %get3A_301 = tpu.vector_load %arg25[%get3A_300] {strides = array<i32>} : memref<2000xi32, #tpu.memory_space<vmem>>, vector<16xi32>,
          %swap3A_302 = arith.constant 184 : index
          %swap3A_303 = tpu.vector_load %arg22[%swap3A_302] {strides = array<i32>} : memref<200xi32, #tpu.memory_space<vmem>>, vector<16xi32>,
          tpu.vector_store %arg22[%swap3A_302], %get3A_301 {strides = array<i32>} : memref<200xi32, #tpu.memory_space<vmem>>, vector<16xi32>,
          %add3A_304 = arith.constant 200 : i32
          %add3A_305 = arith.addi %mul3A_288, %add3A_304 : i32
          %sub3A_306 = arith.constant 16 : i32
          %sub3A_307 = arith.subi %add3A_305, %sub3A_306 : i32
          %get3A_308 = arith.index_cast %sub3A_307 : i32 to index
          %get3A_309 = tpu.vector_load %arg26[%get3A_308] {strides = array<i32>} : memref<2000xi32, #tpu.memory_space<vmem>>, vector<16xi32>,
          %swap3A_310 = arith.constant 184 : index
          %swap3A_311 = tpu.vector_load %arg24[%swap3A_310] {strides = array<i32>} : memref<200xi32, #tpu.memory_space<vmem>>, vector<16xi32>,
          tpu.vector_store %arg24[%swap3A_310], %get3A_309 {strides = array<i32>} : memref<200xi32, #tpu.memory_space<vmem>>, vector<16xi32>,
          %dma_start3A_312 = arith.constant 0 : i32
          %dma_start3A_313 = arith.constant 0 : i32
          %dma_start3A_314 = tpu.memref_slice %arg7[%dma_start3A_312, %dma_start3A_313] : memref<20480x64xf32, #tpu.memory_space<hbm>> -> memref<20480x64xf32, #tpu.memory_space<hbm>>
          tpu.enqueue_indirect_dma source(%dma_start3A_314 : memref<20480x64xf32, #tpu.memory_space<hbm>>) target(%arg14 : memref<200x64xf32, #tpu.memory_space<vmem>>) offsets(%arg22 : memref<200xi32, #tpu.memory_space<vmem>>) semaphore(%arg42 : memref<!tpu.dma_semaphore, #tpu.memory_space<semaphore_mem>>)
        } else {
        }
        %dma_start3A_201 = arith.constant 0 : i32
        %dma_start3A_202 = arith.constant 0 : i32
        %dma_start3A_203 = tpu.memref_slice %arg37[%dma_start3A_201, %dma_start3A_202] : memref<10256x64xf32, #tpu.memory_space<vmem_shared>> -> memref<10256x64xf32, #tpu.memory_space<vmem_shared>>
        tpu.enqueue_indirect_dma source(%arg13 : memref<200x64xf32, #tpu.memory_space<vmem>>) target(%dma_start3A_203 : memref<10256x64xf32, #tpu.memory_space<vmem_shared>>) offsets(%arg23 : memref<200xi32, #tpu.memory_space<vmem>>) semaphore(%arg45 : memref<!tpu.dma_semaphore, #tpu.memory_space<semaphore_mem>>) {add = true}
        %mul3A_204 = arith.constant 2 : i32
        %mul3A_205 = arith.muli %mul3A_204, %scan3A_139 : i32
        %add3A_206 = arith.constant 1 : i32
        %add3A_207 = arith.addi %mul3A_205, %add3A_206 : i32
        %dma_wait3A_208 = arith.constant 0 : i32
        %dma_wait3A_209 = arith.constant 0 : i32
        %dma_wait3A_210 = tpu.memref_slice %arg7[%dma_wait3A_208, %dma_wait3A_209] : memref<20480x64xf32, #tpu.memory_space<hbm>> -> memref<20480x64xf32, #tpu.memory_space<hbm>>
        tpu.wait_indirect_dma semaphore(%arg42 : memref<!tpu.dma_semaphore, #tpu.memory_space<semaphore_mem>>) src(%dma_wait3A_210 : memref<20480x64xf32, #tpu.memory_space<hbm>>) dst(%arg14 : memref<200x64xf32, #tpu.memory_space<vmem>>)
        %rem3A_211 = arith.constant 10 : i32
        %rem3A_212 = arith.remsi %add3A_207, %rem3A_211 : i32
        %mul3A_213 = arith.constant 200 : i32
        %mul3A_214 = arith.muli %rem3A_212, %mul3A_213 : i32
        %scan3A_215 = arith.constant 0 : i32
        %scan3A_216 = arith.constant 0 : i32
        %scan3A_217 = arith.constant 12 : i32
        %scan3A_218 = arith.addi %scan3A_216, %scan3A_217 : i32
        %scan3A_219 = arith.constant 1 : i32
        %scan3A_220 = scf.for %scan3A_278 = %scan3A_216 to %scan3A_218 step %scan3A_219 iter_args(%scan3A_279 = %scan3A_215) -> (i32)  : i32 {
          %mul3A_280 = arith.constant 16 : i32
          %mul3A_281 = arith.muli %scan3A_278, %mul3A_280 : i32
          %add3A_282 = arith.addi %mul3A_214, %mul3A_281 : i32
          %get3A_283 = arith.index_cast %add3A_282 : i32 to index
          %get3A_284 = tpu.vector_load %arg27[%get3A_283] {strides = array<i32>} : memref<2016xf32, #tpu.memory_space<vmem>>, vector<16xf32>,
          %mul3A_285 = arith.constant 16 : i32
          %mul3A_286 = arith.muli %scan3A_278, %mul3A_285 : i32
          %iota3A_287 = tpu.iota {dimensions = array<i32: 0>} : vector<16xi32>
          %add3A_288 = vector.broadcast %mul3A_286 : i32 to vector<16xi32>
          %add3A_289 = arith.addi %add3A_288, %iota3A_287 : vector<16xi32>
          %iota3A_290 = tpu.iota {dimensions = array<i32: 0>} : vector<16xi32>
          %add3A_291 = arith.constant 0 : i32
          %add3A_292 = vector.broadcast %add3A_291 : i32 to vector<16xi32>
          %add3A_293 = arith.addi %iota3A_290, %add3A_292 : vector<16xi32>
          %gather3A_294 = tpu.vector_load_idx %arg14[%add3A_289, %add3A_293] : memref<200x64xf32, #tpu.memory_space<vmem>>[vector<16xi32>, vector<16xi32>], vector<16xf32>,
          %mul3A_295 = arith.mulf %gather3A_294, %get3A_284 : vector<16xf32>
          tpu.vector_store_idx %arg14[%add3A_289, %add3A_293], %mul3A_295 : memref<200x64xf32, #tpu.memory_space<vmem>>[vector<16xi32>, vector<16xi32>], vector<16xf32>,
          %iota3A_296 = tpu.iota {dimensions = array<i32: 0>} : vector<16xi32>
          %add3A_297 = arith.constant 16 : i32
          %add3A_298 = vector.broadcast %add3A_297 : i32 to vector<16xi32>
          %add3A_299 = arith.addi %iota3A_296, %add3A_298 : vector<16xi32>
          %gather3A_300 = tpu.vector_load_idx %arg14[%add3A_289, %add3A_299] : memref<200x64xf32, #tpu.memory_space<vmem>>[vector<16xi32>, vector<16xi32>], vector<16xf32>,
          %mul3A_301 = arith.mulf %gather3A_300, %get3A_284 : vector<16xf32>
          tpu.vector_store_idx %arg14[%add3A_289, %add3A_299], %mul3A_301 : memref<200x64xf32, #tpu.memory_space<vmem>>[vector<16xi32>, vector<16xi32>], vector<16xf32>,
          %iota3A_302 = tpu.iota {dimensions = array<i32: 0>} : vector<16xi32>
          %add3A_303 = arith.constant 32 : i32
          %add3A_304 = vector.broadcast %add3A_303 : i32 to vector<16xi32>
          %add3A_305 = arith.addi %iota3A_302, %add3A_304 : vector<16xi32>
          %gather3A_306 = tpu.vector_load_idx %arg14[%add3A_289, %add3A_305] : memref<200x64xf32, #tpu.memory_space<vmem>>[vector<16xi32>, vector<16xi32>], vector<16xf32>,
          %mul3A_307 = arith.mulf %gather3A_306, %get3A_284 : vector<16xf32>
          tpu.vector_store_idx %arg14[%add3A_289, %add3A_305], %mul3A_307 : memref<200x64xf32, #tpu.memory_space<vmem>>[vector<16xi32>, vector<16xi32>], vector<16xf32>,
          %iota3A_308 = tpu.iota {dimensions = array<i32: 0>} : vector<16xi32>
          %add3A_309 = arith.constant 48 : i32
          %add3A_310 = vector.broadcast %add3A_309 : i32 to vector<16xi32>
          %add3A_311 = arith.addi %iota3A_308, %add3A_310 : vector<16xi32>
          %gather3A_312 = tpu.vector_load_idx %arg14[%add3A_289, %add3A_311] : memref<200x64xf32, #tpu.memory_space<vmem>>[vector<16xi32>, vector<16xi32>], vector<16xf32>,
          %mul3A_313 = arith.mulf %gather3A_312, %get3A_284 : vector<16xf32>
          tpu.vector_store_idx %arg14[%add3A_289, %add3A_311], %mul3A_313 : memref<200x64xf32, #tpu.memory_space<vmem>>[vector<16xi32>, vector<16xi32>], vector<16xf32>,
          %scan3A_314 = arith.constant 0 : i32
          scf.yield %scan3A_314 : i32
        }
        %scan3A_221 = arith.constant 12 : i32
        %iota3A_222 = tpu.iota {dimensions = array<i32: 0>} : vector<16xi32>
        %add3A_223 = arith.constant 200 : i32
        %add3A_224 = arith.addi %mul3A_214, %add3A_223 : i32
        %sub3A_225 = arith.constant 8 : i32
        %sub3A_226 = arith.subi %add3A_224, %sub3A_225 : i32
        %get3A_227 = arith.index_cast %sub3A_226 : i32 to index
        %get3A_228 = tpu.vector_load %arg27[%get3A_227] {strides = array<i32>} : memref<2016xf32, #tpu.memory_space<vmem>>, vector<16xf32>,
        %lt3A_229 = arith.constant 8 : i32
        %lt3A_230 = vector.broadcast %lt3A_229 : i32 to vector<16xi32>
        %lt3A_231 = arith.cmpi slt, %iota3A_222, %lt3A_230 : vector<16xi32>
        %add3A_232 = arith.constant 192 : i32
        %add3A_233 = vector.broadcast %add3A_232 : i32 to vector<16xi32>
        %add3A_234 = arith.addi %add3A_233, %iota3A_222 : vector<16xi32>
        %jit3A_235 = arith.constant 0 : i32
        %broadcast_in_dim3A_236 = vector.broadcast %jit3A_235 : i32 to vector<16xi32>
        %select_n3A_237 = arith.select %lt3A_231, %add3A_234, %broadcast_in_dim3A_236 : vector<16xi1>, vector<16xi32>
        %iota3A_238 = tpu.iota {dimensions = array<i32: 0>} : vector<16xi32>
        %add3A_239 = arith.constant 0 : i32
        %add3A_240 = vector.broadcast %add3A_239 : i32 to vector<16xi32>
        %add3A_241 = arith.addi %iota3A_238, %add3A_240 : vector<16xi32>
        %gather3A_242 = tpu.vector_load_idx %arg14[%select_n3A_237, %add3A_241] masked %lt3A_231 : memref<200x64xf32, #tpu.memory_space<vmem>>[vector<16xi32>, vector<16xi32>], vector<16xf32>, vector<16xi1>
        %mul3A_243 = arith.mulf %gather3A_242, %get3A_228 : vector<16xf32>
        tpu.vector_store_idx %arg14[%select_n3A_237, %add3A_241], %mul3A_243 masked %lt3A_231 : memref<200x64xf32, #tpu.memory_space<vmem>>[vector<16xi32>, vector<16xi32>], vector<16xf32>, vector<16xi1>
        %iota3A_244 = tpu.iota {dimensions = array<i32: 0>} : vector<16xi32>
        %add3A_245 = arith.constant 16 : i32
        %add3A_246 = vector.broadcast %add3A_245 : i32 to vector<16xi32>
        %add3A_247 = arith.addi %iota3A_244, %add3A_246 : vector<16xi32>
        %gather3A_248 = tpu.vector_load_idx %arg14[%select_n3A_237, %add3A_247] masked %lt3A_231 : memref<200x64xf32, #tpu.memory_space<vmem>>[vector<16xi32>, vector<16xi32>], vector<16xf32>, vector<16xi1>
        %mul3A_249 = arith.mulf %gather3A_248, %get3A_228 : vector<16xf32>
        tpu.vector_store_idx %arg14[%select_n3A_237, %add3A_247], %mul3A_249 masked %lt3A_231 : memref<200x64xf32, #tpu.memory_space<vmem>>[vector<16xi32>, vector<16xi32>], vector<16xf32>, vector<16xi1>
        %iota3A_250 = tpu.iota {dimensions = array<i32: 0>} : vector<16xi32>
        %add3A_251 = arith.constant 32 : i32
        %add3A_252 = vector.broadcast %add3A_251 : i32 to vector<16xi32>
        %add3A_253 = arith.addi %iota3A_250, %add3A_252 : vector<16xi32>
        %gather3A_254 = tpu.vector_load_idx %arg14[%select_n3A_237, %add3A_253] masked %lt3A_231 : memref<200x64xf32, #tpu.memory_space<vmem>>[vector<16xi32>, vector<16xi32>], vector<16xf32>, vector<16xi1>
        %mul3A_255 = arith.mulf %gather3A_254, %get3A_228 : vector<16xf32>
        tpu.vector_store_idx %arg14[%select_n3A_237, %add3A_253], %mul3A_255 masked %lt3A_231 : memref<200x64xf32, #tpu.memory_space<vmem>>[vector<16xi32>, vector<16xi32>], vector<16xf32>, vector<16xi1>
        %iota3A_256 = tpu.iota {dimensions = array<i32: 0>} : vector<16xi32>
        %add3A_257 = arith.constant 48 : i32
        %add3A_258 = vector.broadcast %add3A_257 : i32 to vector<16xi32>
        %add3A_259 = arith.addi %iota3A_256, %add3A_258 : vector<16xi32>
        %gather3A_260 = tpu.vector_load_idx %arg14[%select_n3A_237, %add3A_259] masked %lt3A_231 : memref<200x64xf32, #tpu.memory_space<vmem>>[vector<16xi32>, vector<16xi32>], vector<16xf32>, vector<16xi1>
        %mul3A_261 = arith.mulf %gather3A_260, %get3A_228 : vector<16xf32>
        tpu.vector_store_idx %arg14[%select_n3A_237, %add3A_259], %mul3A_261 masked %lt3A_231 : memref<200x64xf32, #tpu.memory_space<vmem>>[vector<16xi32>, vector<16xi32>], vector<16xf32>, vector<16xi1>
        %gt3A_262 = arith.constant 0 : i32
        %gt3A_263 = arith.cmpi sgt, %add3A_207, %gt3A_262 : i32
        %convert_element_type3A_264 = arith.extui %gt3A_263 : i1 to i32
        %cond3A_265 = arith.constant 0 : i32
        %cond3A_266 = arith.cmpi ne, %convert_element_type3A_264, %cond3A_265 : i32
        scf.if %cond3A_266 {
          %dma_wait3A_278 = arith.constant 0 : i32
          %dma_wait3A_279 = arith.constant 0 : i32
          %dma_wait3A_280 = tpu.memref_slice %arg37[%dma_wait3A_278, %dma_wait3A_279] : memref<10256x64xf32, #tpu.memory_space<vmem_shared>> -> memref<10256x64xf32, #tpu.memory_space<vmem_shared>>
          tpu.wait_indirect_dma semaphore(%arg45 : memref<!tpu.dma_semaphore, #tpu.memory_space<semaphore_mem>>) src(%arg13 : memref<200x64xf32, #tpu.memory_space<vmem>>) dst(%dma_wait3A_280 : memref<10256x64xf32, #tpu.memory_space<vmem_shared>>)
        } else {
        }
        %add3A_267 = arith.constant 1 : i32
        %add3A_268 = arith.addi %add3A_207, %add3A_267 : i32
        %lt3A_269 = arith.constant 100 : i32
        %lt3A_270 = arith.cmpi slt, %add3A_268, %lt3A_269 : i32
        %convert_element_type3A_271 = arith.extui %lt3A_270 : i1 to i32
        %cond3A_272 = arith.constant 0 : i32
        %cond3A_273 = arith.cmpi ne, %convert_element_type3A_271, %cond3A_272 : i32
        scf.if %cond3A_273 {
          %add3A_278 = arith.constant 1 : i32
          %add3A_279 = arith.addi %add3A_207, %add3A_278 : i32
          %rem3A_280 = arith.constant 10 : i32
          %rem3A_281 = arith.remsi %add3A_279, %rem3A_280 : i32
          %eq3A_282 = arith.constant 0 : i32
          %eq3A_283 = arith.cmpi eq, %rem3A_281, %eq3A_282 : i32
          %convert_element_type3A_284 = arith.extui %eq3A_283 : i1 to i32
          %cond3A_285 = arith.constant 0 : i32
          %cond3A_286 = arith.cmpi ne, %convert_element_type3A_284, %cond3A_285 : i32
          scf.if %cond3A_286 {
            %add3A_315 = arith.constant 1 : i32
            %add3A_316 = arith.addi %add3A_207, %add3A_315 : i32
            %div3A = arith.constant 10 : i32
            %div3A_317 = arith.divsi %add3A_316, %div3A : i32
            %mul3A_318 = arith.constant 2000 : i32
            %mul3A_319 = arith.muli %div3A_317, %mul3A_318 : i32
            %add3A_320 = arith.addi %mul3A_0, %mul3A_319 : i32
            "tpu.region"() ({
              %run_scoped3A = tpu.sem_alloc : memref<!tpu.dma_semaphore, #tpu.memory_space<semaphore_mem>>
              %dma_start3A_331 = tpu.memref_slice %arg5[%add3A_320] : memref<320016xi32, #tpu.memory_space<hbm>> -> memref<2000xi32, #tpu.memory_space<hbm>>
              %dma_start3A_332 = tpu.memref_slice %arg5[%add3A_320] : memref<320016xi32, #tpu.memory_space<hbm>> -> memref<2000xi32, #tpu.memory_space<hbm>>
              tpu.enqueue_dma source(%dma_start3A_332 : memref<2000xi32, #tpu.memory_space<hbm>>) target(%arg25 : memref<2000xi32, #tpu.memory_space<vmem>>) target_semaphore(%run_scoped3A : memref<!tpu.dma_semaphore, #tpu.memory_space<semaphore_mem>>)
              %dma_wait3A_333 = tpu.memref_slice %arg5[%add3A_320] : memref<320016xi32, #tpu.memory_space<hbm>> -> memref<2000xi32, #tpu.memory_space<hbm>>
              %dma_wait3A_334 = tpu.memref_slice %arg5[%add3A_320] : memref<320016xi32, #tpu.memory_space<hbm>> -> memref<2000xi32, #tpu.memory_space<hbm>>
              tpu.wait_dma2 semaphore(%run_scoped3A : memref<!tpu.dma_semaphore, #tpu.memory_space<semaphore_mem>>) src(%dma_wait3A_334 : memref<2000xi32, #tpu.memory_space<hbm>>) dst(%arg25 : memref<2000xi32, #tpu.memory_space<vmem>>)
              tpu.yield
            }) : () -> ()
            "tpu.region"() ({
              %run_scoped3A = tpu.sem_alloc : memref<!tpu.dma_semaphore, #tpu.memory_space<semaphore_mem>>
              %dma_start3A_331 = tpu.memref_slice %arg4[%add3A_320] : memref<320016xi32, #tpu.memory_space<hbm>> -> memref<2000xi32, #tpu.memory_space<hbm>>
              %dma_start3A_332 = tpu.memref_slice %arg4[%add3A_320] : memref<320016xi32, #tpu.memory_space<hbm>> -> memref<2000xi32, #tpu.memory_space<hbm>>
              tpu.enqueue_dma source(%dma_start3A_332 : memref<2000xi32, #tpu.memory_space<hbm>>) target(%arg26 : memref<2000xi32, #tpu.memory_space<vmem>>) target_semaphore(%run_scoped3A : memref<!tpu.dma_semaphore, #tpu.memory_space<semaphore_mem>>)
              %dma_wait3A_333 = tpu.memref_slice %arg4[%add3A_320] : memref<320016xi32, #tpu.memory_space<hbm>> -> memref<2000xi32, #tpu.memory_space<hbm>>
              %dma_wait3A_334 = tpu.memref_slice %arg4[%add3A_320] : memref<320016xi32, #tpu.memory_space<hbm>> -> memref<2000xi32, #tpu.memory_space<hbm>>
              tpu.wait_dma2 semaphore(%run_scoped3A : memref<!tpu.dma_semaphore, #tpu.memory_space<semaphore_mem>>) src(%dma_wait3A_334 : memref<2000xi32, #tpu.memory_space<hbm>>) dst(%arg26 : memref<2000xi32, #tpu.memory_space<vmem>>)
              tpu.yield
            }) : () -> ()
            %mul3A_321 = arith.constant 320000 : i32
            %mul3A_322 = arith.muli %arg0, %mul3A_321 : i32
            %add3A_323 = arith.addi %mul3A_322, %add3A_320 : i32
            "tpu.region"() ({
              %run_scoped3A = tpu.sem_alloc : memref<!tpu.dma_semaphore, #tpu.memory_space<semaphore_mem>>
              %dma_start3A_331 = arith.constant 0 : i32
              %dma_start3A_332 = tpu.memref_slice %arg27[%dma_start3A_331] : memref<2016xf32, #tpu.memory_space<vmem>> -> memref<2000xf32, #tpu.memory_space<vmem>>
              %dma_start3A_333 = tpu.memref_slice %arg9[%add3A_323] : memref<640016xf32, #tpu.memory_space<hbm>> -> memref<2000xf32, #tpu.memory_space<hbm>>
              %dma_start3A_334 = arith.constant 0 : i32
              %dma_start3A_335 = tpu.memref_slice %arg27[%dma_start3A_334] : memref<2016xf32, #tpu.memory_space<vmem>> -> memref<2000xf32, #tpu.memory_space<vmem>>
              %dma_start3A_336 = tpu.memref_slice %arg9[%add3A_323] : memref<640016xf32, #tpu.memory_space<hbm>> -> memref<2000xf32, #tpu.memory_space<hbm>>
              tpu.enqueue_dma source(%dma_start3A_336 : memref<2000xf32, #tpu.memory_space<hbm>>) target(%dma_start3A_335 : memref<2000xf32, #tpu.memory_space<vmem>>) target_semaphore(%run_scoped3A : memref<!tpu.dma_semaphore, #tpu.memory_space<semaphore_mem>>)
              %dma_wait3A_337 = arith.constant 0 : i32
              %dma_wait3A_338 = tpu.memref_slice %arg27[%dma_wait3A_337] : memref<2016xf32, #tpu.memory_space<vmem>> -> memref<2000xf32, #tpu.memory_space<vmem>>
              %dma_wait3A_339 = tpu.memref_slice %arg9[%add3A_323] : memref<640016xf32, #tpu.memory_space<hbm>> -> memref<2000xf32, #tpu.memory_space<hbm>>
              %dma_wait3A_340 = arith.constant 0 : i32
              %dma_wait3A_341 = tpu.memref_slice %arg27[%dma_wait3A_340] : memref<2016xf32, #tpu.memory_space<vmem>> -> memref<2000xf32, #tpu.memory_space<vmem>>
              %dma_wait3A_342 = tpu.memref_slice %arg9[%add3A_323] : memref<640016xf32, #tpu.memory_space<hbm>> -> memref<2000xf32, #tpu.memory_space<hbm>>
              tpu.wait_dma2 semaphore(%run_scoped3A : memref<!tpu.dma_semaphore, #tpu.memory_space<semaphore_mem>>) src(%dma_wait3A_342 : memref<2000xf32, #tpu.memory_space<hbm>>) dst(%dma_wait3A_341 : memref<2000xf32, #tpu.memory_space<vmem>>)
              tpu.yield
            }) : () -> ()
            %scan3A_324 = arith.constant 0 : i32
            %scan3A_325 = arith.constant 0 : i32
            %scan3A_326 = arith.constant 125 : i32
            %scan3A_327 = arith.addi %scan3A_325, %scan3A_326 : i32
            %scan3A_328 = arith.constant 1 : i32
            %scan3A_329 = scf.for %scan3A_331 = %scan3A_325 to %scan3A_327 step %scan3A_328 iter_args(%scan3A_332 = %scan3A_324) -> (i32)  : i32 {
              %mul3A_333 = arith.constant 16 : i32
              %mul3A_334 = arith.muli %scan3A_331, %mul3A_333 : i32
              %get3A_335 = arith.index_cast %mul3A_334 : i32 to index
              %get3A_336 = tpu.vector_load %arg25[%get3A_335] {strides = array<i32>} : memref<2000xi32, #tpu.memory_space<vmem>>, vector<16xi32>,
              %mul3A_337 = arith.constant 10240 : i32
              %mul3A_338 = arith.muli %arg0, %mul3A_337 : i32
              %add3A_339 = vector.broadcast %mul3A_338 : i32 to vector<16xi32>
              %add3A_340 = arith.addi %get3A_336, %add3A_339 : vector<16xi32>
              %mul3A_341 = arith.constant 16 : i32
              %mul3A_342 = arith.muli %scan3A_331, %mul3A_341 : i32
              %swap3A_343 = arith.index_cast %mul3A_342 : i32 to index
              %swap3A_344 = tpu.vector_load %arg25[%swap3A_343] {strides = array<i32>} : memref<2000xi32, #tpu.memory_space<vmem>>, vector<16xi32>,
              tpu.vector_store %arg25[%swap3A_343], %add3A_340 {strides = array<i32>} : memref<2000xi32, #tpu.memory_space<vmem>>, vector<16xi32>,
              %scan3A_345 = arith.constant 0 : i32
              scf.yield %scan3A_345 : i32
            }
            %scan3A_330 = arith.constant 125 : i32
          } else {
          }
          %mul3A_287 = arith.constant 200 : i32
          %mul3A_288 = arith.muli %rem3A_281, %mul3A_287 : i32
          %scan3A_289 = arith.constant 0 : i32
          %scan3A_290 = arith.constant 0 : i32
          %scan3A_291 = arith.constant 12 : i32
          %scan3A_292 = arith.addi %scan3A_290, %scan3A_291 : i32
          %scan3A_293 = arith.constant 1 : i32
          %scan3A_294 = scf.for %scan3A_315 = %scan3A_290 to %scan3A_292 step %scan3A_293 iter_args(%scan3A_316 = %scan3A_289) -> (i32)  : i32 {
            %mul3A_317 = arith.constant 16 : i32
            %mul3A_318 = arith.muli %scan3A_315, %mul3A_317 : i32
            %add3A_319 = arith.addi %mul3A_288, %mul3A_318 : i32
            %get3A_320 = arith.index_cast %add3A_319 : i32 to index
            %get3A_321 = tpu.vector_load %arg25[%get3A_320] {strides = array<i32>} : memref<2000xi32, #tpu.memory_space<vmem>>, vector<16xi32>,
            %mul3A_322 = arith.constant 16 : i32
            %mul3A_323 = arith.muli %scan3A_315, %mul3A_322 : i32
            %swap3A_324 = arith.index_cast %mul3A_323 : i32 to index
            %swap3A_325 = tpu.vector_load %arg21[%swap3A_324] {strides = array<i32>} : memref<200xi32, #tpu.memory_space<vmem>>, vector<16xi32>,
            tpu.vector_store %arg21[%swap3A_324], %get3A_321 {strides = array<i32>} : memref<200xi32, #tpu.memory_space<vmem>>, vector<16xi32>,
            %mul3A_326 = arith.constant 16 : i32
            %mul3A_327 = arith.muli %scan3A_315, %mul3A_326 : i32
            %add3A_328 = arith.addi %mul3A_288, %mul3A_327 : i32
            %get3A_329 = arith.index_cast %add3A_328 : i32 to index
            %get3A_330 = tpu.vector_load %arg26[%get3A_329] {strides = array<i32>} : memref<2000xi32, #tpu.memory_space<vmem>>, vector<16xi32>,
            %mul3A_331 = arith.constant 16 : i32
            %mul3A_332 = arith.muli %scan3A_315, %mul3A_331 : i32
            %swap3A_333 = arith.index_cast %mul3A_332 : i32 to index
            %swap3A_334 = tpu.vector_load %arg23[%swap3A_333] {strides = array<i32>} : memref<200xi32, #tpu.memory_space<vmem>>, vector<16xi32>,
            tpu.vector_store %arg23[%swap3A_333], %get3A_330 {strides = array<i32>} : memref<200xi32, #tpu.memory_space<vmem>>, vector<16xi32>,
            %scan3A_335 = arith.constant 0 : i32
            scf.yield %scan3A_335 : i32
          }
          %scan3A_295 = arith.constant 12 : i32
          %add3A_296 = arith.constant 200 : i32
          %add3A_297 = arith.addi %mul3A_288, %add3A_296 : i32
          %sub3A_298 = arith.constant 16 : i32
          %sub3A_299 = arith.subi %add3A_297, %sub3A_298 : i32
          %get3A_300 = arith.index_cast %sub3A_299 : i32 to index
          %get3A_301 = tpu.vector_load %arg25[%get3A_300] {strides = array<i32>} : memref<2000xi32, #tpu.memory_space<vmem>>, vector<16xi32>,
          %swap3A_302 = arith.constant 184 : index
          %swap3A_303 = tpu.vector_load %arg21[%swap3A_302] {strides = array<i32>} : memref<200xi32, #tpu.memory_space<vmem>>, vector<16xi32>,
          tpu.vector_store %arg21[%swap3A_302], %get3A_301 {strides = array<i32>} : memref<200xi32, #tpu.memory_space<vmem>>, vector<16xi32>,
          %add3A_304 = arith.constant 200 : i32
          %add3A_305 = arith.addi %mul3A_288, %add3A_304 : i32
          %sub3A_306 = arith.constant 16 : i32
          %sub3A_307 = arith.subi %add3A_305, %sub3A_306 : i32
          %get3A_308 = arith.index_cast %sub3A_307 : i32 to index
          %get3A_309 = tpu.vector_load %arg26[%get3A_308] {strides = array<i32>} : memref<2000xi32, #tpu.memory_space<vmem>>, vector<16xi32>,
          %swap3A_310 = arith.constant 184 : index
          %swap3A_311 = tpu.vector_load %arg23[%swap3A_310] {strides = array<i32>} : memref<200xi32, #tpu.memory_space<vmem>>, vector<16xi32>,
          tpu.vector_store %arg23[%swap3A_310], %get3A_309 {strides = array<i32>} : memref<200xi32, #tpu.memory_space<vmem>>, vector<16xi32>,
          %dma_start3A_312 = arith.constant 0 : i32
          %dma_start3A_313 = arith.constant 0 : i32
          %dma_start3A_314 = tpu.memref_slice %arg7[%dma_start3A_312, %dma_start3A_313] : memref<20480x64xf32, #tpu.memory_space<hbm>> -> memref<20480x64xf32, #tpu.memory_space<hbm>>
          tpu.enqueue_indirect_dma source(%dma_start3A_314 : memref<20480x64xf32, #tpu.memory_space<hbm>>) target(%arg13 : memref<200x64xf32, #tpu.memory_space<vmem>>) offsets(%arg21 : memref<200xi32, #tpu.memory_space<vmem>>) semaphore(%arg41 : memref<!tpu.dma_semaphore, #tpu.memory_space<semaphore_mem>>)
        } else {
        }
        %dma_start3A_274 = arith.constant 0 : i32
        %dma_start3A_275 = arith.constant 0 : i32
        %dma_start3A_276 = tpu.memref_slice %arg37[%dma_start3A_274, %dma_start3A_275] : memref<10256x64xf32, #tpu.memory_space<vmem_shared>> -> memref<10256x64xf32, #tpu.memory_space<vmem_shared>>
        tpu.enqueue_indirect_dma source(%arg14 : memref<200x64xf32, #tpu.memory_space<vmem>>) target(%dma_start3A_276 : memref<10256x64xf32, #tpu.memory_space<vmem_shared>>) offsets(%arg24 : memref<200xi32, #tpu.memory_space<vmem>>) semaphore(%arg46 : memref<!tpu.dma_semaphore, #tpu.memory_space<semaphore_mem>>) {add = true}
        %scan3A_277 = arith.constant 0 : i32
        scf.yield %scan3A_277 : i32
      }
      %scan3A_126 = arith.constant 50 : i32
      %dma_wait3A = arith.constant 0 : i32
      %dma_wait3A_127 = arith.constant 0 : i32
      %dma_wait3A_128 = tpu.memref_slice %arg37[%dma_wait3A, %dma_wait3A_127] : memref<10256x64xf32, #tpu.memory_space<vmem_shared>> -> memref<10256x64xf32, #tpu.memory_space<vmem_shared>>
      tpu.wait_indirect_dma semaphore(%arg46 : memref<!tpu.dma_semaphore, #tpu.memory_space<semaphore_mem>>) src(%arg14 : memref<200x64xf32, #tpu.memory_space<vmem>>) dst(%dma_wait3A_128 : memref<10256x64xf32, #tpu.memory_space<vmem_shared>>)
      %barrier3A_129 = arith.constant 0 : index
      tpu.barrier barrier_id(%barrier3A_129)
      %scan3A_130 = arith.constant 0 : i32
      %scan3A_131 = arith.constant 0 : i32
      %scan3A_132 = arith.constant 10 : i32
      %scan3A_133 = arith.addi %scan3A_131, %scan3A_132 : i32
      %scan3A_134 = arith.constant 1 : i32
      %scan3A_135 = scf.for %scan3A_139 = %scan3A_131 to %scan3A_133 step %scan3A_134 iter_args(%scan3A_140 = %scan3A_130) -> (i32)  : i32 {
        %mul3A_141 = arith.constant 640 : i32
        %mul3A_142 = arith.muli %arg1, %mul3A_141 : i32
        %mul3A_143 = arith.constant 64 : i32
        %mul3A_144 = arith.muli %scan3A_139, %mul3A_143 : i32
        %add3A_145 = arith.addi %mul3A_142, %mul3A_144 : i32
        %mul3A_146 = arith.constant 10240 : i32
        %mul3A_147 = arith.muli %arg0, %mul3A_146 : i32
        %add3A_148 = arith.addi %mul3A_147, %add3A_145 : i32
        %dma_start3A_149 = arith.constant 0 : i32
        %dma_start3A_150 = tpu.memref_slice %arg2[%add3A_148, %dma_start3A_149] : memref<20480x64xf32, #tpu.memory_space<hbm>> -> memref<64x64xf32, #tpu.memory_space<hbm>>
        %dma_start3A_151 = arith.constant 0 : i32
        %dma_start3A_152 = tpu.memref_slice %arg2[%add3A_148, %dma_start3A_151] : memref<20480x64xf32, #tpu.memory_space<hbm>> -> memref<64x64xf32, #tpu.memory_space<hbm>>
        tpu.enqueue_dma source(%dma_start3A_152 : memref<64x64xf32, #tpu.memory_space<hbm>>) target(%arg32 : memref<64x64xf32, #tpu.memory_space<vmem>>) target_semaphore(%arg40 : memref<!tpu.dma_semaphore, #tpu.memory_space<semaphore_mem>>)
        %dma_start3A_153 = arith.constant 0 : i32
        %dma_start3A_154 = tpu.memref_slice %arg3[%add3A_148, %dma_start3A_153] : memref<20480x64xf32, #tpu.memory_space<hbm>> -> memref<64x64xf32, #tpu.memory_space<hbm>>
        %dma_start3A_155 = arith.constant 0 : i32
        %dma_start3A_156 = tpu.memref_slice %arg3[%add3A_148, %dma_start3A_155] : memref<20480x64xf32, #tpu.memory_space<hbm>> -> memref<64x64xf32, #tpu.memory_space<hbm>>
        tpu.enqueue_dma source(%dma_start3A_156 : memref<64x64xf32, #tpu.memory_space<hbm>>) target(%arg33 : memref<64x64xf32, #tpu.memory_space<vmem>>) target_semaphore(%arg40 : memref<!tpu.dma_semaphore, #tpu.memory_space<semaphore_mem>>)
        "tpu.region"() ({
          %run_scoped3A = tpu.sem_alloc : memref<!tpu.dma_semaphore, #tpu.memory_space<semaphore_mem>>
          %dma_start3A_173 = arith.constant 0 : i32
          %dma_start3A_174 = tpu.memref_slice %arg37[%add3A_145, %dma_start3A_173] : memref<10256x64xf32, #tpu.memory_space<vmem_shared>> -> memref<64x64xf32, #tpu.memory_space<vmem_shared>>
          %dma_start3A_175 = arith.constant 0 : i32
          %dma_start3A_176 = tpu.memref_slice %arg37[%add3A_145, %dma_start3A_175] : memref<10256x64xf32, #tpu.memory_space<vmem_shared>> -> memref<64x64xf32, #tpu.memory_space<vmem_shared>>
          tpu.enqueue_dma source(%dma_start3A_176 : memref<64x64xf32, #tpu.memory_space<vmem_shared>>) target(%arg31 : memref<64x64xf32, #tpu.memory_space<vmem>>) target_semaphore(%run_scoped3A : memref<!tpu.dma_semaphore, #tpu.memory_space<semaphore_mem>>)
          %dma_wait3A_177 = arith.constant 0 : i32
          %dma_wait3A_178 = tpu.memref_slice %arg37[%add3A_145, %dma_wait3A_177] : memref<10256x64xf32, #tpu.memory_space<vmem_shared>> -> memref<64x64xf32, #tpu.memory_space<vmem_shared>>
          %dma_wait3A_179 = arith.constant 0 : i32
          %dma_wait3A_180 = tpu.memref_slice %arg37[%add3A_145, %dma_wait3A_179] : memref<10256x64xf32, #tpu.memory_space<vmem_shared>> -> memref<64x64xf32, #tpu.memory_space<vmem_shared>>
          tpu.wait_dma2 semaphore(%run_scoped3A : memref<!tpu.dma_semaphore, #tpu.memory_space<semaphore_mem>>) src(%dma_wait3A_180 : memref<64x64xf32, #tpu.memory_space<vmem_shared>>) dst(%arg31 : memref<64x64xf32, #tpu.memory_space<vmem>>)
          tpu.yield
        }) : () -> ()
        %dma_wait3A_157 = arith.constant 0 : i32
        %dma_wait3A_158 = tpu.memref_slice %arg2[%add3A_148, %dma_wait3A_157] : memref<20480x64xf32, #tpu.memory_space<hbm>> -> memref<64x64xf32, #tpu.memory_space<hbm>>
        %dma_wait3A_159 = arith.constant 0 : i32
        %dma_wait3A_160 = tpu.memref_slice %arg2[%add3A_148, %dma_wait3A_159] : memref<20480x64xf32, #tpu.memory_space<hbm>> -> memref<64x64xf32, #tpu.memory_space<hbm>>
        tpu.wait_dma2 semaphore(%arg40 : memref<!tpu.dma_semaphore, #tpu.memory_space<semaphore_mem>>) src(%dma_wait3A_160 : memref<64x64xf32, #tpu.memory_space<hbm>>) dst(%arg32 : memref<64x64xf32, #tpu.memory_space<vmem>>)
        %dma_wait3A_161 = arith.constant 0 : i32
        %dma_wait3A_162 = tpu.memref_slice %arg3[%add3A_148, %dma_wait3A_161] : memref<20480x64xf32, #tpu.memory_space<hbm>> -> memref<64x64xf32, #tpu.memory_space<hbm>>
        %dma_wait3A_163 = arith.constant 0 : i32
        %dma_wait3A_164 = tpu.memref_slice %arg3[%add3A_148, %dma_wait3A_163] : memref<20480x64xf32, #tpu.memory_space<hbm>> -> memref<64x64xf32, #tpu.memory_space<hbm>>
        tpu.wait_dma2 semaphore(%arg40 : memref<!tpu.dma_semaphore, #tpu.memory_space<semaphore_mem>>) src(%dma_wait3A_164 : memref<64x64xf32, #tpu.memory_space<hbm>>) dst(%arg33 : memref<64x64xf32, #tpu.memory_space<vmem>>)
        "tpu.region"() ({
          %run_scoped3A = tpu.sem_alloc : memref<!tpu.dma_semaphore, #tpu.memory_space<semaphore_mem>>
          %dma_start3A_173 = arith.constant 0 : i32
          %dma_start3A_174 = tpu.memref_slice %arg37[%add3A_145, %dma_start3A_173] : memref<10256x64xf32, #tpu.memory_space<vmem_shared>> -> memref<64x64xf32, #tpu.memory_space<vmem_shared>>
          %dma_start3A_175 = arith.constant 0 : i32
          %dma_start3A_176 = tpu.memref_slice %arg37[%add3A_145, %dma_start3A_175] : memref<10256x64xf32, #tpu.memory_space<vmem_shared>> -> memref<64x64xf32, #tpu.memory_space<vmem_shared>>
          tpu.enqueue_dma source(%arg34 : memref<64x64xf32, #tpu.memory_space<vmem>>) target(%dma_start3A_176 : memref<64x64xf32, #tpu.memory_space<vmem_shared>>) target_semaphore(%run_scoped3A : memref<!tpu.dma_semaphore, #tpu.memory_space<semaphore_mem>>)
          %dma_wait3A_177 = arith.constant 0 : i32
          %dma_wait3A_178 = tpu.memref_slice %arg37[%add3A_145, %dma_wait3A_177] : memref<10256x64xf32, #tpu.memory_space<vmem_shared>> -> memref<64x64xf32, #tpu.memory_space<vmem_shared>>
          %dma_wait3A_179 = arith.constant 0 : i32
          %dma_wait3A_180 = tpu.memref_slice %arg37[%add3A_145, %dma_wait3A_179] : memref<10256x64xf32, #tpu.memory_space<vmem_shared>> -> memref<64x64xf32, #tpu.memory_space<vmem_shared>>
          tpu.wait_dma2 semaphore(%run_scoped3A : memref<!tpu.dma_semaphore, #tpu.memory_space<semaphore_mem>>) src(%arg34 : memref<64x64xf32, #tpu.memory_space<vmem>>) dst(%dma_wait3A_180 : memref<64x64xf32, #tpu.memory_space<vmem_shared>>)
          tpu.yield
        }) : () -> ()
        %scan3A_165 = arith.constant 0 : i32
        %scan3A_166 = arith.constant 0 : i32
        %scan3A_167 = arith.constant 64 : i32
        %scan3A_168 = arith.addi %scan3A_166, %scan3A_167 : i32
        %scan3A_169 = arith.constant 1 : i32
        %scan3A_170 = scf.for %scan3A_173 = %scan3A_166 to %scan3A_168 step %scan3A_169 iter_args(%scan3A_174 = %scan3A_165) -> (i32)  : i32 {
          %broadcast_in_dim3A = vector.broadcast %scan3A_173 : i32 to vector<16xi32>
          %iota3A = tpu.iota {dimensions = array<i32: 0>} : vector<16xi32>
          %add3A_175 = arith.constant 0 : i32
          %add3A_176 = vector.broadcast %add3A_175 : i32 to vector<16xi32>
          %add3A_177 = arith.addi %iota3A, %add3A_176 : vector<16xi32>
          %gather3A = tpu.vector_load_idx %arg31[%broadcast_in_dim3A, %add3A_177] : memref<64x64xf32, #tpu.memory_space<vmem>>[vector<16xi32>, vector<16xi32>], vector<16xf32>,
          %gather3A_178 = tpu.vector_load_idx %arg32[%broadcast_in_dim3A, %add3A_177] : memref<64x64xf32, #tpu.memory_space<vmem>>[vector<16xi32>, vector<16xi32>], vector<16xf32>,
          %gather3A_179 = tpu.vector_load_idx %arg33[%broadcast_in_dim3A, %add3A_177] : memref<64x64xf32, #tpu.memory_space<vmem>>[vector<16xi32>, vector<16xi32>], vector<16xf32>,
          %mul3A_180 = arith.mulf %gather3A_179, %gather3A : vector<16xf32>
          %add3A_181 = arith.addf %gather3A_178, %mul3A_180 : vector<16xf32>
          tpu.vector_store_idx %arg31[%broadcast_in_dim3A, %add3A_177], %add3A_181 : memref<64x64xf32, #tpu.memory_space<vmem>>[vector<16xi32>, vector<16xi32>], vector<16xf32>,
          %iota3A_182 = tpu.iota {dimensions = array<i32: 0>} : vector<16xi32>
          %add3A_183 = arith.constant 16 : i32
          %add3A_184 = vector.broadcast %add3A_183 : i32 to vector<16xi32>
          %add3A_185 = arith.addi %iota3A_182, %add3A_184 : vector<16xi32>
          %gather3A_186 = tpu.vector_load_idx %arg31[%broadcast_in_dim3A, %add3A_185] : memref<64x64xf32, #tpu.memory_space<vmem>>[vector<16xi32>, vector<16xi32>], vector<16xf32>,
          %gather3A_187 = tpu.vector_load_idx %arg32[%broadcast_in_dim3A, %add3A_185] : memref<64x64xf32, #tpu.memory_space<vmem>>[vector<16xi32>, vector<16xi32>], vector<16xf32>,
          %gather3A_188 = tpu.vector_load_idx %arg33[%broadcast_in_dim3A, %add3A_185] : memref<64x64xf32, #tpu.memory_space<vmem>>[vector<16xi32>, vector<16xi32>], vector<16xf32>,
          %mul3A_189 = arith.mulf %gather3A_188, %gather3A_186 : vector<16xf32>
          %add3A_190 = arith.addf %gather3A_187, %mul3A_189 : vector<16xf32>
          tpu.vector_store_idx %arg31[%broadcast_in_dim3A, %add3A_185], %add3A_190 : memref<64x64xf32, #tpu.memory_space<vmem>>[vector<16xi32>, vector<16xi32>], vector<16xf32>,
          %iota3A_191 = tpu.iota {dimensions = array<i32: 0>} : vector<16xi32>
          %add3A_192 = arith.constant 32 : i32
          %add3A_193 = vector.broadcast %add3A_192 : i32 to vector<16xi32>
          %add3A_194 = arith.addi %iota3A_191, %add3A_193 : vector<16xi32>
          %gather3A_195 = tpu.vector_load_idx %arg31[%broadcast_in_dim3A, %add3A_194] : memref<64x64xf32, #tpu.memory_space<vmem>>[vector<16xi32>, vector<16xi32>], vector<16xf32>,
          %gather3A_196 = tpu.vector_load_idx %arg32[%broadcast_in_dim3A, %add3A_194] : memref<64x64xf32, #tpu.memory_space<vmem>>[vector<16xi32>, vector<16xi32>], vector<16xf32>,
          %gather3A_197 = tpu.vector_load_idx %arg33[%broadcast_in_dim3A, %add3A_194] : memref<64x64xf32, #tpu.memory_space<vmem>>[vector<16xi32>, vector<16xi32>], vector<16xf32>,
          %mul3A_198 = arith.mulf %gather3A_197, %gather3A_195 : vector<16xf32>
          %add3A_199 = arith.addf %gather3A_196, %mul3A_198 : vector<16xf32>
          tpu.vector_store_idx %arg31[%broadcast_in_dim3A, %add3A_194], %add3A_199 : memref<64x64xf32, #tpu.memory_space<vmem>>[vector<16xi32>, vector<16xi32>], vector<16xf32>,
          %iota3A_200 = tpu.iota {dimensions = array<i32: 0>} : vector<16xi32>
          %add3A_201 = arith.constant 48 : i32
          %add3A_202 = vector.broadcast %add3A_201 : i32 to vector<16xi32>
          %add3A_203 = arith.addi %iota3A_200, %add3A_202 : vector<16xi32>
          %gather3A_204 = tpu.vector_load_idx %arg31[%broadcast_in_dim3A, %add3A_203] : memref<64x64xf32, #tpu.memory_space<vmem>>[vector<16xi32>, vector<16xi32>], vector<16xf32>,
          %gather3A_205 = tpu.vector_load_idx %arg32[%broadcast_in_dim3A, %add3A_203] : memref<64x64xf32, #tpu.memory_space<vmem>>[vector<16xi32>, vector<16xi32>], vector<16xf32>,
          %gather3A_206 = tpu.vector_load_idx %arg33[%broadcast_in_dim3A, %add3A_203] : memref<64x64xf32, #tpu.memory_space<vmem>>[vector<16xi32>, vector<16xi32>], vector<16xf32>,
          %mul3A_207 = arith.mulf %gather3A_206, %gather3A_204 : vector<16xf32>
          %add3A_208 = arith.addf %gather3A_205, %mul3A_207 : vector<16xf32>
          tpu.vector_store_idx %arg31[%broadcast_in_dim3A, %add3A_203], %add3A_208 : memref<64x64xf32, #tpu.memory_space<vmem>>[vector<16xi32>, vector<16xi32>], vector<16xf32>,
          %scan3A_209 = arith.constant 0 : i32
          scf.yield %scan3A_209 : i32
        }
        %scan3A_171 = arith.constant 64 : i32
        "tpu.region"() ({
          %run_scoped3A = tpu.sem_alloc : memref<!tpu.dma_semaphore, #tpu.memory_space<semaphore_mem>>
          %dma_start3A_173 = arith.constant 0 : i32
          %dma_start3A_174 = tpu.memref_slice %arg7[%add3A_148, %dma_start3A_173] : memref<20480x64xf32, #tpu.memory_space<hbm>> -> memref<64x64xf32, #tpu.memory_space<hbm>>
          %dma_start3A_175 = arith.constant 0 : i32
          %dma_start3A_176 = tpu.memref_slice %arg7[%add3A_148, %dma_start3A_175] : memref<20480x64xf32, #tpu.memory_space<hbm>> -> memref<64x64xf32, #tpu.memory_space<hbm>>
          tpu.enqueue_dma source(%arg31 : memref<64x64xf32, #tpu.memory_space<vmem>>) target(%dma_start3A_176 : memref<64x64xf32, #tpu.memory_space<hbm>>) target_semaphore(%run_scoped3A : memref<!tpu.dma_semaphore, #tpu.memory_space<semaphore_mem>>)
          %dma_wait3A_177 = arith.constant 0 : i32
          %dma_wait3A_178 = tpu.memref_slice %arg7[%add3A_148, %dma_wait3A_177] : memref<20480x64xf32, #tpu.memory_space<hbm>> -> memref<64x64xf32, #tpu.memory_space<hbm>>
          %dma_wait3A_179 = arith.constant 0 : i32
          %dma_wait3A_180 = tpu.memref_slice %arg7[%add3A_148, %dma_wait3A_179] : memref<20480x64xf32, #tpu.memory_space<hbm>> -> memref<64x64xf32, #tpu.memory_space<hbm>>
          tpu.wait_dma2 semaphore(%run_scoped3A : memref<!tpu.dma_semaphore, #tpu.memory_space<semaphore_mem>>) src(%arg31 : memref<64x64xf32, #tpu.memory_space<vmem>>) dst(%dma_wait3A_180 : memref<64x64xf32, #tpu.memory_space<hbm>>)
          tpu.yield
        }) : () -> ()
        %scan3A_172 = arith.constant 0 : i32
        scf.yield %scan3A_172 : i32
      }
      %scan3A_136 = arith.constant 10 : i32
      %barrier3A_137 = arith.constant 0 : index
      tpu.barrier barrier_id(%barrier3A_137)
      %scan3A_138 = arith.constant 0 : i32
      scf.yield %scan3A_138 : i32
    }
    %scan3A_91 = arith.constant 20 : i32
    return
  }
}

module attributes {stable_mosaic.version = 14 : i64} {
  func.func @_corr_body(%arg0: memref<10000x128xf32, #tpu.memory_space<vmem>>, %arg1: memref<10000x1xf32, #tpu.memory_space<vmem>>, %arg2: memref<10000x128xf32, #tpu.memory_space<vmem>>) attributes {dimension_semantics = [], scalar_prefetch = 0 : i64, scratch_operands = 0 : i64, tpu.core_type = #tpu.core_type<tc>} {
    %get3A = arith.constant 0 : index
    %get3A_0 = arith.constant 0 : index
    %get3A_1 = vector.load %arg0[%get3A, %get3A_0] : memref<10000x128xf32, #tpu.memory_space<vmem>>, vector<10000x128xf32>
    %get3A_2 = arith.constant 0 : index
    %get3A_3 = arith.constant 0 : index
    %get3A_4 = vector.load %arg1[%get3A_2, %get3A_3] : memref<10000x1xf32, #tpu.memory_space<vmem>>, vector<10000x1xf32>
    %reduce_sum3A = arith.constant dense<0.000000e+00> : vector<128xf32>
    %reduce_sum3A_5 = vector.multi_reduction <add>, %get3A_1, %reduce_sum3A [0] : vector<10000x128xf32> to vector<128xf32>
    %broadcast_in_dim3A = vector.shape_cast %reduce_sum3A_5 : vector<128xf32> to vector<1x128xf32>
    %div3A = arith.constant 1.000000e+04 : f32
    %div3A_6 = vector.broadcast %div3A : f32 to vector<1x128xf32>
    %div3A_7 = arith.divf %broadcast_in_dim3A, %div3A_6 : vector<1x128xf32>
    %sub3A = vector.broadcast %div3A_7 : vector<1x128xf32> to vector<10000x128xf32>
    %sub3A_8 = arith.subf %get3A_1, %sub3A : vector<10000x128xf32>
    %transpose3A = tpu.transpose %sub3A_8, [1, 0] : vector<10000x128xf32> -> vector<128x10000xf32>
    %dot_general3A = arith.constant dense<0.000000e+00> : vector<128x128xf32>
    %dot_general3A_9 = tpu.matmul %transpose3A, %sub3A_8, %dot_general3A {dimension_numbers = #tpu.dot_dimension_numbers<[1], [0], [0], [1], [0, 0, 1, 1], [], []>, transpose_lhs_hint = false} : vector<128x10000xf32>, vector<10000x128xf32>, vector<128x128xf32> -> vector<128x128xf32>
    %div3A_10 = arith.constant 9.999000e+03 : f32
    %div3A_11 = vector.broadcast %div3A_10 : f32 to vector<128x128xf32>
    %div3A_12 = arith.divf %dot_general3A_9, %div3A_11 : vector<128x128xf32>
    %iota3A = tpu.iota {dimensions = array<i32: 0>} : vector<128x128xi32>
    %iota3A_13 = tpu.iota {dimensions = array<i32: 1>} : vector<128x128xi32>
    %eq3A = arith.cmpi eq, %iota3A, %iota3A_13 : vector<128x128xi32>
    %jit3A = arith.constant 0.000000e+00 : f32
    %broadcast_in_dim3A_14 = vector.broadcast %jit3A : f32 to vector<128x128xf32>
    %select_n3A = arith.select %eq3A, %div3A_12, %broadcast_in_dim3A_14 : vector<128x128xi1>, vector<128x128xf32>
    %reduce_sum3A_15 = arith.constant dense<0.000000e+00> : vector<128xf32>
    %reduce_sum3A_16 = vector.multi_reduction <add>, %select_n3A, %reduce_sum3A_15 [1] : vector<128x128xf32> to vector<128xf32>
    %sqrt3A = math.sqrt %reduce_sum3A_16 : vector<128xf32>
    %broadcast_in_dim3A_17 = vector.shape_cast %sqrt3A : vector<128xf32> to vector<128x1xf32>
    %broadcast_in_dim3A_18 = vector.shape_cast %sqrt3A : vector<128xf32> to vector<1x128xf32>
    %mul3A = vector.broadcast %broadcast_in_dim3A_17 : vector<128x1xf32> to vector<128x128xf32>
    %mul3A_19 = vector.broadcast %broadcast_in_dim3A_18 : vector<1x128xf32> to vector<128x128xf32>
    %mul3A_20 = arith.mulf %mul3A, %mul3A_19 : vector<128x128xf32>
    %gt3A = arith.constant 0.000000e+00 : f32
    %gt3A_21 = vector.broadcast %gt3A : f32 to vector<128x128xf32>
    %gt3A_22 = arith.cmpf ogt, %mul3A_20, %gt3A_21 : vector<128x128xf32>
    %div3A_23 = arith.divf %div3A_12, %mul3A_20 : vector<128x128xf32>
    %jit3A_24 = arith.constant 0.000000e+00 : f32
    %broadcast_in_dim3A_25 = vector.broadcast %jit3A_24 : f32 to vector<128x128xf32>
    %select_n3A_26 = arith.select %gt3A_22, %div3A_23, %broadcast_in_dim3A_25 : vector<128x128xi1>, vector<128x128xf32>
    %jit3A_27 = arith.constant 0.000000e+00 : f32
    %broadcast_in_dim3A_28 = vector.broadcast %jit3A_27 : f32 to vector<128x128xf32>
    %select_n3A_29 = arith.select %eq3A, %broadcast_in_dim3A_28, %select_n3A_26 : vector<128x128xi1>, vector<128x128xf32>
    %mul3A_30 = arith.constant -0.105360515 : f32
    %mul3A_31 = vector.broadcast %mul3A_30 : f32 to vector<10000x1xf32>
    %mul3A_32 = arith.mulf %get3A_4, %mul3A_31 : vector<10000x1xf32>
    %exp3A = math.exp %mul3A_32 : vector<10000x1xf32>
    %mul3A_33 = vector.broadcast %exp3A : vector<10000x1xf32> to vector<10000x128xf32>
    %mul3A_34 = arith.mulf %mul3A_33, %sub3A_8 : vector<10000x128xf32>
    %dot_general3A_35 = arith.constant dense<0.000000e+00> : vector<10000x128xf32>
    %dot_general3A_36 = tpu.matmul %mul3A_34, %select_n3A_29, %dot_general3A_35 {dimension_numbers = #tpu.dot_dimension_numbers<[1], [0], [0], [1], [0, 0, 1, 1], [], []>, transpose_lhs_hint = false} : vector<10000x128xf32>, vector<128x128xf32>, vector<10000x128xf32> -> vector<10000x128xf32>
    %sub3A_37 = arith.constant 1.000000e+00 : f32
    %sub3A_38 = vector.broadcast %sub3A_37 : f32 to vector<10000x1xf32>
    %sub3A_39 = arith.subf %sub3A_38, %exp3A : vector<10000x1xf32>
    %mul3A_40 = arith.constant 5.000000e-01 : f32
    %mul3A_41 = vector.broadcast %mul3A_40 : f32 to vector<10000x1xf32>
    %mul3A_42 = arith.mulf %mul3A_41, %sub3A_39 : vector<10000x1xf32>
    %mul3A_43 = vector.broadcast %mul3A_42 : vector<10000x1xf32> to vector<10000x128xf32>
    %mul3A_44 = arith.mulf %mul3A_43, %dot_general3A_36 : vector<10000x128xf32>
    %add3A = arith.addf %get3A_1, %mul3A_44 : vector<10000x128xf32>
    %swap3A = arith.constant 0 : index
    %swap3A_45 = arith.constant 0 : index
    %swap3A_46 = vector.load %arg2[%swap3A, %swap3A_45] : memref<10000x128xf32, #tpu.memory_space<vmem>>, vector<10000x128xf32>
    tpu.vector_store %arg2[%swap3A, %swap3A_45], %add3A {strides = array<i32>} : memref<10000x128xf32, #tpu.memory_space<vmem>>, vector<10000x128xf32>,
    return
  }
}

</mosaic_0001>

<sc_bundles>
// kernel: kernel.4.cloned.1.call-start
scs
__scs_entry_jumppad:
0x0: {  	(pc) =	sbr.rel $0x88, $3  }
0x1: {  	(tag) =	ssettag $0x0;
	lr =	simm.s32 $0x1  }
0x2: {  	[smem:$0x3F9E] =	sst lr;
	_ =	strace $0xD0000000  }
0x3: {  	_ = 	snop  }
0x4: {  	_ = 	snop  }
0x5: {  	_ = 	snop  }
0x6: {  	_ = 	snop  }
0x7: {  	_ = 	snop  }
__scs_overlays_trampoline_lowered:
0x8: {  	[smem:$0x3FAD] =	sst s0  }
0x9: {  	[smem:$0x3FAE] =	sst s1  }
0xa: {  	[smem:$0x3FAF] =	sst s2  }
0xb: {  	[smem:$0x3FB0] =	sst s3  }
0xc: {  	[smem:$0x3FB1] =	sst s4  }
0xd: {  	[smem:$0x3FB2] =	sst s5  }
0xe: {  	[smem:$0x3FB3] =	sst s6  }
0xf: {  	[smem:$0x3FB4] =	sst s7  }
0x10: {  	[smem:$0x3FB5] =	sst s8  }
0x11: {  	[smem:$0x3FB6] =	sst s9;
	s0 =	simm.s32 @!p0 $0x0  }
0x12: {  	s1 =	sld [smem:$0x3F9C];
	s0 =	simm.s32 @p0 $0x1  }
0x13: {  	[smem:$0x3FB7] =	sst s0;
	s0 =	simm.s32 @!p1 $0x0  }
0x14: {  	s2 =	sld [smem:$0x3F9B];
	s0 =	simm.s32 @p1 $0x1  }
0x15: {  	[smem:$0x3FB8] =	sst s0;
	s0 =	simm.s32 @!p2 $0x0  }
0x16: {  	s3 =	sld [smem:$0x3FDB];
	s0 =	simm.s32 @p2 $0x1  }
0x17: {  	s4 =	simm.s32 $0x1BF5;
	[smem:$0x3FBA] =	sst s0  }
0x18: {  	s0 =	sld [smem:$0x3F9D];
	_ =	swait.ge [sflag:s4], $0x0  }
0x19: {  	s7 =	sld [smem:$0x3F9E]  }
0x1a: {  	s8 =	sadd.s32 $0xFFFFE003, lr  }
0x1b: {  	s9 =	sadd.s32 $0xFFFFFEF7, lr;
	s5 =	simm.s32 $0xFFFFFFFF;
	p2 =	slt.u32 s8, $0xFFFFF086  }
0x1c: {  	p1 =	slt.u32 s9, $0xF7A;
	s5 =	simm.s32 @!p2 $0x0  }
0x1d: {  	s5 =	simm.s32 @p1 $0x1;
	p0 =	seq.s32 s7, s2  }
0x1e: {  	s7 =	smul.u32 @!p0 $0xF7A, s2;
	p2 =	seq.s32 @!p0 s5, $0x0  }
0x1f: {  	s9 =	smul.u32 $0xF7A, s1;
	s8 =	simm.s32 @!p0 $0x1BF5;
	p2 =	por !p2, p0  }
0x20: {  	[sflag:s8] =	ssyncset.s32 @!p0 $0xFFFFF086;
	s6 =	sadd.s32 @!p0 s3, s7;
	s7 =	simm.s32 @!p0 $0x108  }
0x21: {  	s3 =	sadd.s32 s3, s9;
	s6 =	sadd.s32 @!p0 $0x88, s6;
	s7 =	simm.s32 @p2 $0x1082  }
0x22: {  	[simem:s7], [sflag:s8] =	dma.local @!p0 [hbm:s6], $0xF7A  }
0x23: {  	s9 =	sor.u32 $0xD0000000, s2;
	s6 =	simm.s32 $0x108;
	_ =	swait.ge @!p0 [sflag:s8], $0x0  }
0x24: {  	s3 =	sadd.s32 $0x88, s3;
	s6 =	simm.s32 @!p1 $0x1082;
	[sflag:s4] =	ssyncset.s32 $0xFFFFF086  }
0x25: {  	[simem:s6], [sflag:s4] =	dma.local [hbm:s3], $0xF7A  }
0x26: {  	[smem:$0x3F9E] =	sst s1;
	(tag) =	ssettag s2;
	_ =	strace s9  }
0x27: {  	s1 =	sld [smem:$0x3FAE]  }
0x28: {  	s2 =	sld [smem:$0x3FAF]  }
0x29: {  	s4 =	sld [smem:$0x3FB1]  }
0x2a: {  	p0 =	seq.s32 s5, $0x0;
	s5 =	sld [smem:$0x3FB2]  }
0x2b: {  	s6 =	sld [smem:$0x3FB3]  }
0x2c: {  	s7 =	sld [smem:$0x3FB4]  }
0x2d: {  	s3 =	simm.s32 $0x108;
	s8 =	sld [smem:$0x3FB5]  }
0x2e: {  	s3 =	simm.s32 @!p0 $0x1082;
	s9 =	sld [smem:$0x3FB6]  }
0x2f: {  	lr =	sadd.s32 s0, s3;
	s0 =	sld [smem:$0x3FAD]  }
0x30: {  	s3 =	sld [smem:$0x3FB0]  }
0x31: {  	[smem:$0x3FB9] =	sst s10  }
0x32: {  	s10 =	sld [smem:$0x3FB7];
	_ =	sdelay $0x3  }
0x33: {  	p0 =	seq.s32 s10, $0x1;
	s10 =	sld [smem:$0x3FB9];
	_ =	sdelay $0x3  }
0x34: {  	[smem:$0x3FB9] =	sst s10  }
0x35: {  	s10 =	sld [smem:$0x3FB8];
	_ =	sdelay $0x3  }
0x36: {  	p1 =	seq.s32 s10, $0x1;
	s10 =	sld [smem:$0x3FB9];
	_ =	sdelay $0x3  }
0x37: {  	[smem:$0x3FB9] =	sst s10  }
0x38: {  	s10 =	sld [smem:$0x3FBA]  }
0x39: {  	_ = 	snop;
	(pc) =	sbr.ind lr, $3  }
0x3a: {  	_ = 	snop  }
0x3b: {  	_ = 	snop  }
0x3c: {  	p2 =	seq.s32 s10, $0x1;
	s10 =	sld [smem:$0x3FB9]  }
0x3d: {  	_ =	shalt  }
0x3e: {  	_ =	shalt  }
0x3f: {  	_ =	shalt  }
0x40: {  	_ =	shalt  }
0x41: {  	_ =	shalt  }
0x42: {  	_ =	shalt  }
0x43: {  	_ =	shalt  }
0x44: {  	_ =	shalt  }
0x45: {  	_ =	shalt  }
0x46: {  	_ =	shalt  }
0x47: {  	_ =	shalt  }
0x48: {  	_ =	shalt  }
0x49: {  	_ =	shalt  }
0x4a: {  	_ =	shalt  }
0x4b: {  	_ =	shalt  }
0x4c: {  	_ =	shalt  }
0x4d: {  	_ =	shalt  }
0x4e: {  	_ =	shalt  }
0x4f: {  	_ =	shalt  }
0x50: {  	_ =	shalt  }
0x51: {  	_ =	shalt  }
0x52: {  	_ =	shalt  }
0x53: {  	_ =	shalt  }
0x54: {  	_ =	shalt  }
0x55: {  	_ =	shalt  }
0x56: {  	_ =	shalt  }
0x57: {  	_ =	shalt  }
0x58: {  	_ =	shalt  }
0x59: {  	_ =	shalt  }
0x5a: {  	_ =	shalt  }
0x5b: {  	_ =	shalt  }
0x5c: {  	_ =	shalt  }
0x5d: {  	_ =	shalt  }
0x5e: {  	_ =	shalt  }
0x5f: {  	_ =	shalt  }
0x60: {  	_ =	shalt  }
0x61: {  	_ =	shalt  }
0x62: {  	_ =	shalt  }
0x63: {  	_ =	shalt  }
0x64: {  	_ =	shalt  }
0x65: {  	_ =	shalt  }
0x66: {  	_ =	shalt  }
0x67: {  	_ =	shalt  }
0x68: {  	_ =	shalt  }
0x69: {  	_ =	shalt  }
0x6a: {  	_ =	shalt  }
0x6b: {  	_ =	shalt  }
0x6c: {  	_ =	shalt  }
0x6d: {  	_ =	shalt  }
0x6e: {  	_ =	shalt  }
0x6f: {  	_ =	shalt  }
0x70: {  	_ =	shalt  }
0x71: {  	_ =	shalt  }
0x72: {  	_ =	shalt  }
0x73: {  	_ =	shalt  }
0x74: {  	_ =	shalt  }
0x75: {  	_ =	shalt  }
0x76: {  	_ =	shalt  }
0x77: {  	_ =	shalt  }
0x78: {  	_ =	shalt  }
0x79: {  	_ =	shalt  }
0x7a: {  	_ =	shalt  }
0x7b: {  	_ =	shalt  }
0x7c: {  	_ =	shalt  }
0x7d: {  	_ =	shalt  }
0x7e: {  	_ =	shalt  }
0x7f: {  	_ =	shalt  }
0x80: {  	_ =	shalt  }
0x81: {  	_ =	shalt  }
0x82: {  	_ =	shalt  }
0x83: {  	_ =	shalt  }
0x84: {  	_ =	shalt  }
0x85: {  	_ =	shalt  }
0x86: {  	_ =	shalt  }
0x87: {  	_ =	shalt  }
.Lfunc_end0:
.L_simem_size_0:
called_computation_lowered:
.L_overlay_start_0:
0x88: {  	s2 =	sld [smem:$0x3FD9]  }
0x89: {  	s3 =	sld [smem:$0x3FFE];
	_ =	sdelay $0x1  }
0x8a: {  	s1 =	srdreg.scid  }
0x8b: {  	s0 =	sand.u32 $0x1, s1  }
0x8c: {  	s17 =	sshll.u32 s0, $0xA;
	s2 =	sadd.s32 s3, s2  }
0x8d: {  	s2 =	sadd.s32 s2, s17  }
0x8e: {  	[smem:$0x3FC5] =	sst s2  }
0x8f: {  	_ = 	snop  }
0x90: {  	s2 =	sld [smem:$0x3FD0];
	(tm) =	ssettm $0x1  }
0x91: {  	s18 =	sld [smem:$0x3FFB];
	_ =	sdelay $0x3  }
0x92: {  	_ =	strace s18  }
0x93: {  	s3 =	sld [smem:$0x3FFC];
	_ =	sdelay $0x3  }
0x94: {  	_ =	strace s3  }
0x95: {  	s3 =	sld [smem:$0x3FFD];
	_ =	sdelay $0x3  }
0x96: {  	_ =	strace s3  }
0x97: {  	_ =	strace $0x8FFFFFFF  }
0x98: {  	s19 =	sld [smem:$0x3FDB];
	_ =	sdelay $0x1  }
0x99: {  	s4 =	simm.s32 $_scs_section_size  }
0x9a: {  	s5 =	simm.s32 $_size__tile_overlayer_lowered;
	s6 =	simm.s32 $_tile_overlayer_lowered  }
0x9b: {  	s22 =	simm.s32 $0x1BFF;
	s21 =	sshll.u32 s6, $0x1;
	s3 =	sadd.s32 s4, s19  }
0x9c: {  	s7 =	simm.s32 $0x0;
	s20 =	sshll.u32 s5, $0x1;
	s5 =	sadd.s32 s21, s3  }
0x9d: {  	[timem:s7], [sflag:s22] =	dma.local [hbm:s5], s20  }
0x9e: {  	_ =	swait.ge [sflag:s22], s20  }
0x9f: {  	s4 =	ssub.s32 $0x0, s20;
	[sflag:s22] =	ssyncset.done $0x0  }
0xa0: {  	[sflag:s22] =	ssyncadd.s32 s4;
	_ =	sdelay $0x1  }
0xa1: {  	s23 =	simm.s32 $0x1B8B  }
0xa2: {  	_ =	swait.ge [sflag:s23], $0x1  }
0xa3: {  	[sflag:s23] =	ssyncset.done $0x0  }
0xa4: {  	s25 =	simm.s32 $0x1B8E;
	s24 =	sld [smem:$0x3FFE];
	[sflag:s23] =	ssyncadd.s32 $0xFFFFFFFF  }
0xa5: {  	s26 =	simm.s32 $execute0_lowered;
	[smem:$0x3FD2] =	sst s25  }
0xa6: {  	s5 =	sshll.u32 s26, $0x1;
	_ =	strace $0x80000046;
	[dreg:$0x1] =	wrdreg $0xFFFFFFFF  }
0xa7: {  	s28 =	simm.s32 $_size_execute0_lowered;
	s3 =	sadd.s32 s3, s5;
	[dreg:$0x0] =	wrdreg $0x0  }
0xa8: {  	s5 =	sshll.u32 s28, $0x1;
	[dreg:$0x2] =	wrdreg s3  }
0xa9: {  	[dreg:$0x3] =	wrdreg s5  }
0xaa: {  	[dreg:$0x4] =	wrdreg $0xC0  }
0xab: {  	_ =	task [dreg:s7], $0x5FFFF  }
0xac: {  	[dreg:$0x1] =	wrdreg $0xFFFFFFFF  }
0xad: {  	[dreg:$0x0] =	wrdreg $0x60  }
0xae: {  	[dreg:$0x2] =	wrdreg s24  }
0xaf: {  	[dreg:$0x3] =	wrdreg s2  }
0xb0: {  	[dreg:$0x4] =	wrdreg $0x1EE000  }
0xb1: {  	[dreg:$0x5] =	wrdreg $0x1F0800  }
0xb2: {  	[dreg:$0x6] =	wrdreg $0x14DC00  }
0xb3: {  	[dreg:$0x7] =	wrdreg $0x9  }
0xb4: {  	_ =	task.clear_ibuf [dreg:s7], $0x8FFFF;
	_ =	strace $0x90000046  }
0xb5: {  	s29 =	simm.s32 $0x9;
	_ =	strace $0x80000048  }
0xb6: {  	_ =	swait.ge [sflag:s29], $0x1  }
0xb7: {  	[sflag:s29] =	ssyncadd.s32 $0xFFFFFFFF  }
0xb8: {  	_ =	strace $0x90000048  }
0xb9: {  	_ =	sfence  }
0xba: {  	s30 =	sld [smem:$0x0];
	_ =	sdelay $0x2  }
0xbb: {  	s31 =	sshll.u32 s1, $0xD;
	s1 =	sshrl.u32 s1, $0x2  }
0xbc: {  	s3 =	sand.u32 $0x4000, s31;
	s1 =	sadd.s32 s1, s30  }
0xbd: {  	s0 =	sor.u32 s3, s0;
	s1 =	sshll.u32 s1, $0x11  }
0xbe: {  	s0 =	sor.u32 s1, s0  }
0xbf: {  	s0 =	sadd.s32 $0x8F2B, s0  }
0xc0: {  	[sflag:s0] =	ssyncadd.remote.s32 $0x1  }
0xc1: {  	_ =	sfence.sel $0xFFFF  }
0xc2: {  	[dreg:$0x0] =	wrdreg $0xFFFFFFFF;
	(pc) =	sbr.abs _section_cstart, $3  }
0xc3: {  	[dreg:$0x1] =	wrdreg $0xFFFFFFFF  }
0xc4: {  	_ =	task.clear_ibuf [dreg:s7], $0x2FFFF;
	_ =	strace $0x9FFFFFFF  }
0xc5: {  	(tm) =	ssettm $0x7FFFFFFF  }
tec
execute0_lowered:
.L_overlay_start_1:
0x0: {  	(tag) =	ssettag $0x1  }
0x1: {  	s0 =	rddreg [dreg:$0x0]  }
0x2: {  	s9 =	rddreg [dreg:$0x1]  }
0x3: {  	s15 =	rddreg [dreg:$0x2]  }
0x4: {  	s12 =	rddreg [dreg:$0x3]  }
0x5: {  	s1 =	srdreg.scid;
	s4 =	rddreg [dreg:$0x4]  }
0x6: {  	s7 =	simm.s32 $0x0;
	s8 =	stileid.u32;
	v2 =	vimm.s32 $0x3000;
	vm0 =	vcmask $0x704;
	s29 =	simm.s32 $0x138C0  }
0x7: {  	vm1 =	vcmask $0xB08;
	vm2 =	vcmask $0xF0C;
	vm3 =	vcmask $0x1310;
	s30 =	simm.s32 $0x6;
	s28 =	simm.s32 $0x118C0;
	s2 =	smul.u32 $0x3E8, s8  }
0x8: {  	vm4 =	vcmask $0x1714;
	v6 =	vimm.s32 $0xFEDCBA98;
	v8 =	vimm.s32 $0x1B1A1918;
	s31 =	simm.s32 $0x1;
	s1 =	sand.u32 $0x1, s1;
	s14 =	smul.u32 $0x4E20, s8  }
0x9: {  	v7 =	vimm.s32 $0x3010;
	v9 =	vimm.s32 $0x1F1E1D1C;
	[smem:$0x7FF] =	sst s7;
	s20 =	sadd.s32 $0x28E00, s0;
	s25 =	smul.u32 $0x280, s8  }
0xa: {  	vm5 =	vcmask $0x1B18;
	v10 =	vimm.s32 $0x3B3A3938;
	s23 =	sadd.s32 $0xE00, s0;
	s10 =	sadd.s32 $0x5AC00, s0;
	s24 =	smul.u32 $0x1400, s8  }
0xb: {  	v1 =	vimm.s32 $0x0;
	vm6 =	vcmask $0x1F1C;
	v11 =	vimm.s32 $0x3F3E3D3C;
	s11 =	sadd.s32 $0x50E00, s0;
	p1 =	slt.u32 s8, $0xA;
	s8 =	smul.u32 $0x28000, s8  }
0xc: {  	vm7 =	vcmask $0x1F10;
	v3 =	vsel vm0, $0x3041, v2;
	v2 =	vimm.f32 $0.0e+00;
	s3 =	sadd.s32 $0x800, s0;
	s13 =	sadd.s32 $0x64A00, s0;
	s19 =	smul.u32 $0x2800, s1  }
0xd: {  	v6 =	vunpack.c.l.s4.s8 v6;
	v7 =	vsel vm0, $0x3051, v7;
	v8 =	vunpack.c.0.s8.s32 v8;
	_ =	strace $0x80000047;
	[dreg:$0x9] =	wrdreg s3;
	s21 =	ssub.s32 $0x2, s1  }
0xe: {  	v9 =	vunpack.c.0.s8.s32 v9;
	v4 =	vsel vm1, $0x3082, v3;
	p0 =	seq.s32 s1, $0x0;
	s6 =	smul.u32 $0x4E200, s1;
	v7 =	vsel vm1, $0x3092, v7;
	[dreg:$0x7] =	wrdreg s20  }
0xf: {  	v3 =	vlaneseq.u32;
	s1 =	smul.u32 $0x14000, s1;
	[dreg:$0x8] =	wrdreg s23;
	s18 =	sshrl.u32 s2, $0x3;
	v5 =	vsel vm2, $0x30C3, v4;
	v7 =	vsel vm2, $0x30D3, v7  }
0x10: {  	v4 =	vor.u32 $0x10, v3;
	s5 =	sshrl.u32 s21, $0x1;
	p0 =	por !p0, !p1;
	s22 =	sadd.s32 $0x2800, s2;
	v5 =	vsel vm3, $0x3104, v5;
	v7 =	vsel vm3, $0x3114, v7  }
0x11: {  	v6 =	vunpack.c.0.s8.s32 v6;
	s26 =	sshrl.u32 s14, $0x3;
	s2 =	simm.s32 $0x128C0;
	[dreg:$0xa] =	wrdreg s25;
	v5 =	vsel vm4, $0x3145, v5;
	v7 =	vsel vm4, $0x3155, v7  }
0x12: {  	v0 =	vmov s19;
	s0 =	sadd.s32 s18, s0;
	s3 =	ssub.s32 s21, s5;
	[dreg:$0xd] =	wrdreg s22;
	v5 =	vsel vm5, $0x3186, v5;
	v7 =	vsel vm5, $0x3196, v7  }
0x13: {  	p0 =	por !p0, !p0;
	[dreg:$0xb] =	wrdreg s6;
	s17 =	sadd.s32 s14, s6;
	v6 =	vand.u32 $0xF, v6;
	v5 =	vsel vm6, $0x31C7, v5;
	v7 =	vsel vm6, $0x31D7, v7  }
0x14: {  	s5 =	sadd.s32 s1, s13;
	s16 =	sadd.s32 s11, s26;
	[dreg:$0x6] =	wrdreg s19;
	v5 =	vcombine.low v5, v6;
	v6 =	vsel vm7, v9, v8;
	v8 =	vimm.s32 $0x2F2E2D2C  }
0x15: {  	s1 =	sadd.s32 s1, s20;
	s18 =	sadd.s32 s10, s26;
	[dreg:$0xf] =	wrdreg s16;
	v9 =	vimm.s32 $0x3020;
	v6 =	vcombine.low v7, v6;
	v7 =	vimm.s32 $0x2B2A2928  }
0x16: {  	s21 =	sshrl.u32 s8, $0x2;
	s26 =	sadd.s32 s25, s12;
	[dreg:$0x10] =	wrdreg s18;
	v12 =	vunpack.c.0.s8.s32 v7;
	v7 =	vsel vm0, $0x3061, v9;
	v9 =	vimm.s32 $0x3030  }
0x17: {  	s0 =	sadd.s32 $0x8CA00, s0;
	s6 =	sadd.s32 s24, s5;
	[dreg:$0x15] =	wrdreg s26;
	v8 =	vunpack.c.0.s8.s32 v8;
	v13 =	vsel vm1, $0x30A2, v7;
	v9 =	vsel vm0, $0x3071, v9  }
0x18: {  	s5 =	sadd.s32 s24, s1;
	s17 =	sshrl.u32 s17, $0x3;
	[dreg:$0xc] =	wrdreg s0;
	v7 =	vor.u32 $0x20, v3;
	v13 =	vsel vm2, $0x30E3, v13;
	v9 =	vsel vm1, $0x30B2, v9  }
0x19: {  	s22 =	smax.u32 s3, $0x1;
	s24 =	sadd.s32 s25, s15;
	[dreg:$0xe] =	wrdreg s6;
	v12 =	vsel vm7, v8, v12;
	v13 =	vsel vm3, $0x3124, v13;
	v8 =	vsel vm2, $0x30F3, v9  }
0x1a: {  	s18 =	simm.s32 $0xC8;
	s26 =	simm.s32 $0xAA00;
	[dreg:$0x12] =	wrdreg s22;
	v9 =	vunpack.c.0.s8.s32 v10;
	v10 =	vunpack.c.0.s8.s32 v11;
	v11 =	vsel vm3, $0x3134, v8  }
0x1b: {  	s3 =	simm.s32 $0x4;
	s0 =	sadd.s32 s9, s17;
	[dreg:$0x14] =	wrdreg s24;
	v8 =	vor.u32 $0x30, v3;
	v13 =	vsel vm4, $0x3165, v13;
	v11 =	vsel vm4, $0x3175, v11  }
0x1c: {  	s24 =	simm.s32 $0x2800;
	s22 =	simm.s32 $0x2;
	s17 =	simm.s32 $0x108C0;
	v13 =	vsel vm5, $0x31A6, v13;
	v14 =	vsel vm7, v10, v9;
	v10 =	vsel vm5, $0x31B6, v11  }
0x1d: {  	s6 =	simm.s32 $0x0;
	[dreg:$0x11] =	wrdreg s0;
	s0 =	sadd.s32 s21, s4;
	v9 =	vimm.s32 $0x2711;
	v11 =	vsel vm6, $0x31E7, v13;
	v13 =	vsel vm6, $0x31F7, v10  }
0x1e: {  	s21 =	simm.s32 $0x7800;
	[dreg:$0x13] =	wrdreg s0;
	s0 =	simm.s32 $0x3;
	v10 =	vcombine.low v11, v12;
	v11 =	vmul.u32 $0x40, v3;
	v12 =	vcombine.low v13, v14  }
.LBB2_1:
0x1f: {  	[dreg:$0x16] =	wrdreg s6;
	s1 =	simm.s32 $0x0  }
.LBB2_2:
0x20: {  	p1 =	sne.s32 s1, $0x9C0  }
.Ltmp0:
0x21: {  	_ = 	snop;
	(pc) =	sbr.rel @p1 .LBB2_2-.Ltmp0, $4  }
0x22: {  	_ = 	snop  }
0x23: {  	s6 =	sshra.s32 s1, $0x2  }
0x24: {  	[tilespmem:s6+$0x148C0] =	vst v1  }
0x25: {  	s1 =	sadd.s32 $0x40, s1;
	[tilespmem:s6+$0x14B40] =	vst v2  }
0x26: {  	s1 =	simm.s32 $0x0  }
0x27: {  	v15 =	vor.u32 s1, v3;
	_ =	sdelay $0x2  }
0x28: {  	v13 =	vor.u32 s1, v4  }
0x29: {  	s6 =	simm.s32 $0x1;
	v14 =	vor.u32 s1, v7  }
.LBB2_4:
0x2a: {  	[tilespmem:v15+s29+$0x0] =	vst.idx.msk $0xffff, v2;
	v16 =	vor.u32 s1, v8;
	s1 =	sshll.u32 s6, $0x6;
	p1 =	sne.s32 s6, $0x3F  }
.Ltmp1:
0x2b: {  	v15 =	vor.u32 s1, v3;
	(pc) =	sbr.rel @p1 .LBB2_4-.Ltmp1, $4  }
0x2c: {  	_ = 	snop  }
0x2d: {  	[tilespmem:v13+s29+$0x0] =	vst.idx.msk $0xffff, v2  }
0x2e: {  	v13 =	vor.u32 s1, v4;
	[tilespmem:v14+s29+$0x0] =	vst.idx.msk $0xffff, v2  }
0x2f: {  	s6 =	sadd.s32 $0x1, s6;
	v14 =	vor.u32 s1, v7;
	[tilespmem:v16+s29+$0x0] =	vst.idx.msk $0xffff, v2  }
0x30: {  	_ =	sdelay $0x1  }
0x31: {  	v16 =	vor.u32 s1, v8;
	_ =	sdelay $0x1  }
0x32: {  	[tilespmem:v15+s29+$0x0] =	vst.idx.msk $0xffff, v2  }
0x33: {  	[tilespmem:v13+s29+$0x0] =	vst.idx.msk $0xffff, v2  }
0x34: {  	[tilespmem:v14+s29+$0x0] =	vst.idx.msk $0xffff, v2  }
0x35: {  	s25 =	simm.s32 $0x0;
	s6 =	rddreg [dreg:$0x9];
	[tilespmem:v16+s29+$0x0] =	vst.idx.msk $0xffff, v2  }
0x36: {  	[tilespmem:s25], [sflag:$0x6] =	stream.linear.gather [hbm4b:s6+s25], $0x2710, $0x38;
	[tilespmem:$0x1F300] =	vst v63  }
0x37: {  	_ =	swait.ge [sflag:s30], $0x2710  }
0x38: {  	[sflag:s30] =	ssyncset.done $0x0  }
0x39: {  	s1 =	simm.s32 $0x0;
	s6 =	simm.s32 $0x40;
	[sflag:s30] =	ssyncadd.s32 $0xFFFFD8F0  }
.LBB2_6:
0x3a: {  	p1 =	sne.s32 s6, $0x9C00;
	v13 =	vld [tilespmem:s1+$0x0];
	_ =	sdelay $0x3  }
.Ltmp2:
0x3b: {  	(pc) =	sbr.rel @p1 .LBB2_6-.Ltmp2, $3  }
0x3c: {  	v13 =	vsub.s32 $0x1, v13  }
0x3d: {  	v13 =	vmul.u32 $0x2711, v13;
	_ =	sdelay $0x1  }
0x3e: {  	[tilespmem:s1+$0x0] =	vst v13;
	s1 =	sshra.s32 s6, $0x2;
	s6 =	sadd.s32 $0x40, s6  }
0x3f: {  	v13 =	vld [tilespmem:s1+$0x0];
	_ =	sdelay $0x4  }
0x40: {  	v13 =	vsub.s32 $0x1, v13  }
0x41: {  	v13 =	vmul.u32 $0x2711, v13;
	_ =	sdelay $0x1  }
0x42: {  	[tilespmem:s1+$0x0] =	vst v13  }
0x43: {  	[tilespmem:$0x2710] =	vst v9  }
0x44: {  	[tilespmem:$0x2720] =	vst v9  }
0x45: {  	[tilespmem:$0x2730] =	vst v9  }
0x46: {  	[tilespmem:$0x2740] =	vst v9  }
0x47: {  	[tilespmem:$0x2750] =	vst v9  }
0x48: {  	[tilespmem:$0x2760] =	vst v9  }
0x49: {  	[tilespmem:$0x2770] =	vst v9  }
0x4a: {  	[tilespmem:$0x2780] =	vst v9  }
0x4b: {  	[tilespmem:$0x2790] =	vst v9  }
0x4c: {  	[tilespmem:$0x27A0] =	vst v9  }
0x4d: {  	[tilespmem:$0x27B0] =	vst v9  }
0x4e: {  	[tilespmem:$0x27C0] =	vst v9  }
0x4f: {  	[tilespmem:$0x27D0] =	vst v9  }
0x50: {  	[tilespmem:$0x27E0] =	vst v9  }
0x51: {  	s25 =	rddreg [dreg:$0x14];
	s6 =	simm.s32 $0x148C0;
	[tilespmem:$0x27F0] =	vst v9  }
0x52: {  	[spmem:s25] =	stream.linear.scatter [tilespmem:s6], [sflag:$0x6], $0x280, $0x38;
	[tilespmem:$0x1F300] =	vst v63  }
0x53: {  	_ =	swait.ge [sflag:s30], $0x280  }
0x54: {  	[sflag:s30] =	ssyncset.done $0x0  }
0x55: {  	[sflag:s30] =	ssyncadd.s32 $0xFFFFFD80  }
0x56: {  	s1 =	simm.s32 $0x0;
	[bflag:$0x0] =	sbarrier.arrive $0xFFFF  }
.LBB2_8:
0x57: {  	s6 =	simm.s32 $0x0  }
.LBB2_9:
0x58: {  	s8 =	smul.u32 $0x7D0, s6;
	_ =	sdelay $0x1  }
0x59: {  	s8 =	sadd.s32 s14, s8  }
0x5a: {  	s8 =	sshrl.u32 s8, $0x3  }
0x5b: {  	s12 =	simm.s32 $0x0;
	s16 =	simm.s32 $0xDF20;
	s9 =	sadd.s32 s11, s8  }
0x5c: {  	[tilespmem:s16], [sflag:$0x6] =	stream.linear.gather [hbm4b:s9+s12], $0x7D0, $0x38;
	[tilespmem:$0x1F300] =	vst v63  }
0x5d: {  	_ =	swait.ge [sflag:s30], $0x7D0  }
0x5e: {  	[sflag:s30] =	ssyncset.done $0x0  }
0x5f: {  	s8 =	sadd.s32 s10, s8;
	s16 =	simm.s32 $0xE6F0;
	[sflag:s30] =	ssyncadd.s32 $0xFFFFF830  }
0x60: {  	[tilespmem:s16], [sflag:$0x6] =	stream.linear.gather [hbm4b:s8+s12], $0x7D0, $0x38;
	[tilespmem:$0x1F300] =	vst v63  }
0x61: {  	_ =	swait.ge [sflag:s30], $0x7D0  }
0x62: {  	[sflag:s30] =	ssyncset.done $0x0  }
0x63: {  	s9 =	simm.s32 $0x0;
	[sflag:s30] =	ssyncadd.s32 $0xFFFFF830  }
0x64: {  	v13 =	vld [tilespmem:s9+$0xDF20];
	_ =	sdelay $0x7  }
0x65: {  	s8 =	simm.s32 $0x10;
	s12 =	simm.s32 $0x80;
	v13 =	vld.idx.msk [tilespmem:v13+s7+$0x0], $0xffff  }
.LBB2_10:
0x66: {  	p1 =	sne.s32 s12, $0x1F00;
	v14 =	vld [tilespmem:s8+$0xDF20];
	_ =	sdelay $0x3  }
.Ltmp3:
0x67: {  	(pc) =	sbr.rel @p1 .LBB2_10-.Ltmp3, $4  }
0x68: {  	vm0 =	vlt.s32 v13, $0x2711  }
0x69: {  	v13 =	vsel vm0, $0x1, v1  }
0x6a: {  	[tilespmem:s9+$0xF6A0] =	vst v13;
	s9 =	smov.u32 s8  }
0x6b: {  	s8 =	sshra.s32 s12, $0x2;
	s12 =	sadd.s32 $0x40, s12;
	v13 =	vld.idx.msk [tilespmem:v14+s7+$0x0], $0xffff  }
0x6c: {  	v14 =	vld [tilespmem:s8+$0xDF20];
	_ =	sdelay $0x4  }
0x6d: {  	vm0 =	vlt.s32 v13, $0x2711  }
0x6e: {  	v13 =	vsel vm0, $0x1, v1  }
0x6f: {  	[tilespmem:s9+$0xF6A0] =	vst v13  }
0x70: {  	v13 =	vld.idx.msk [tilespmem:v14+s7+$0x0], $0xffff;
	_ =	sdelay $0x4  }
0x71: {  	s6 =	sadd.s32 $0x1, s6;
	vm15 =	vlt.s32 v13, $0x2711  }
0x72: {  	p1 =	sne.s32 s6, $0xA;
	v13 =	vsel vm15, $0x1, v1  }
.Ltmp4:
0x73: {  	s23 =	simm.s32 $0x7D0;
	s25 =	simm.s32 $0xF6A0;
	[tilespmem:s8+$0xF6A0] =	vst v13;
	(pc) =	sbr.rel @p1 .LBB2_9-.Ltmp4, $4  }
0x74: {  	[spmem:s15] =	stream.indirect.scatter.add.s32 [tilespmem:s25], [sflag:$0x6], $0x1, s16, s23, $0xb8;
	[tilespmem:$0x1F300] =	vst v63  }
0x75: {  	_ =	swait.ge [sflag:s30], $0x7D0  }
0x76: {  	[sflag:s30] =	ssyncset.done $0x0  }
0x77: {  	[sflag:s30] =	ssyncadd.s32 $0xFFFFF830  }
0x78: {  	[bflag:$0x0] =	sbarrier.arrive $0xFFFF;
	s6 =	simm.s32 $0x5000  }
0x79: {  	[tilespmem:s6], [sflag:$0x6] =	stream.linear.gather [spmem:s15], $0x2800, $0x38;
	[tilespmem:$0x1F300] =	vst v63  }
0x7a: {  	_ =	swait.ge [sflag:s30], $0x2800  }
0x7b: {  	[sflag:s30] =	ssyncset.done $0x0  }
0x7c: {  	[sflag:s30] =	ssyncadd.s32 $0xFFFFD800  }
0x7d: {  	[bflag:$0x0] =	sbarrier.arrive $0xFFFF  }
0x7e: {  	s8 =	simm.s32 $0x148C0;
	s25 =	rddreg [dreg:$0x14]  }
0x7f: {  	[spmem:s25] =	stream.linear.scatter [tilespmem:s8], [sflag:$0x6], $0x280, $0x38;
	[tilespmem:$0x1F300] =	vst v63  }
0x80: {  	_ =	swait.ge [sflag:s30], $0x280  }
0x81: {  	[sflag:s30] =	ssyncset.done $0x0  }
0x82: {  	s1 =	sadd.s32 $0x1, s1;
	s6 =	simm.s32 $0x0;
	[sflag:s30] =	ssyncadd.s32 $0xFFFFFD80  }
0x83: {  	v13 =	vmov s1;
	s8 =	simm.s32 $0x40;
	v14 =	vld [tilespmem:s6+$0x5000]  }
.LBB2_13:
0x84: {  	p1 =	sne.s32 s8, $0x9FC0;
	v15 =	vld [tilespmem:s6+$0x0];
	_ =	sdelay $0x3  }
.Ltmp5:
0x85: {  	(pc) =	sbr.rel @p1 .LBB2_13-.Ltmp5, $4  }
0x86: {  	vm0 =	vgt.s32 v14, $0x0;
	vm1 =	vgt.s32 v15, $0x2710  }
0x87: {  	vm0 =	vmand vm0, vm1  }
0x88: {  	s9 =	sshra.s32 s8, $0x2;
	v15 =	vsel vm0, v13, v15  }
0x89: {  	s8 =	sadd.s32 $0x40, s8;
	v14 =	vld [tilespmem:s9+$0x5000];
	[tilespmem:s6+$0x0] =	vst v15;
	s6 =	smov.u32 s9  }
0x8a: {  	v15 =	vld [tilespmem:s6+$0x0];
	_ =	sdelay $0x4  }
0x8b: {  	p1 =	sne.s32 s1, $0xA;
	vm0 =	vgt.s32 v14, $0x0;
	vm1 =	vgt.s32 v15, $0x2710  }
.Ltmp6:
0x8c: {  	vm0 =	vmand vm0, vm1;
	(pc) =	sbr.rel @p1 .LBB2_8-.Ltmp6, $3  }
0x8d: {  	v13 =	vsel vm0, v13, v15  }
0x8e: {  	[tilespmem:s6+$0x0] =	vst v13  }
0x8f: {  	[bflag:$0x0] =	sbarrier.arrive $0xFFFF;
	_ =	sdelay $0x1  }
0x90: {  	s1 =	simm.s32 $0x0  }
0x91: {  	v13 =	vld [tilespmem:s1+$0x0];
	_ =	sdelay $0x2  }
0x92: {  	s6 =	simm.s32 $0x40  }
.LBB2_16:
0x93: {  	p1 =	sne.s32 s6, $0x9FC0  }
.Ltmp7:
0x94: {  	s8 =	sshra.s32 s6, $0x2;
	s6 =	sadd.s32 $0x40, s6;
	vm0 =	vgt.s32 v13, $0x2710;
	(pc) =	sbr.rel @p1 .LBB2_16-.Ltmp7, $3  }
0x95: {  	v14 =	vsel vm0, $0x0, v13;
	v13 =	vld [tilespmem:s8+$0x0]  }
0x96: {  	v14 =	vcvt.s32.f32 v14;
	_ =	sdelay $0x1  }
0x97: {  	[tilespmem:s1+$0x2800] =	vst v14;
	s1 =	smov.u32 s8  }
0x98: {  	_ = 	snop  }
0x99: {  	vm0 =	vgt.s32 v13, $0x2710  }
0x9a: {  	v13 =	vsel vm0, $0x0, v13  }
0x9b: {  	v13 =	vcvt.s32.f32 v13  }
0x9c: {  	s6 =	rddreg [dreg:$0xc]  }
0x9d: {  	s8 =	rddreg [dreg:$0xd];
	[tilespmem:s1+$0x2800] =	vst v13;
	s1 =	simm.s32 @p0 $0x0  }
0x9e: {  	[hbm4b:s6+s1] =	stream.linear.scatter @p0 [tilespmem:s8], [sflag:$0x6], $0x3E8, $0x38;
	[tilespmem:$0x1F300] =	vst v63  }
0x9f: {  	s1 =	simm.s32 @p0 $0x6  }
0xa0: {  	_ =	swait.ge @p0 [sflag:s1], $0x3E8  }
0xa1: {  	[sflag:s1] =	ssyncset.done @p0 $0x0  }
0xa2: {  	s25 =	simm.s32 $0x14B40;
	s23 =	rddreg [dreg:$0x15];
	[sflag:s1] =	ssyncadd.s32 @p0 $0xFFFFFC18  }
0xa3: {  	[spmem:s23] =	stream.linear.scatter [tilespmem:s25], [sflag:$0x6], $0x280, $0x38;
	[tilespmem:$0x1F300] =	vst v63  }
0xa4: {  	_ =	swait.ge [sflag:s30], $0x280  }
0xa5: {  	[sflag:s30] =	ssyncset.done $0x0  }
0xa6: {  	s16 =	simm.s32 $0xE6F0;
	[sflag:s30] =	ssyncadd.s32 $0xFFFFFD80  }
0xa7: {  	s6 =	simm.s32 $0x0;
	s1 =	simm.s32 $0x0;
	[bflag:$0x0] =	sbarrier.arrive $0xFFFF  }
.LBB2_18:
0xa8: {  	s8 =	smul.u32 $0x7D0, s6;
	_ =	sdelay $0x1  }
0xa9: {  	s8 =	sadd.s32 s14, s8  }
0xaa: {  	s9 =	sshrl.u32 s8, $0x3  }
0xab: {  	s15 =	simm.s32 $0xDF20;
	s12 =	sadd.s32 s11, s9  }
0xac: {  	[tilespmem:s15], [sflag:$0x6] =	stream.linear.gather [hbm4b:s12+s1], $0x7D0, $0x38;
	[tilespmem:$0x1F300] =	vst v63  }
0xad: {  	_ =	swait.ge [sflag:s30], $0x7D0  }
0xae: {  	[sflag:s30] =	ssyncset.done $0x0  }
0xaf: {  	s9 =	sadd.s32 s10, s9;
	[sflag:s30] =	ssyncadd.s32 $0xFFFFF830  }
0xb0: {  	[tilespmem:s16], [sflag:$0x6] =	stream.linear.gather [hbm4b:s9+s1], $0x7D0, $0x38;
	[tilespmem:$0x1F300] =	vst v63  }
0xb1: {  	_ =	swait.ge [sflag:s30], $0x7D0  }
0xb2: {  	[sflag:s30] =	ssyncset.done $0x0  }
0xb3: {  	s9 =	simm.s32 $0x0;
	[sflag:s30] =	ssyncadd.s32 $0xFFFFF830  }
0xb4: {  	v13 =	vld [tilespmem:s9+$0xE6F0]  }
0xb5: {  	v14 =	vld [tilespmem:s9+$0xDF20];
	_ =	sdelay $0x6  }
0xb6: {  	v13 =	vld.idx.msk [tilespmem:v13+s24+$0x0], $0xffff  }
0xb7: {  	v14 =	vld.idx.msk [tilespmem:v14+s24+$0x0], $0xffff;
	_ =	sdelay $0x4  }
0xb8: {  	v13 =	vsub.f32 v14, v13;
	_ =	sdelay $0x1  }
0xb9: {  	v13 =	vadd.f32 $1.000000000e+00, v13;
	_ =	sdelay $0x1  }
0xba: {  	v13 =	vmul.f32 $-1.053605150e-01, v13;
	_ =	sdelay $0x1  }
0xbb: {  	v13 =	vmul.f32 $1.442695020e+00, v13;
	_ =	sdelay $0x1  }
0xbc: {  	(erf) = vpow2.f32 v13;
	_ =	sdelay $0x1  }
0xbd: {  	s15 =	simm.s32 $0x10  }
0xbe: {  	s12 =	simm.s32 $0x80;
	v13 =	vld [tilespmem:s15+$0xE6F0]  }
.LBB2_19:
0xbf: {  	p1 =	sne.s32 s12, $0x1F00;
	v14 =	vld [tilespmem:s15+$0xDF20];
	_ =	sdelay $0x4  }
0xc0: {  	v15 =	vpop (erf)  }
0xc1: {  	[tilespmem:s9+$0xFE70] =	vst v15;
	s9 =	smov.u32 s15  }
0xc2: {  	v13 =	vld.idx.msk [tilespmem:v13+s24+$0x0], $0xffff  }
0xc3: {  	v14 =	vld.idx.msk [tilespmem:v14+s24+$0x0], $0xffff;
	_ =	sdelay $0x5  }
0xc4: {  	v13 =	vsub.f32 v14, v13;
	_ =	sdelay $0x1  }
0xc5: {  	v13 =	vadd.f32 $1.000000000e+00, v13;
	_ =	sdelay $0x1  }
0xc6: {  	v13 =	vmul.f32 $-1.053605150e-01, v13;
	_ =	sdelay $0x1  }
0xc7: {  	v13 =	vmul.f32 $1.442695020e+00, v13  }
.Ltmp8:
0xc8: {  	(pc) =	sbr.rel @p1 .LBB2_19-.Ltmp8, $3  }
0xc9: {  	(erf) = vpow2.f32 v13;
	_ =	sdelay $0x1  }
0xca: {  	s15 =	sshra.s32 s12, $0x2  }
0xcb: {  	s12 =	sadd.s32 $0x40, s12;
	v13 =	vld [tilespmem:s15+$0xE6F0]  }
0xcc: {  	_ = 	snop  }
0xcd: {  	v14 =	vld [tilespmem:s15+$0xDF20];
	_ =	sdelay $0x4  }
0xce: {  	v15 =	vpop (erf)  }
0xcf: {  	[tilespmem:s9+$0xFE70] =	vst v15  }
0xd0: {  	v13 =	vld.idx.msk [tilespmem:v13+s24+$0x0], $0xffff  }
0xd1: {  	v14 =	vld.idx.msk [tilespmem:v14+s24+$0x0], $0xffff;
	_ =	sdelay $0x4  }
0xd2: {  	v13 =	vsub.f32 v14, v13;
	_ =	sdelay $0x1  }
0xd3: {  	v13 =	vadd.f32 $1.000000000e+00, v13;
	_ =	sdelay $0x1  }
0xd4: {  	v13 =	vmul.f32 $-1.053605150e-01, v13;
	_ =	sdelay $0x1  }
0xd5: {  	v13 =	vmul.f32 $1.442695020e+00, v13;
	_ =	sdelay $0x1  }
0xd6: {  	(erf) = vpow2.f32 v13;
	_ =	sdelay $0x8  }
0xd7: {  	s20 =	rddreg [dreg:$0x3];
	v13 =	vpop (erf)  }
0xd8: {  	s16 =	simm.s32 $0xE6F0;
	s12 =	simm.s32 $0x7D0;
	[tilespmem:s15+$0xFE70] =	vst v13;
	s15 =	simm.s32 $0xFE70  }
0xd9: {  	[spmem:s20] =	stream.indirect.scatter.add.f32 [tilespmem:s15], [sflag:$0x6], $0x1, s16, s12, $0xb8;
	[tilespmem:$0x1F300] =	vst v63  }
0xda: {  	_ =	swait.ge [sflag:s30], $0x7D0  }
0xdb: {  	s23 =	rddreg [dreg:$0xb];
	[sflag:s30] =	ssyncset.done $0x0  }
0xdc: {  	s6 =	sadd.s32 $0x1, s6;
	s8 =	sadd.s32 s23, s8;
	[sflag:s30] =	ssyncadd.s32 $0xFFFFF830  }
0xdd: {  	p1 =	sne.s32 s6, $0xA;
	s8 =	sshrl.u32 s8, $0x3;
	s25 =	rddreg [dreg:$0x1]  }
.Ltmp9:
0xde: {  	s8 =	sadd.s32 s25, s8;
	(pc) =	sbr.rel @p1 .LBB2_18-.Ltmp9, $4  }
0xdf: {  	[hbm4b:s8+s7] =	stream.linear.scatter [tilespmem:s15], [sflag:$0x6], $0x7D0, $0x38;
	[tilespmem:$0x1F300] =	vst v63  }
0xe0: {  	_ =	swait.ge [sflag:s30], $0x7D0  }
0xe1: {  	[sflag:s30] =	ssyncset.done $0x0  }
0xe2: {  	[sflag:s30] =	ssyncadd.s32 $0xFFFFF830  }
0xe3: {  	[bflag:$0x0] =	sbarrier.arrive $0xFFFF  }
0xe4: {  	s1 =	simm.s32 $0x10640;
	s8 =	rddreg [dreg:$0x15]  }
0xe5: {  	[tilespmem:s1], [sflag:$0x6] =	stream.linear.gather [spmem:s8], $0x280, $0x38;
	[tilespmem:$0x1F300] =	vst v63  }
0xe6: {  	_ =	swait.ge [sflag:s30], $0x280  }
0xe7: {  	[sflag:s30] =	ssyncset.done $0x0  }
0xe8: {  	s6 =	simm.s32 $0x40;
	s1 =	simm.s32 $0x0;
	[sflag:s30] =	ssyncadd.s32 $0xFFFFFD80  }
.LBB2_22:
0xe9: {  	p1 =	sne.s32 s6, $0x9C0;
	v13 =	vld [tilespmem:s1+$0x10640];
	_ =	sdelay $0x4  }
0xea: {  	(erf) = vrcp.f32 v13;
	_ =	sdelay $0x6  }
.Ltmp10:
0xeb: {  	(pc) =	sbr.rel @p1 .LBB2_22-.Ltmp10, $4  }
0xec: {  	_ = 	snop  }
0xed: {  	vm0 =	vgt.f32 v13, $0.0e+00;
	v13 =	vpop (erf)  }
0xee: {  	v13 =	vnsel vm0, $0x0, v13  }
0xef: {  	[tilespmem:s1+$0x10640] =	vst v13;
	s1 =	sshra.s32 s6, $0x2;
	s6 =	sadd.s32 $0x40, s6  }
0xf0: {  	v13 =	vld [tilespmem:s1+$0x10640];
	_ =	sdelay $0x4  }
0xf1: {  	(erf) = vrcp.f32 v13;
	_ =	sdelay $0x8  }
0xf2: {  	vm0 =	vgt.f32 v13, $0.0e+00;
	v13 =	vpop (erf)  }
0xf3: {  	v13 =	vnsel vm0, $0x0, v13  }
0xf4: {  	s23 =	simm.s32 $0x10640;
	[tilespmem:s1+$0x10640] =	vst v13  }
0xf5: {  	[spmem:s8] =	stream.linear.scatter [tilespmem:s23], [sflag:$0x6], $0x280, $0x38;
	[tilespmem:$0x1F300] =	vst v63  }
0xf6: {  	_ =	swait.ge [sflag:s30], $0x280  }
0xf7: {  	[sflag:s30] =	ssyncset.done $0x0  }
0xf8: {  	[sflag:s30] =	ssyncadd.s32 $0xFFFFFD80  }
0xf9: {  	[bflag:$0x0] =	sbarrier.arrive $0xFFFF  }
0xfa: {  	s25 =	rddreg [dreg:$0x3]  }
0xfb: {  	[tilespmem:s24], [sflag:$0x6] =	stream.linear.gather [spmem:s25], $0x2800, $0x38;
	[tilespmem:$0x1F300] =	vst v63  }
0xfc: {  	_ =	swait.ge [sflag:s30], $0x2800  }
0xfd: {  	[sflag:s30] =	ssyncset.done $0x0  }
0xfe: {  	s6 =	simm.s32 $0x0;
	s1 =	simm.s32 $0x0;
	[sflag:s30] =	ssyncadd.s32 $0xFFFFD800  }
.LBB2_24:
0xff: {  	s8 =	smul.u32 $0x7D0, s6;
	_ =	sdelay $0x1  }
0x100: {  	s8 =	sadd.s32 s14, s8  }
0x101: {  	s9 =	sshrl.u32 s8, $0x3  }
0x102: {  	s12 =	simm.s32 $0xE6F0;
	s9 =	sadd.s32 s10, s9  }
0x103: {  	[tilespmem:s12], [sflag:$0x6] =	stream.linear.gather [hbm4b:s9+s1], $0x7D0, $0x38;
	[tilespmem:$0x1F300] =	vst v63  }
0x104: {  	_ =	swait.ge [sflag:s30], $0x7D0  }
0x105: {  	s23 =	rddreg [dreg:$0xb];
	[sflag:s30] =	ssyncset.done $0x0  }
0x106: {  	s8 =	sadd.s32 s23, s8;
	[sflag:s30] =	ssyncadd.s32 $0xFFFFF830  }
0x107: {  	s8 =	sshrl.u32 s8, $0x3;
	s25 =	rddreg [dreg:$0x1]  }
0x108: {  	s8 =	sadd.s32 s25, s8  }
0x109: {  	[tilespmem:s15], [sflag:$0x6] =	stream.linear.gather [hbm4b:s8+s1], $0x7D0, $0x38;
	[tilespmem:$0x1F300] =	vst v63  }
0x10a: {  	_ =	swait.ge [sflag:s30], $0x7D0  }
0x10b: {  	[sflag:s30] =	ssyncset.done $0x0  }
0x10c: {  	s12 =	simm.s32 $0x0;
	[sflag:s30] =	ssyncadd.s32 $0xFFFFF830  }
0x10d: {  	v14 =	vld [tilespmem:s12+$0xE6F0];
	_ =	sdelay $0x5  }
0x10e: {  	s9 =	simm.s32 $0x10  }
0x10f: {  	v13 =	vld [tilespmem:s9+$0xE6F0]  }
0x110: {  	s15 =	simm.s32 $0x80;
	v14 =	vld.idx.msk [tilespmem:v14+s24+$0x0], $0xffff  }
.LBB2_25:
0x111: {  	p1 =	sne.s32 s15, $0x1F00;
	v15 =	vld [tilespmem:s12+$0xFE70];
	_ =	sdelay $0x2  }
0x112: {  	v16 =	vmov v13  }
.Ltmp11:
0x113: {  	(pc) =	sbr.rel @p1 .LBB2_25-.Ltmp11, $4  }
0x114: {  	v14 =	vmul.f32 v15, v14  }
0x115: {  	s16 =	sshra.s32 s15, $0x2  }
0x116: {  	v13 =	vld [tilespmem:s16+$0xE6F0];
	[tilespmem:s12+$0xFE70] =	vst v14;
	s12 =	smov.u32 s9;
	s9 =	smov.u32 s16  }
0x117: {  	s15 =	sadd.s32 $0x40, s15;
	v14 =	vld.idx.msk [tilespmem:v16+s24+$0x0], $0xffff  }
0x118: {  	v15 =	vld [tilespmem:s12+$0xFE70];
	_ =	sdelay $0x4  }
0x119: {  	v14 =	vmul.f32 v15, v14;
	_ =	sdelay $0x1  }
0x11a: {  	[tilespmem:s12+$0xFE70] =	vst v14  }
0x11b: {  	v13 =	vld.idx.msk [tilespmem:v13+s24+$0x0], $0xffff  }
0x11c: {  	v14 =	vld [tilespmem:s9+$0xFE70];
	_ =	sdelay $0x4  }
0x11d: {  	s6 =	sadd.s32 $0x1, s6;
	v13 =	vmul.f32 v14, v13  }
0x11e: {  	p1 =	sne.s32 s6, $0xA  }
.Ltmp12:
0x11f: {  	s25 =	simm.s32 $0x0;
	s15 =	simm.s32 $0xFE70;
	[tilespmem:s9+$0xFE70] =	vst v13;
	(pc) =	sbr.rel @p1 .LBB2_24-.Ltmp12, $4  }
0x120: {  	[hbm4b:s8+s25] =	stream.linear.scatter [tilespmem:s15], [sflag:$0x6], $0x7D0, $0x38;
	[tilespmem:$0x1F300] =	vst v63  }
0x121: {  	_ =	swait.ge [sflag:s30], $0x7D0  }
0x122: {  	[sflag:s30] =	ssyncset.done $0x0  }
0x123: {  	[sflag:s30] =	ssyncadd.s32 $0xFFFFF830  }
0x124: {  	s1 =	sadd.s32 $0x0, s5  }
0x125: {  	[tilespmem:s28], [sflag:$0x6] =	stream.linear.gather [hbm4b:s1+s7], $0x1000, $0x38;
	[tilespmem:$0x1F300] =	vst v63  }
0x126: {  	_ =	swait.ge [sflag:s30], $0x1000  }
0x127: {  	[sflag:s30] =	ssyncset.done $0x0;
	s16 =	rddreg [dreg:$0xe]  }
0x128: {  	[sflag:s30] =	ssyncadd.s32 $0xFFFFF000;
	s23 =	sadd.s32 $0x0, s16  }
0x129: {  	[hbm4b:s23+s7] =	stream.linear.scatter [tilespmem:s28], [sflag:$0x6], $0x1000, $0x38;
	[tilespmem:$0x1F300] =	vst v63  }
0x12a: {  	_ =	swait.ge [sflag:s30], $0x1000  }
0x12b: {  	[sflag:s30] =	ssyncset.done $0x0  }
0x12c: {  	s25 =	rddreg [dreg:$0x13];
	[sflag:s30] =	ssyncadd.s32 $0xFFFFF000  }
0x12d: {  	[spmem:s25] =	stream.linear.scatter [tilespmem:s29], [sflag:$0x6], $0x1000, $0x38;
	[tilespmem:$0x1F300] =	vst v63  }
0x12e: {  	s6 =	simm.s32 $0x200;
	_ =	swait.ge [sflag:s30], $0x1000  }
0x12f: {  	s8 =	simm.s32 $0x400;
	s1 =	sadd.s32 $0x1000, s25;
	[sflag:s30] =	ssyncset.done $0x0  }
.LBB2_28:
0x130: {  	s9 =	sadd.s32 s6, s5  }
0x131: {  	[sflag:s30] =	ssyncadd.s32 $0xFFFFF000;
	s12 =	smov.u32 s8;
	s15 =	sadd.s32 $0x200, s8  }
0x132: {  	[tilespmem:s28], [sflag:$0x6] =	stream.linear.gather [hbm4b:s9+s7], $0x1000, $0x38;
	[tilespmem:$0x1F300] =	vst v63  }
0x133: {  	p1 =	sne.s32 s8, $0x1200;
	_ =	swait.ge [sflag:s30], $0x1000  }
0x134: {  	[sflag:s30] =	ssyncset.done $0x0  }
0x135: {  	s8 =	sadd.s32 s6, s16;
	s6 =	smov.u32 s12;
	[sflag:s30] =	ssyncadd.s32 $0xFFFFF000  }
0x136: {  	[hbm4b:s8+s7] =	stream.linear.scatter [tilespmem:s28], [sflag:$0x6], $0x1000, $0x38;
	[tilespmem:$0x1F300] =	vst v63  }
0x137: {  	_ =	swait.ge [sflag:s30], $0x1000  }
.Ltmp13:
0x138: {  	[sflag:s30] =	ssyncset.done $0x0;
	(pc) =	sbr.rel @p1 .LBB2_28-.Ltmp13, $4  }
0x139: {  	[sflag:s30] =	ssyncadd.s32 $0xFFFFF000  }
0x13a: {  	[spmem:s1] =	stream.linear.scatter [tilespmem:s29], [sflag:$0x6], $0x1000, $0x38;
	[tilespmem:$0x1F300] =	vst v63  }
0x13b: {  	_ =	swait.ge [sflag:s30], $0x1000  }
0x13c: {  	s8 =	smov.u32 s15;
	s1 =	sadd.s32 $0x1000, s1;
	[sflag:s30] =	ssyncset.done $0x0  }
0x13d: {  	s8 =	sadd.s32 s6, s5;
	[sflag:s30] =	ssyncadd.s32 $0xFFFFF000  }
0x13e: {  	[tilespmem:s28], [sflag:$0x6] =	stream.linear.gather [hbm4b:s8+s7], $0x1000, $0x38;
	[tilespmem:$0x1F300] =	vst v63  }
0x13f: {  	_ =	swait.ge [sflag:s30], $0x1000  }
0x140: {  	[sflag:s30] =	ssyncset.done $0x0  }
0x141: {  	s25 =	sadd.s32 s6, s16;
	[sflag:s30] =	ssyncadd.s32 $0xFFFFF000  }
0x142: {  	[hbm4b:s25+s7] =	stream.linear.scatter [tilespmem:s28], [sflag:$0x6], $0x1000, $0x38;
	[tilespmem:$0x1F300] =	vst v63  }
0x143: {  	_ =	swait.ge [sflag:s30], $0x1000  }
0x144: {  	[sflag:s30] =	ssyncset.done $0x0  }
0x145: {  	[sflag:s30] =	ssyncadd.s32 $0xFFFFF000  }
0x146: {  	[spmem:s1] =	stream.linear.scatter [tilespmem:s29], [sflag:$0x6], $0x1000, $0x38;
	[tilespmem:$0x1F300] =	vst v63  }
0x147: {  	_ =	swait.ge [sflag:s30], $0x1000  }
0x148: {  	[sflag:s30] =	ssyncset.done $0x0  }
0x149: {  	[sflag:s30] =	ssyncadd.s32 $0xFFFFF000  }
0x14a: {  	s16 =	simm.s32 $0xE6F0;
	s1 =	simm.s32 $0x0;
	[bflag:$0x0] =	sbarrier.arrive $0xFFFF  }
.LBB2_30:
0x14b: {  	[dreg:$0x17] =	wrdreg s1  }
0x14c: {  	s19 =	rddreg [dreg:$0xf];
	s6 =	simm.s32 $0xDF20;
	s8 =	simm.s32 $0x0  }
0x14d: {  	[tilespmem:s6], [sflag:$0x6] =	stream.linear.gather [hbm4b:s19+s8], $0x7D0, $0x38;
	[tilespmem:$0x1F300] =	vst v63  }
0x14e: {  	_ =	swait.ge [sflag:s30], $0x7D0  }
0x14f: {  	[sflag:s30] =	ssyncset.done $0x0  }
0x150: {  	s20 =	rddreg [dreg:$0x10];
	[sflag:s30] =	ssyncadd.s32 $0xFFFFF830  }
0x151: {  	[tilespmem:s16], [sflag:$0x6] =	stream.linear.gather [hbm4b:s20+s8], $0x7D0, $0x38;
	[tilespmem:$0x1F300] =	vst v63  }
0x152: {  	_ =	swait.ge [sflag:s30], $0x7D0  }
0x153: {  	[sflag:s30] =	ssyncset.done $0x0  }
0x154: {  	s25 =	simm.s32 $0xEEC0;
	s23 =	rddreg [dreg:$0x11];
	[sflag:s30] =	ssyncadd.s32 $0xFFFFF830  }
0x155: {  	[tilespmem:s25], [sflag:$0x6] =	stream.linear.gather [hbm4b:s23+s8], $0x7D0, $0x38;
	[tilespmem:$0x1F300] =	vst v63  }
0x156: {  	_ =	swait.ge [sflag:s30], $0x7D0  }
0x157: {  	[sflag:s30] =	ssyncset.done $0x0  }
0x158: {  	s1 =	simm.s32 $0x0;
	s6 =	simm.s32 $0x40;
	[sflag:s30] =	ssyncadd.s32 $0xFFFFF830  }
.LBB2_31:
0x159: {  	p1 =	sne.s32 s6, $0x1F00;
	v13 =	vld [tilespmem:s1+$0xDF20];
	_ =	sdelay $0x1  }
.Ltmp14:
0x15a: {  	(pc) =	sbr.rel @p1 .LBB2_31-.Ltmp14, $3  }
0x15b: {  	_ =	sdelay $0x1  }
0x15c: {  	v13 =	vadd.s32 v0, v13  }
0x15d: {  	[tilespmem:s1+$0xDF20] =	vst v13;
	s1 =	sshra.s32 s6, $0x2;
	s6 =	sadd.s32 $0x40, s6  }
0x15e: {  	v13 =	vld [tilespmem:s1+$0xDF20];
	_ =	sdelay $0x4  }
0x15f: {  	v13 =	vadd.s32 v0, v13  }
0x160: {  	[tilespmem:s1+$0xDF20] =	vst v13  }
0x161: {  	v13 =	vld [tilespmem:$0xDF20]  }
0x162: {  	v14 =	vld [tilespmem:$0xE6F0]  }
0x163: {  	v15 =	vld [tilespmem:$0xDF30]  }
0x164: {  	v16 =	vld [tilespmem:$0xE700]  }
0x165: {  	v17 =	vld [tilespmem:$0xDF40]  }
0x166: {  	[tilespmem:$0xDC00] =	vst v13;
	v13 =	vld [tilespmem:$0xE710]  }
0x167: {  	v56 =	vld [tilespmem:$0xDF60];
	[tilespmem:$0xDD90] =	vst v14  }
0x168: {  	v14 =	vld [tilespmem:$0xDF50];
	[tilespmem:$0xDC10] =	vst v15  }
0x169: {  	v15 =	vld [tilespmem:$0xE720];
	[tilespmem:$0xDDA0] =	vst v16  }
0x16a: {  	v57 =	vld [tilespmem:$0xE730];
	[tilespmem:$0xDC20] =	vst v17  }
0x16b: {  	[tilespmem:$0xDDB0] =	vst v13;
	v13 =	vld [tilespmem:$0xDF70]  }
0x16c: {  	v58 =	vld [tilespmem:$0xE750];
	[tilespmem:$0xDC40] =	vst v56  }
0x16d: {  	[tilespmem:$0xDC30] =	vst v14;
	v14 =	vld [tilespmem:$0xE740]  }
0x16e: {  	[tilespmem:$0xDDC0] =	vst v15;
	v15 =	vld [tilespmem:$0xDF80]  }
0x16f: {  	v59 =	vld [tilespmem:$0xDF90];
	[tilespmem:$0xDDD0] =	vst v57  }
0x170: {  	[tilespmem:$0xDC50] =	vst v13;
	v13 =	vld [tilespmem:$0xE760]  }
0x171: {  	v60 =	vld [tilespmem:$0xDFB0];
	[tilespmem:$0xDDF0] =	vst v58  }
0x172: {  	[tilespmem:$0xDDE0] =	vst v14;
	v14 =	vld [tilespmem:$0xDFA0]  }
0x173: {  	[tilespmem:$0xDC60] =	vst v15;
	v15 =	vld [tilespmem:$0xE770]  }
0x174: {  	v61 =	vld [tilespmem:$0xE780];
	[tilespmem:$0xDC70] =	vst v59  }
0x175: {  	[tilespmem:$0xDE00] =	vst v13;
	v13 =	vld [tilespmem:$0xDFC0]  }
0x176: {  	v62 =	vld [tilespmem:$0xE7A0];
	[tilespmem:$0xDC90] =	vst v60  }
0x177: {  	[tilespmem:$0xDC80] =	vst v14;
	v14 =	vld [tilespmem:$0xE790]  }
0x178: {  	[tilespmem:$0xDE10] =	vst v15;
	v15 =	vld [tilespmem:$0xDFD0]  }
0x179: {  	v63 =	vld [tilespmem:$0xDFD8];
	[tilespmem:$0xDE20] =	vst v61  }
0x17a: {  	[tilespmem:$0xDCA0] =	vst v13;
	v13 =	vld [tilespmem:$0xE7A8]  }
0x17b: {  	[tilespmem:$0xDE40] =	vst v62  }
0x17c: {  	[tilespmem:$0xDE30] =	vst v14  }
.Ltmp15:
0x17d: {  	[tilespmem:$0xDCB0] =	vst v15;
	(pc) =	sbr.rel .LBB2_33-.Ltmp15, $4  }
0x17e: {  	[tilespmem:$0xDCB8] =	vst v63  }
0x17f: {  	s25 =	simm.s32 $0xDC00;
	s23 =	simm.s32 $0xEEC0;
	s16 =	simm.s32 $0xEF88;
	[tilespmem:$0xDE48] =	vst v13  }
0x180: {  	[tilespmem:s21], [sflag:$0x2] =	stream.indirect.gather [hbm4b:s13+s18], $0x40, s25, s18, $0xb8;
	[tilespmem:$0x1F300] =	vst v63  }
0x181: {  	s12 =	simm.s32 $0x0;
	s1 =	simm.s32 $0x0;
	s25 =	simm.s32 $0x0  }
.LBB2_41:
0x182: {  	v13 =	vld [tilespmem:s8+$0xDF20];
	_ =	sdelay $0x4  }
0x183: {  	v13 =	vadd.s32 v0, v13  }
0x184: {  	[tilespmem:s8+$0xDF20] =	vst v13  }
.LBB2_42:
0x185: {  	s6 =	smul.u32 $0xC8, s6;
	_ =	sdelay $0x1  }
0x186: {  	v13 =	vld [tilespmem:s6+$0xDF20];
	_ =	sdelay $0x4  }
0x187: {  	[tilespmem:$0xDC00] =	vst v13  }
0x188: {  	v13 =	vld [tilespmem:s6+$0xE6F0];
	_ =	sdelay $0x4  }
0x189: {  	[tilespmem:$0xDD90] =	vst v13  }
0x18a: {  	v13 =	vld [tilespmem:s6+$0xDF30];
	_ =	sdelay $0x4  }
0x18b: {  	[tilespmem:$0xDC10] =	vst v13  }
0x18c: {  	v13 =	vld [tilespmem:s6+$0xE700];
	_ =	sdelay $0x4  }
0x18d: {  	[tilespmem:$0xDDA0] =	vst v13  }
0x18e: {  	v13 =	vld [tilespmem:s6+$0xDF40];
	_ =	sdelay $0x4  }
0x18f: {  	[tilespmem:$0xDC20] =	vst v13  }
0x190: {  	v13 =	vld [tilespmem:s6+$0xE710];
	_ =	sdelay $0x4  }
0x191: {  	[tilespmem:$0xDDB0] =	vst v13  }
0x192: {  	v13 =	vld [tilespmem:s6+$0xDF50];
	_ =	sdelay $0x4  }
0x193: {  	[tilespmem:$0xDC30] =	vst v13  }
0x194: {  	v13 =	vld [tilespmem:s6+$0xE720];
	_ =	sdelay $0x4  }
0x195: {  	[tilespmem:$0xDDC0] =	vst v13  }
0x196: {  	v13 =	vld [tilespmem:s6+$0xDF60];
	_ =	sdelay $0x4  }
0x197: {  	[tilespmem:$0xDC40] =	vst v13  }
0x198: {  	v13 =	vld [tilespmem:s6+$0xE730];
	_ =	sdelay $0x4  }
0x199: {  	[tilespmem:$0xDDD0] =	vst v13  }
0x19a: {  	v13 =	vld [tilespmem:s6+$0xDF70];
	_ =	sdelay $0x4  }
0x19b: {  	[tilespmem:$0xDC50] =	vst v13  }
0x19c: {  	v13 =	vld [tilespmem:s6+$0xE740];
	_ =	sdelay $0x4  }
0x19d: {  	[tilespmem:$0xDDE0] =	vst v13  }
0x19e: {  	v13 =	vld [tilespmem:s6+$0xDF80];
	_ =	sdelay $0x4  }
0x19f: {  	[tilespmem:$0xDC60] =	vst v13  }
0x1a0: {  	v13 =	vld [tilespmem:s6+$0xE750];
	_ =	sdelay $0x4  }
0x1a1: {  	[tilespmem:$0xDDF0] =	vst v13  }
0x1a2: {  	v13 =	vld [tilespmem:s6+$0xDF90];
	_ =	sdelay $0x4  }
0x1a3: {  	[tilespmem:$0xDC70] =	vst v13  }
0x1a4: {  	v13 =	vld [tilespmem:s6+$0xE760];
	_ =	sdelay $0x4  }
0x1a5: {  	[tilespmem:$0xDE00] =	vst v13  }
0x1a6: {  	v13 =	vld [tilespmem:s6+$0xDFA0];
	_ =	sdelay $0x4  }
0x1a7: {  	[tilespmem:$0xDC80] =	vst v13  }
0x1a8: {  	v13 =	vld [tilespmem:s6+$0xE770];
	_ =	sdelay $0x4  }
0x1a9: {  	[tilespmem:$0xDE10] =	vst v13  }
0x1aa: {  	v13 =	vld [tilespmem:s6+$0xDFB0];
	_ =	sdelay $0x4  }
0x1ab: {  	[tilespmem:$0xDC90] =	vst v13  }
0x1ac: {  	v13 =	vld [tilespmem:s6+$0xE780];
	_ =	sdelay $0x4  }
0x1ad: {  	[tilespmem:$0xDE20] =	vst v13  }
0x1ae: {  	v13 =	vld [tilespmem:s6+$0xDFC0];
	_ =	sdelay $0x4  }
0x1af: {  	[tilespmem:$0xDCA0] =	vst v13  }
0x1b0: {  	v13 =	vld [tilespmem:s6+$0xE790];
	_ =	sdelay $0x4  }
0x1b1: {  	[tilespmem:$0xDE30] =	vst v13  }
0x1b2: {  	v13 =	vld [tilespmem:s6+$0xDFD0];
	_ =	sdelay $0x4  }
0x1b3: {  	[tilespmem:$0xDCB0] =	vst v13  }
0x1b4: {  	v13 =	vld [tilespmem:s6+$0xE7A0];
	_ =	sdelay $0x4  }
0x1b5: {  	[tilespmem:$0xDE40] =	vst v13  }
0x1b6: {  	v13 =	vld [tilespmem:s6+$0xDFD8];
	_ =	sdelay $0x4  }
0x1b7: {  	[tilespmem:$0xDCB8] =	vst v13  }
0x1b8: {  	v13 =	vld [tilespmem:s6+$0xE7A8];
	_ =	sdelay $0x4  }
0x1b9: {  	s19 =	simm.s32 $0xDC00;
	s20 =	simm.s32 $0xDE58;
	s1 =	sadd.s32 $0x1, s1;
	[tilespmem:$0xDE48] =	vst v13  }
0x1ba: {  	[tilespmem:s21], [sflag:$0x2] =	stream.indirect.gather [hbm4b:s13+s18], $0x40, s19, s18, $0xb8;
	[tilespmem:$0x1F300] =	vst v63  }
0x1bb: {  	s23 =	sadd.s32 $0x190, s23;
	s12 =	sadd.s32 $0x2, s12;
	s16 =	sadd.s32 $0x190, s16  }
0x1bc: {  	[spmem:s4] =	stream.indirect.scatter.add.f32 [tilespmem:s26], [sflag:$0x5], $0x40, s20, s18, $0xb8;
	[tilespmem:$0x1F300] =	vst v63  }
.LBB2_33:
0x1bd: {  	v13 =	vmov s25;
	s6 =	smulhi.u32 $0xCCCCCCCD, s12  }
0x1be: {  	v13 =	vshll.u32 v13, $0x6  }
0x1bf: {  	v13 =	vor.u32 v11, v13;
	s6 =	sshrl.u32 s6, $0x3  }
0x1c0: {  	v14 =	vor.u32 v3, v13;
	s6 =	smul.u32 $0xFFFFE0C0, s6  }
0x1c1: {  	_ =	swait.ge [sflag:s22], $0x3200  }
0x1c2: {  	[sflag:s22] =	ssyncset.done $0x0;
	s8 =	sshra.s32 s6, $0x2  }
0x1c3: {  	[sflag:s22] =	ssyncadd.s32 $0xFFFFCE00;
	s9 =	sadd.s32 s8, s23  }
0x1c4: {  	v16 =	vld [tilespmem:s9+$0x0]  }
0x1c5: {  	v15 =	vld.idx.msk [tilespmem:v14+s21+$0x0], $0xffff;
	_ =	sdelay $0x2  }
0x1c6: {  	v17 =	vor.u32 v4, v13;
	_ =	sdelay $0x1  }
0x1c7: {  	v15 =	vmul.f32 v15, v16;
	_ =	sdelay $0x1  }
0x1c8: {  	[tilespmem:v14+s21+$0x0] =	vst.idx.msk $0xffff, v15  }
0x1c9: {  	v14 =	vld.idx.msk [tilespmem:v17+s21+$0x0], $0xffff;
	_ =	sdelay $0x2  }
0x1ca: {  	v15 =	vor.u32 v7, v13;
	_ =	sdelay $0x1  }
0x1cb: {  	v14 =	vmul.f32 v14, v16;
	_ =	sdelay $0x1  }
0x1cc: {  	[tilespmem:v17+s21+$0x0] =	vst.idx.msk $0xffff, v14  }
0x1cd: {  	v17 =	vld.idx.msk [tilespmem:v15+s21+$0x0], $0xffff;
	_ =	sdelay $0x2  }
0x1ce: {  	s20 =	smul.u32 $0x19A, s1;
	v14 =	vor.u32 v8, v13;
	_ =	sdelay $0x1  }
0x1cf: {  	s6 =	sshrl.u32 s20, $0xB;
	v13 =	vmul.f32 v17, v16  }
0x1d0: {  	s6 =	sand.u32 $0x1F, s6  }
0x1d1: {  	s19 =	simm.s32 $0x10;
	s15 =	smul.u32 $0xA, s6;
	[tilespmem:v15+s21+$0x0] =	vst.idx.msk $0xffff, v13  }
0x1d2: {  	s6 =	sshll.u32 s1, $0x1;
	v13 =	vmov s19;
	v17 =	vld.idx.msk [tilespmem:v14+s21+$0x0], $0xffff  }
0x1d3: {  	s15 =	ssub.s32 s6, s15;
	v13 =	vshll.u32 v13, $0x6  }
0x1d4: {  	s15 =	sand.u32 $0xFE, s15;
	v13 =	vor.u32 v11, v13  }
0x1d5: {  	s15 =	smul.u32 $0x320, s15;
	v15 =	vor.u32 v3, v13;
	_ =	sdelay $0x1  }
0x1d6: {  	s8 =	sadd.s32 s8, s16;
	s15 =	sshrl.u32 s15, $0x2;
	s19 =	simm.s32 $0x20;
	v16 =	vmul.f32 v17, v16  }
.LBB2_34:
0x1d7: {  	p1 =	sne.s32 s19, $0xB0  }
0x1d8: {  	s9 =	sadd.s32 $0x10, s9;
	s20 =	smov.u32 s19;
	s19 =	sadd.s32 $0x10, s19;
	[tilespmem:v14+s21+$0x0] =	vst.idx.msk $0xffff, v16  }
0x1d9: {  	v14 =	vld.idx.msk [tilespmem:v15+s21+$0x0], $0xffff  }
0x1da: {  	v16 =	vld [tilespmem:s9+$0x0];
	_ =	sdelay $0x2  }
0x1db: {  	v17 =	vor.u32 v4, v13;
	_ =	sdelay $0x1  }
0x1dc: {  	v14 =	vmul.f32 v14, v16;
	_ =	sdelay $0x1  }
0x1dd: {  	[tilespmem:v15+s21+$0x0] =	vst.idx.msk $0xffff, v14  }
0x1de: {  	v14 =	vld.idx.msk [tilespmem:v17+s21+$0x0], $0xffff;
	_ =	sdelay $0x3  }
0x1df: {  	v15 =	vor.u32 v7, v13;
	_ =	sdelay $0x1  }
0x1e0: {  	v14 =	vmul.f32 v14, v16;
	_ =	sdelay $0x1  }
0x1e1: {  	[tilespmem:v17+s21+$0x0] =	vst.idx.msk $0xffff, v14  }
0x1e2: {  	v17 =	vld.idx.msk [tilespmem:v15+s21+$0x0], $0xffff;
	_ =	sdelay $0x3  }
0x1e3: {  	v14 =	vor.u32 v8, v13;
	_ =	sdelay $0x1  }
0x1e4: {  	v13 =	vmul.f32 v17, v16;
	_ =	sdelay $0x1  }
0x1e5: {  	[tilespmem:v15+s21+$0x0] =	vst.idx.msk $0xffff, v13  }
0x1e6: {  	v17 =	vld.idx.msk [tilespmem:v14+s21+$0x0], $0xffff  }
0x1e7: {  	v13 =	vmov s20  }
.Ltmp16:
0x1e8: {  	v13 =	vshll.u32 v13, $0x6;
	(pc) =	sbr.rel @p1 .LBB2_34-.Ltmp16, $3  }
0x1e9: {  	v13 =	vor.u32 v11, v13  }
0x1ea: {  	v15 =	vor.u32 v3, v13;
	_ =	sdelay $0x1  }
0x1eb: {  	v16 =	vmul.f32 v17, v16  }
0x1ec: {  	_ =	sdelay $0x3  }
0x1ed: {  	[tilespmem:v14+s21+$0x0] =	vst.idx.msk $0xffff, v16  }
0x1ee: {  	s9 =	sadd.s32 $0x10, s9;
	v14 =	vld.idx.msk [tilespmem:v15+s21+$0x0], $0xffff  }
0x1ef: {  	v16 =	vld [tilespmem:s9+$0x0];
	_ =	sdelay $0x2  }
0x1f0: {  	v17 =	vor.u32 v4, v13;
	_ =	sdelay $0x1  }
0x1f1: {  	v14 =	vmul.f32 v14, v16;
	_ =	sdelay $0x1  }
0x1f2: {  	[tilespmem:v15+s21+$0x0] =	vst.idx.msk $0xffff, v14  }
0x1f3: {  	v14 =	vld.idx.msk [tilespmem:v17+s21+$0x0], $0xffff;
	_ =	sdelay $0x2  }
0x1f4: {  	v15 =	vor.u32 v7, v13;
	_ =	sdelay $0x1  }
0x1f5: {  	v14 =	vmul.f32 v14, v16;
	_ =	sdelay $0x1  }
0x1f6: {  	[tilespmem:v17+s21+$0x0] =	vst.idx.msk $0xffff, v14  }
0x1f7: {  	v14 =	vld.idx.msk [tilespmem:v15+s21+$0x0], $0xffff;
	_ =	sdelay $0x2  }
0x1f8: {  	v13 =	vor.u32 v8, v13;
	_ =	sdelay $0x1  }
0x1f9: {  	v14 =	vmul.f32 v14, v16;
	_ =	sdelay $0x1  }
0x1fa: {  	[tilespmem:v15+s21+$0x0] =	vst.idx.msk $0xffff, v14  }
0x1fb: {  	v14 =	vld.idx.msk [tilespmem:v13+s21+$0x0], $0xffff;
	_ =	sdelay $0x4  }
0x1fc: {  	v14 =	vmul.f32 v14, v16;
	_ =	sdelay $0x1  }
0x1fd: {  	[tilespmem:v13+s21+$0x0] =	vst.idx.msk $0xffff, v14  }
0x1fe: {  	v13 =	vld [tilespmem:s15+$0xEF80]  }
0x1ff: {  	v14 =	vld.idx.msk [tilespmem:v5+s21+$0x0], $0xff;
	_ =	sdelay $0x4  }
0x200: {  	v14 =	vmul.f32 v14, v13;
	_ =	sdelay $0x1  }
0x201: {  	[tilespmem:v5+s21+$0x0] =	vst.idx.msk $0xff, v14  }
0x202: {  	v14 =	vld.idx.msk [tilespmem:v6+s21+$0x0], $0xff;
	_ =	sdelay $0x4  }
0x203: {  	v14 =	vmul.f32 v14, v13;
	_ =	sdelay $0x1  }
0x204: {  	[tilespmem:v6+s21+$0x0] =	vst.idx.msk $0xff, v14  }
0x205: {  	v14 =	vld.idx.msk [tilespmem:v10+s21+$0x0], $0xff;
	_ =	sdelay $0x4  }
0x206: {  	v14 =	vmul.f32 v14, v13;
	_ =	sdelay $0x1  }
0x207: {  	[tilespmem:v10+s21+$0x0] =	vst.idx.msk $0xff, v14  }
0x208: {  	v14 =	vld.idx.msk [tilespmem:v12+s21+$0x0], $0xff;
	_ =	sdelay $0x1  }
0x209: {  	s9 =	sor.u32 $0x1, s6  }
0x20a: {  	s20 =	smulhi.u32 $0x66666667, s9;
	_ =	sdelay $0x1  }
0x20b: {  	s15 =	sshrl.u32 s20, $0x2;
	v13 =	vmul.f32 v14, v13  }
0x20c: {  	p1 =	seq.s32 s1, $0x0;
	s15 =	smul.u32 $0xA, s15  }
0x20d: {  	s19 =	simm.s32 @!p1 $0x5;
	[tilespmem:v12+s21+$0x0] =	vst.idx.msk $0xff, v13  }
0x20e: {  	s9 =	ssub.s32 s9, s15;
	_ =	swait.ge @!p1 [sflag:s19], $0x3200  }
0x20f: {  	s9 =	smul.u32 $0xC8, s9;
	[sflag:s19] =	ssyncset.done @!p1 $0x0  }
0x210: {  	[sflag:s19] =	ssyncadd.s32 @!p1 $0xFFFFCE00  }
0x211: {  	v13 =	vld [tilespmem:s9+$0xDF20];
	_ =	sdelay $0x4  }
0x212: {  	[tilespmem:$0xDCC8] =	vst v13  }
0x213: {  	v13 =	vld [tilespmem:s9+$0xE6F0];
	_ =	sdelay $0x4  }
0x214: {  	[tilespmem:$0xDE58] =	vst v13  }
0x215: {  	v13 =	vld [tilespmem:s9+$0xDF30];
	_ =	sdelay $0x4  }
0x216: {  	[tilespmem:$0xDCD8] =	vst v13  }
0x217: {  	v13 =	vld [tilespmem:s9+$0xE700];
	_ =	sdelay $0x4  }
0x218: {  	[tilespmem:$0xDE68] =	vst v13  }
0x219: {  	v13 =	vld [tilespmem:s9+$0xDF40];
	_ =	sdelay $0x4  }
0x21a: {  	[tilespmem:$0xDCE8] =	vst v13  }
0x21b: {  	v13 =	vld [tilespmem:s9+$0xE710];
	_ =	sdelay $0x4  }
0x21c: {  	[tilespmem:$0xDE78] =	vst v13  }
0x21d: {  	v13 =	vld [tilespmem:s9+$0xDF50];
	_ =	sdelay $0x4  }
0x21e: {  	[tilespmem:$0xDCF8] =	vst v13  }
0x21f: {  	v13 =	vld [tilespmem:s9+$0xE720];
	_ =	sdelay $0x4  }
0x220: {  	[tilespmem:$0xDE88] =	vst v13  }
0x221: {  	v13 =	vld [tilespmem:s9+$0xDF60];
	_ =	sdelay $0x4  }
0x222: {  	[tilespmem:$0xDD08] =	vst v13  }
0x223: {  	v13 =	vld [tilespmem:s9+$0xE730];
	_ =	sdelay $0x4  }
0x224: {  	[tilespmem:$0xDE98] =	vst v13  }
0x225: {  	v13 =	vld [tilespmem:s9+$0xDF70];
	_ =	sdelay $0x4  }
0x226: {  	[tilespmem:$0xDD18] =	vst v13  }
0x227: {  	v13 =	vld [tilespmem:s9+$0xE740];
	_ =	sdelay $0x4  }
0x228: {  	[tilespmem:$0xDEA8] =	vst v13  }
0x229: {  	v13 =	vld [tilespmem:s9+$0xDF80];
	_ =	sdelay $0x4  }
0x22a: {  	[tilespmem:$0xDD28] =	vst v13  }
0x22b: {  	v13 =	vld [tilespmem:s9+$0xE750];
	_ =	sdelay $0x4  }
0x22c: {  	[tilespmem:$0xDEB8] =	vst v13  }
0x22d: {  	v13 =	vld [tilespmem:s9+$0xDF90];
	_ =	sdelay $0x4  }
0x22e: {  	[tilespmem:$0xDD38] =	vst v13  }
0x22f: {  	v13 =	vld [tilespmem:s9+$0xE760];
	_ =	sdelay $0x4  }
0x230: {  	[tilespmem:$0xDEC8] =	vst v13  }
0x231: {  	v13 =	vld [tilespmem:s9+$0xDFA0];
	_ =	sdelay $0x4  }
0x232: {  	[tilespmem:$0xDD48] =	vst v13  }
0x233: {  	v13 =	vld [tilespmem:s9+$0xE770];
	_ =	sdelay $0x4  }
0x234: {  	[tilespmem:$0xDED8] =	vst v13  }
0x235: {  	v13 =	vld [tilespmem:s9+$0xDFB0];
	_ =	sdelay $0x4  }
0x236: {  	[tilespmem:$0xDD58] =	vst v13  }
0x237: {  	v13 =	vld [tilespmem:s9+$0xE780];
	_ =	sdelay $0x4  }
0x238: {  	[tilespmem:$0xDEE8] =	vst v13  }
0x239: {  	v13 =	vld [tilespmem:s9+$0xDFC0];
	_ =	sdelay $0x4  }
0x23a: {  	[tilespmem:$0xDD68] =	vst v13  }
0x23b: {  	v13 =	vld [tilespmem:s9+$0xE790];
	_ =	sdelay $0x4  }
0x23c: {  	[tilespmem:$0xDEF8] =	vst v13  }
0x23d: {  	v13 =	vld [tilespmem:s9+$0xDFD0];
	_ =	sdelay $0x4  }
0x23e: {  	[tilespmem:$0xDD78] =	vst v13  }
0x23f: {  	v13 =	vld [tilespmem:s9+$0xE7A0];
	_ =	sdelay $0x4  }
0x240: {  	[tilespmem:$0xDF08] =	vst v13  }
0x241: {  	v13 =	vld [tilespmem:s9+$0xDFD8];
	_ =	sdelay $0x4  }
0x242: {  	[tilespmem:$0xDD80] =	vst v13  }
0x243: {  	v13 =	vld [tilespmem:s9+$0xE7A8];
	_ =	sdelay $0x2  }
0x244: {  	s19 =	simm.s32 $0x0  }
0x245: {  	v14 =	vmov s19  }
0x246: {  	s20 =	simm.s32 $0xDCC8;
	[tilespmem:$0xDF10] =	vst v13;
	v13 =	vshll.u32 v14, $0x6  }
0x247: {  	[tilespmem:s26], [sflag:$0x3] =	stream.indirect.gather [hbm4b:s13+s18], $0x40, s20, s18, $0xb8;
	v13 =	vor.u32 v11, v13;
	[tilespmem:$0x1F300] =	vst v63  }
0x248: {  	s19 =	simm.s32 $0xDD90;
	v14 =	vor.u32 v3, v13  }
0x249: {  	[spmem:s4] =	stream.indirect.scatter.add.f32 [tilespmem:s21], [sflag:$0x4], $0x40, s19, s18, $0xb8;
	[tilespmem:$0x1F300] =	vst v63  }
0x24a: {  	_ =	swait.ge [sflag:s0], $0x3200  }
0x24b: {  	[sflag:s0] =	ssyncset.done $0x0  }
0x24c: {  	[sflag:s0] =	ssyncadd.s32 $0xFFFFCE00  }
0x24d: {  	v15 =	vld.idx.msk [tilespmem:v14+s26+$0x0], $0xffff  }
0x24e: {  	v16 =	vld [tilespmem:s8+$0x0];
	_ =	sdelay $0x2  }
0x24f: {  	v17 =	vor.u32 v4, v13;
	_ =	sdelay $0x1  }
0x250: {  	v15 =	vmul.f32 v15, v16;
	_ =	sdelay $0x1  }
0x251: {  	[tilespmem:v14+s26+$0x0] =	vst.idx.msk $0xffff, v15  }
0x252: {  	v14 =	vld.idx.msk [tilespmem:v17+s26+$0x0], $0xffff;
	_ =	sdelay $0x2  }
0x253: {  	v15 =	vor.u32 v7, v13;
	_ =	sdelay $0x1  }
0x254: {  	v14 =	vmul.f32 v14, v16;
	_ =	sdelay $0x1  }
0x255: {  	[tilespmem:v17+s26+$0x0] =	vst.idx.msk $0xffff, v14  }
0x256: {  	v17 =	vld.idx.msk [tilespmem:v15+s26+$0x0], $0xffff;
	_ =	sdelay $0x2  }
0x257: {  	v14 =	vor.u32 v8, v13;
	_ =	sdelay $0x1  }
0x258: {  	v13 =	vmul.f32 v17, v16;
	_ =	sdelay $0x1  }
0x259: {  	s20 =	simm.s32 $0x10;
	[tilespmem:v15+s26+$0x0] =	vst.idx.msk $0xffff, v13  }
0x25a: {  	v13 =	vmov s20;
	v17 =	vld.idx.msk [tilespmem:v14+s26+$0x0], $0xffff  }
0x25b: {  	v13 =	vshll.u32 v13, $0x6  }
0x25c: {  	v13 =	vor.u32 v11, v13  }
0x25d: {  	v15 =	vor.u32 v3, v13;
	_ =	sdelay $0x1  }
0x25e: {  	s15 =	simm.s32 $0x20;
	v16 =	vmul.f32 v17, v16  }
.LBB2_36:
0x25f: {  	p1 =	sne.s32 s15, $0xB0  }
0x260: {  	s8 =	sadd.s32 $0x10, s8;
	s19 =	smov.u32 s15;
	s15 =	sadd.s32 $0x10, s15;
	[tilespmem:v14+s26+$0x0] =	vst.idx.msk $0xffff, v16  }
0x261: {  	v14 =	vld.idx.msk [tilespmem:v15+s26+$0x0], $0xffff  }
0x262: {  	v16 =	vld [tilespmem:s8+$0x0];
	_ =	sdelay $0x2  }
0x263: {  	v17 =	vor.u32 v4, v13;
	_ =	sdelay $0x1  }
0x264: {  	v14 =	vmul.f32 v14, v16;
	_ =	sdelay $0x1  }
0x265: {  	[tilespmem:v15+s26+$0x0] =	vst.idx.msk $0xffff, v14  }
0x266: {  	v14 =	vld.idx.msk [tilespmem:v17+s26+$0x0], $0xffff;
	_ =	sdelay $0x3  }
0x267: {  	v15 =	vor.u32 v7, v13;
	_ =	sdelay $0x1  }
0x268: {  	v14 =	vmul.f32 v14, v16;
	_ =	sdelay $0x1  }
0x269: {  	[tilespmem:v17+s26+$0x0] =	vst.idx.msk $0xffff, v14  }
0x26a: {  	v17 =	vld.idx.msk [tilespmem:v15+s26+$0x0], $0xffff;
	_ =	sdelay $0x3  }
0x26b: {  	v14 =	vor.u32 v8, v13;
	_ =	sdelay $0x1  }
0x26c: {  	v13 =	vmul.f32 v17, v16;
	_ =	sdelay $0x1  }
0x26d: {  	[tilespmem:v15+s26+$0x0] =	vst.idx.msk $0xffff, v13  }
0x26e: {  	v17 =	vld.idx.msk [tilespmem:v14+s26+$0x0], $0xffff  }
0x26f: {  	v13 =	vmov s19  }
.Ltmp17:
0x270: {  	v13 =	vshll.u32 v13, $0x6;
	(pc) =	sbr.rel @p1 .LBB2_36-.Ltmp17, $3  }
0x271: {  	v13 =	vor.u32 v11, v13  }
0x272: {  	v15 =	vor.u32 v3, v13;
	_ =	sdelay $0x1  }
0x273: {  	v16 =	vmul.f32 v17, v16  }
0x274: {  	_ =	sdelay $0x3  }
0x275: {  	[tilespmem:v14+s26+$0x0] =	vst.idx.msk $0xffff, v16  }
0x276: {  	s8 =	sadd.s32 $0x10, s8;
	v14 =	vld.idx.msk [tilespmem:v15+s26+$0x0], $0xffff  }
0x277: {  	v16 =	vld [tilespmem:s8+$0x0];
	_ =	sdelay $0x2  }
0x278: {  	v17 =	vor.u32 v4, v13;
	_ =	sdelay $0x1  }
0x279: {  	v14 =	vmul.f32 v14, v16;
	_ =	sdelay $0x1  }
0x27a: {  	[tilespmem:v15+s26+$0x0] =	vst.idx.msk $0xffff, v14  }
0x27b: {  	v14 =	vld.idx.msk [tilespmem:v17+s26+$0x0], $0xffff;
	_ =	sdelay $0x2  }
0x27c: {  	v15 =	vor.u32 v7, v13;
	_ =	sdelay $0x1  }
0x27d: {  	v14 =	vmul.f32 v14, v16;
	_ =	sdelay $0x1  }
0x27e: {  	[tilespmem:v17+s26+$0x0] =	vst.idx.msk $0xffff, v14  }
0x27f: {  	v14 =	vld.idx.msk [tilespmem:v15+s26+$0x0], $0xffff;
	_ =	sdelay $0x2  }
0x280: {  	v13 =	vor.u32 v8, v13;
	_ =	sdelay $0x1  }
0x281: {  	v14 =	vmul.f32 v14, v16;
	_ =	sdelay $0x1  }
0x282: {  	[tilespmem:v15+s26+$0x0] =	vst.idx.msk $0xffff, v14  }
0x283: {  	v14 =	vld.idx.msk [tilespmem:v13+s26+$0x0], $0xffff;
	_ =	sdelay $0x4  }
0x284: {  	v14 =	vmul.f32 v14, v16;
	_ =	sdelay $0x1  }
0x285: {  	[tilespmem:v13+s26+$0x0] =	vst.idx.msk $0xffff, v14  }
0x286: {  	v13 =	vld [tilespmem:s9+$0xEF80]  }
0x287: {  	v14 =	vld.idx.msk [tilespmem:v5+s26+$0x0], $0xff;
	_ =	sdelay $0x4  }
0x288: {  	v14 =	vmul.f32 v14, v13;
	_ =	sdelay $0x1  }
0x289: {  	[tilespmem:v5+s26+$0x0] =	vst.idx.msk $0xff, v14  }
0x28a: {  	v14 =	vld.idx.msk [tilespmem:v6+s26+$0x0], $0xff;
	_ =	sdelay $0x4  }
0x28b: {  	v14 =	vmul.f32 v14, v13;
	_ =	sdelay $0x1  }
0x28c: {  	[tilespmem:v6+s26+$0x0] =	vst.idx.msk $0xff, v14  }
0x28d: {  	v14 =	vld.idx.msk [tilespmem:v10+s26+$0x0], $0xff;
	_ =	sdelay $0x4  }
0x28e: {  	v14 =	vmul.f32 v14, v13;
	_ =	sdelay $0x1  }
0x28f: {  	[tilespmem:v10+s26+$0x0] =	vst.idx.msk $0xff, v14  }
0x290: {  	v14 =	vld.idx.msk [tilespmem:v12+s26+$0x0], $0xff;
	_ =	sdelay $0x4  }
0x291: {  	p1 =	seq.s32 s1, $0x31;
	v13 =	vmul.f32 v14, v13  }
.Ltmp18:
0x292: {  	_ = 	snop;
	(pc) =	sbr.rel @p1 .LBB2_43-.Ltmp18, $4  }
0x293: {  	[tilespmem:v12+s26+$0x0] =	vst.idx.msk $0xff, v13  }
0x294: {  	_ =	swait.ge [sflag:s3], $0x3200  }
0x295: {  	[sflag:s3] =	ssyncset.done $0x0  }
0x296: {  	[sflag:s3] =	ssyncadd.s32 $0xFFFFCE00  }
0x297: {  	s6 =	sadd.s32 $0x2, s6  }
0x298: {  	s8 =	smulhi.u32 $0x66666667, s6;
	_ =	sdelay $0x1  }
0x299: {  	s8 =	sshrl.u32 s8, $0x2  }
0x29a: {  	s9 =	smul.u32 $0xA, s8;
	_ =	sdelay $0x1  }
0x29b: {  	s6 =	ssub.s32 s6, s9  }
0x29c: {  	p1 =	sne.s32 s6, $0x0  }
.Ltmp19:
0x29d: {  	_ = 	snop;
	(pc) =	sbr.rel @p1 .LBB2_42-.Ltmp19, $1  }
0x29e: {  	_ =	sdelay $0x3  }
0x29f: {  	s8 =	smul.u32 $0x7D0, s8;
	_ =	sdelay $0x1  }
0x2a0: {  	s8 =	sadd.s32 s14, s8  }
0x2a1: {  	s9 =	sshrl.u32 s8, $0x3  }
0x2a2: {  	s19 =	simm.s32 $0x0;
	s20 =	simm.s32 $0xDF20;
	s15 =	sadd.s32 s11, s9  }
0x2a3: {  	[tilespmem:s20], [sflag:$0x6] =	stream.linear.gather [hbm4b:s15+s19], $0x7D0, $0x38;
	[tilespmem:$0x1F300] =	vst v63  }
0x2a4: {  	_ =	swait.ge [sflag:s30], $0x7D0  }
0x2a5: {  	[sflag:s30] =	ssyncset.done $0x0  }
0x2a6: {  	s9 =	sadd.s32 s10, s9;
	s20 =	simm.s32 $0xE6F0;
	[sflag:s30] =	ssyncadd.s32 $0xFFFFF830  }
0x2a7: {  	[tilespmem:s20], [sflag:$0x6] =	stream.linear.gather [hbm4b:s9+s19], $0x7D0, $0x38;
	[tilespmem:$0x1F300] =	vst v63  }
0x2a8: {  	_ =	swait.ge [sflag:s30], $0x7D0  }
0x2a9: {  	s20 =	rddreg [dreg:$0xb];
	[sflag:s30] =	ssyncset.done $0x0  }
0x2aa: {  	s8 =	sadd.s32 s20, s8;
	[sflag:s30] =	ssyncadd.s32 $0xFFFFF830  }
0x2ab: {  	s8 =	sshrl.u32 s8, $0x3;
	s15 =	rddreg [dreg:$0x1]  }
0x2ac: {  	s20 =	simm.s32 $0xEEC0;
	s8 =	sadd.s32 s15, s8  }
0x2ad: {  	[tilespmem:s20], [sflag:$0x6] =	stream.linear.gather [hbm4b:s8+s19], $0x7D0, $0x38;
	[tilespmem:$0x1F300] =	vst v63  }
0x2ae: {  	_ =	swait.ge [sflag:s30], $0x7D0  }
0x2af: {  	[sflag:s30] =	ssyncset.done $0x0  }
0x2b0: {  	s9 =	simm.s32 $0x40;
	s8 =	simm.s32 $0x0;
	[sflag:s30] =	ssyncadd.s32 $0xFFFFF830  }
.LBB2_40:
0x2b1: {  	p1 =	sne.s32 s9, $0x1F00;
	v13 =	vld [tilespmem:s8+$0xDF20];
	_ =	sdelay $0x1  }
.Ltmp20:
0x2b2: {  	(pc) =	sbr.rel @p1 .LBB2_40-.Ltmp20, $3  }
0x2b3: {  	_ =	sdelay $0x1  }
0x2b4: {  	v13 =	vadd.s32 v0, v13  }
0x2b5: {  	[tilespmem:s8+$0xDF20] =	vst v13;
	s8 =	sshra.s32 s9, $0x2;
	s9 =	sadd.s32 $0x40, s9  }
.Ltmp21:
0x2b6: {  	_ = 	snop;
	(pc) =	sbr.rel .LBB2_41-.Ltmp21, $1  }
0x2b7: {  	_ =	sdelay $0x3  }
.LBB2_43:
0x2b8: {  	s1 =	simm.s32 $0xDE58;
	s25 =	simm.s32 $0x5  }
0x2b9: {  	[spmem:s4] =	stream.indirect.scatter.add.f32 [tilespmem:s26], [sflag:$0x5], $0x40, s1, s18, $0xb8;
	[tilespmem:$0x1F300] =	vst v63  }
0x2ba: {  	_ =	swait.ge [sflag:s25], $0x3200  }
0x2bb: {  	[sflag:s25] =	ssyncset.done $0x0  }
0x2bc: {  	[sflag:s25] =	ssyncadd.s32 $0xFFFFCE00  }
0x2bd: {  	[bflag:$0x0] =	sbarrier.arrive $0xFFFF  }
0x2be: {  	s19 =	rddreg [dreg:$0x6]  }
0x2bf: {  	s20 =	rddreg [dreg:$0x7]  }
0x2c0: {  	s6 =	simm.s32 $0x0;
	s23 =	rddreg [dreg:$0x8]  }
0x2c1: {  	s16 =	simm.s32 $0xE6F0;
	s1 =	simm.s32 $0x0;
	s25 =	rddreg [dreg:$0xa]  }
.LBB2_44:
0x2c2: {  	s8 =	sshll.u32 s6, $0x6  }
0x2c3: {  	s9 =	sadd.s32 s25, s8  }
0x2c4: {  	s8 =	sadd.s32 s19, s9  }
0x2c5: {  	s8 =	sshll.u32 s8, $0x3  }
0x2c6: {  	s9 =	sshll.u32 s9, $0x6;
	s12 =	sadd.s32 s20, s8  }
0x2c7: {  	[tilespmem:s28], [sflag:$0x1] =	stream.linear.gather [hbm4b:s12+s1], $0x1000, $0x38;
	[tilespmem:$0x1F300] =	vst v63  }
0x2c8: {  	s9 =	sand.u32 $0x3FFFFFC0, s9;
	s15 =	sadd.s32 s23, s8  }
0x2c9: {  	[tilespmem:s2], [sflag:$0x1] =	stream.linear.gather [hbm4b:s15+s1], $0x1000, $0x38;
	[tilespmem:$0x1F300] =	vst v63  }
0x2ca: {  	s9 =	sadd.s32 s9, s4  }
0x2cb: {  	[tilespmem:s17], [sflag:$0x6] =	stream.linear.gather [spmem:s9], $0x1000, $0x38;
	[tilespmem:$0x1F300] =	vst v63  }
0x2cc: {  	_ =	swait.ge [sflag:s30], $0x1000  }
0x2cd: {  	[sflag:s30] =	ssyncset.done $0x0  }
0x2ce: {  	[sflag:s30] =	ssyncadd.s32 $0xFFFFF000  }
0x2cf: {  	_ =	swait.ge [sflag:s31], $0x1000  }
0x2d0: {  	[sflag:s31] =	ssyncset.done $0x0  }
0x2d1: {  	[sflag:s31] =	ssyncadd.s32 $0xFFFFF000  }
0x2d2: {  	_ =	swait.ge [sflag:s31], $0x1000  }
0x2d3: {  	s15 =	simm.s32 $0x0;
	[sflag:s31] =	ssyncset.done $0x0  }
0x2d4: {  	v13 =	vor.u32 s15, v3;
	[sflag:s31] =	ssyncadd.s32 $0xFFFFF000  }
0x2d5: {  	[spmem:s9] =	stream.linear.scatter [tilespmem:s29], [sflag:$0x6], $0x1000, $0x38;
	[tilespmem:$0x1F300] =	vst v63  }
0x2d6: {  	_ =	swait.ge [sflag:s30], $0x1000  }
0x2d7: {  	[sflag:s30] =	ssyncset.done $0x0  }
0x2d8: {  	[sflag:s30] =	ssyncadd.s32 $0xFFFFF000  }
0x2d9: {  	v14 =	vld.idx.msk [tilespmem:v13+s17+$0x0], $0xffff  }
0x2da: {  	v15 =	vld.idx.msk [tilespmem:v13+s2+$0x0], $0xffff;
	_ =	sdelay $0x1  }
0x2db: {  	v16 =	vld.idx.msk [tilespmem:v13+s28+$0x0], $0xffff;
	_ =	sdelay $0x2  }
0x2dc: {  	v14 =	vmul.f32 v15, v14;
	v15 =	vor.u32 s15, v4;
	_ =	sdelay $0x1  }
0x2dd: {  	v14 =	vadd.f32 v14, v16;
	_ =	sdelay $0x1  }
0x2de: {  	[tilespmem:v13+s17+$0x0] =	vst.idx.msk $0xffff, v14  }
0x2df: {  	v13 =	vld.idx.msk [tilespmem:v15+s17+$0x0], $0xffff  }
0x2e0: {  	v14 =	vld.idx.msk [tilespmem:v15+s2+$0x0], $0xffff;
	_ =	sdelay $0x1  }
0x2e1: {  	v16 =	vld.idx.msk [tilespmem:v15+s28+$0x0], $0xffff;
	_ =	sdelay $0x2  }
0x2e2: {  	v13 =	vmul.f32 v14, v13;
	v14 =	vor.u32 s15, v7;
	_ =	sdelay $0x1  }
0x2e3: {  	v13 =	vadd.f32 v13, v16;
	_ =	sdelay $0x1  }
0x2e4: {  	[tilespmem:v15+s17+$0x0] =	vst.idx.msk $0xffff, v13  }
0x2e5: {  	v13 =	vld.idx.msk [tilespmem:v14+s17+$0x0], $0xffff  }
0x2e6: {  	v15 =	vld.idx.msk [tilespmem:v14+s2+$0x0], $0xffff;
	_ =	sdelay $0x1  }
0x2e7: {  	v16 =	vld.idx.msk [tilespmem:v14+s28+$0x0], $0xffff;
	_ =	sdelay $0x2  }
0x2e8: {  	v15 =	vmul.f32 v15, v13;
	v13 =	vor.u32 s15, v8;
	_ =	sdelay $0x1  }
0x2e9: {  	v15 =	vadd.f32 v15, v16;
	_ =	sdelay $0x1  }
0x2ea: {  	[tilespmem:v14+s17+$0x0] =	vst.idx.msk $0xffff, v15  }
0x2eb: {  	v14 =	vld.idx.msk [tilespmem:v13+s17+$0x0], $0xffff  }
0x2ec: {  	v15 =	vld.idx.msk [tilespmem:v13+s2+$0x0], $0xffff;
	_ =	sdelay $0x1  }
0x2ed: {  	v16 =	vld.idx.msk [tilespmem:v13+s28+$0x0], $0xffff  }
0x2ee: {  	s12 =	simm.s32 $0x2;
	s9 =	simm.s32 $0x40  }
.LBB2_45:
0x2ef: {  	p1 =	sne.s32 s12, $0x3F;
	v17 =	vor.u32 s9, v3;
	s15 =	smov.u32 s12;
	s12 =	sadd.s32 $0x1, s12  }
0x2f0: {  	v14 =	vmul.f32 v15, v14;
	_ =	sdelay $0x1  }
0x2f1: {  	v14 =	vadd.f32 v14, v16;
	_ =	sdelay $0x1  }
0x2f2: {  	[tilespmem:v13+s17+$0x0] =	vst.idx.msk $0xffff, v14  }
0x2f3: {  	v13 =	vld.idx.msk [tilespmem:v17+s17+$0x0], $0xffff  }
0x2f4: {  	v14 =	vld.idx.msk [tilespmem:v17+s2+$0x0], $0xffff;
	_ =	sdelay $0x1  }
0x2f5: {  	v15 =	vld.idx.msk [tilespmem:v17+s28+$0x0], $0xffff;
	_ =	sdelay $0x3  }
0x2f6: {  	v13 =	vmul.f32 v14, v13;
	v14 =	vor.u32 s9, v4;
	_ =	sdelay $0x1  }
0x2f7: {  	v13 =	vadd.f32 v13, v15;
	_ =	sdelay $0x1  }
0x2f8: {  	[tilespmem:v17+s17+$0x0] =	vst.idx.msk $0xffff, v13  }
0x2f9: {  	v13 =	vld.idx.msk [tilespmem:v14+s17+$0x0], $0xffff  }
0x2fa: {  	v15 =	vld.idx.msk [tilespmem:v14+s2+$0x0], $0xffff;
	_ =	sdelay $0x1  }
0x2fb: {  	v16 =	vld.idx.msk [tilespmem:v14+s28+$0x0], $0xffff;
	_ =	sdelay $0x3  }
0x2fc: {  	v13 =	vmul.f32 v15, v13;
	v15 =	vor.u32 s9, v7;
	_ =	sdelay $0x1  }
0x2fd: {  	v13 =	vadd.f32 v13, v16;
	_ =	sdelay $0x1  }
0x2fe: {  	[tilespmem:v14+s17+$0x0] =	vst.idx.msk $0xffff, v13  }
0x2ff: {  	v13 =	vld.idx.msk [tilespmem:v15+s17+$0x0], $0xffff  }
0x300: {  	v14 =	vld.idx.msk [tilespmem:v15+s2+$0x0], $0xffff;
	_ =	sdelay $0x1  }
0x301: {  	v16 =	vld.idx.msk [tilespmem:v15+s28+$0x0], $0xffff;
	_ =	sdelay $0x3  }
0x302: {  	v14 =	vmul.f32 v14, v13;
	v13 =	vor.u32 s9, v8;
	_ =	sdelay $0x1  }
0x303: {  	v14 =	vadd.f32 v14, v16;
	_ =	sdelay $0x1  }
0x304: {  	[tilespmem:v15+s17+$0x0] =	vst.idx.msk $0xffff, v14  }
0x305: {  	v14 =	vld.idx.msk [tilespmem:v13+s17+$0x0], $0xffff  }
.Ltmp22:
0x306: {  	v15 =	vld.idx.msk [tilespmem:v13+s2+$0x0], $0xffff;
	(pc) =	sbr.rel @p1 .LBB2_45-.Ltmp22, $2  }
0x307: {  	v16 =	vld.idx.msk [tilespmem:v13+s28+$0x0], $0xffff;
	_ =	sdelay $0x2  }
0x308: {  	s9 =	sshll.u32 s15, $0x6  }
0x309: {  	v17 =	vor.u32 s9, v3;
	v14 =	vmul.f32 v15, v14;
	_ =	sdelay $0x1  }
0x30a: {  	v14 =	vadd.f32 v14, v16;
	_ =	sdelay $0x1  }
0x30b: {  	[tilespmem:v13+s17+$0x0] =	vst.idx.msk $0xffff, v14  }
0x30c: {  	v13 =	vld.idx.msk [tilespmem:v17+s17+$0x0], $0xffff  }
0x30d: {  	v14 =	vld.idx.msk [tilespmem:v17+s2+$0x0], $0xffff;
	_ =	sdelay $0x1  }
0x30e: {  	v15 =	vld.idx.msk [tilespmem:v17+s28+$0x0], $0xffff;
	_ =	sdelay $0x2  }
0x30f: {  	v13 =	vmul.f32 v14, v13;
	v14 =	vor.u32 s9, v4;
	_ =	sdelay $0x1  }
0x310: {  	v13 =	vadd.f32 v13, v15;
	_ =	sdelay $0x1  }
0x311: {  	[tilespmem:v17+s17+$0x0] =	vst.idx.msk $0xffff, v13  }
0x312: {  	v13 =	vld.idx.msk [tilespmem:v14+s17+$0x0], $0xffff  }
0x313: {  	v15 =	vld.idx.msk [tilespmem:v14+s2+$0x0], $0xffff;
	_ =	sdelay $0x1  }
0x314: {  	v61 =	vld.idx.msk [tilespmem:v14+s28+$0x0], $0xffff;
	_ =	sdelay $0x2  }
0x315: {  	v13 =	vmul.f32 v15, v13;
	v15 =	vor.u32 s9, v7;
	_ =	sdelay $0x1  }
0x316: {  	v13 =	vadd.f32 v13, v61;
	_ =	sdelay $0x1  }
0x317: {  	[tilespmem:v14+s17+$0x0] =	vst.idx.msk $0xffff, v13  }
0x318: {  	v13 =	vld.idx.msk [tilespmem:v15+s17+$0x0], $0xffff  }
0x319: {  	v14 =	vld.idx.msk [tilespmem:v15+s2+$0x0], $0xffff;
	_ =	sdelay $0x1  }
0x31a: {  	v62 =	vld.idx.msk [tilespmem:v15+s28+$0x0], $0xffff;
	_ =	sdelay $0x2  }
0x31b: {  	v13 =	vmul.f32 v14, v13;
	v14 =	vor.u32 s9, v8;
	_ =	sdelay $0x1  }
0x31c: {  	v13 =	vadd.f32 v13, v62;
	_ =	sdelay $0x1  }
0x31d: {  	[tilespmem:v15+s17+$0x0] =	vst.idx.msk $0xffff, v13  }
0x31e: {  	v13 =	vld.idx.msk [tilespmem:v14+s17+$0x0], $0xffff  }
0x31f: {  	v15 =	vld.idx.msk [tilespmem:v14+s2+$0x0], $0xffff;
	_ =	sdelay $0x1  }
0x320: {  	v63 =	vld.idx.msk [tilespmem:v14+s28+$0x0], $0xffff;
	_ =	sdelay $0x2  }
0x321: {  	v13 =	vmul.f32 v15, v13;
	_ =	sdelay $0x1  }
0x322: {  	s6 =	sadd.s32 $0x1, s6;
	v13 =	vadd.f32 v13, v63  }
0x323: {  	p1 =	sne.s32 s6, $0xA  }
.Ltmp23:
0x324: {  	s8 =	sadd.s32 s13, s8;
	[tilespmem:v14+s17+$0x0] =	vst.idx.msk $0xffff, v13;
	(pc) =	sbr.rel @p1 .LBB2_44-.Ltmp23, $4  }
0x325: {  	[hbm4b:s8+s7] =	stream.linear.scatter [tilespmem:s17], [sflag:$0x6], $0x1000, $0x38;
	[tilespmem:$0x1F300] =	vst v63  }
0x326: {  	_ =	swait.ge [sflag:s30], $0x1000  }
0x327: {  	[sflag:s30] =	ssyncset.done $0x0  }
0x328: {  	[sflag:s30] =	ssyncadd.s32 $0xFFFFF000  }
0x329: {  	s1 =	rddreg [dreg:$0x17]  }
0x32a: {  	s1 =	sadd.s32 $0x1, s1  }
0x32b: {  	p1 =	sne.s32 s1, $0x14  }
.Ltmp24:
0x32c: {  	_ = 	snop;
	(pc) =	sbr.rel @p1 .LBB2_30-.Ltmp24, $2  }
0x32d: {  	_ =	sdelay $0x1  }
0x32e: {  	[bflag:$0x0] =	sbarrier.arrive $0xFFFF;
	_ =	sdelay $0x1  }
0x32f: {  	s6 =	rddreg [dreg:$0x16]  }
0x330: {  	s1 =	rddreg [dreg:$0x12];
	s6 =	sadd.s32 $0x1, s6  }
0x331: {  	p1 =	sne.s32 s6, s1  }
.Ltmp25:
0x332: {  	_ = 	snop;
	(pc) =	sbr.rel @p1 .LBB2_1-.Ltmp25, $2  }
0x333: {  	_ =	sdelay $0x2  }
0x334: {  	s15 =	rddreg [dreg:$0x2]  }
0x335: {  	_ =	sfence.sel $0x180000  }
0x336: {  	[bflag:$0x0] =	sbarrier.arrive $0xFFFF  }
0x337: {  	_ =	strace $0x90000047  }
0x338: {  	s0 =	stileid.u32;
	[bflag:$0x2] =	sbarrier.arrive $0xFFFF  }
0x339: {  	p0 =	sne.s32 s0, $0x0;
	s0 =	rddreg [dreg:$0x5]  }
0x33a: {  	s0 =	sadd.s32 @!p0 $0x100000, s0  }
0x33b: {  	[sflag:s0] =	ssyncadd.tile.s32 @!p0 $0x1;
	_ =	shalt  }
.Lfunc_end2:
_tile_overlayer_lowered:
.L_overlay_start_2:
0x33c: {  	(tag) =	ssettag $0x2  }
0x33d: {  	s0 =	rddreg [dreg:$0x0];
	s2 =	stileid.u32  }
0x33e: {  	s1 =	rddreg [dreg:$0x1];
	p0 =	sne.s32 s2, $0x0  }
0x33f: {  	s3 =	rddreg [dreg:$0x2];
	[bflag:$0x3] =	sbarrier.arrive $0xFFFF;
	s2 =	simm.s32 @!p0 $0x1C06  }
0x340: {  	[timem:s3], [sflag:s2] =	dma.local @!p0 [hbm:s0], s1  }
0x341: {  	s0 =	simm.s32 @!p0 $0x6  }
0x342: {  	_ =	swait.ge @!p0 [sflag:s0], s1  }
0x343: {  	s1 =	ssub.s32 @!p0 $0x0, s1;
	[sflag:s0] =	ssyncset.done @!p0 $0x0  }
0x344: {  	[sflag:s0] =	ssyncadd.s32 @!p0 s1  }
0x345: {  	[bflag:$0x3] =	sbarrier.arrive $0xFFFF  }
0x346: {  	_ =	shalt  }

</sc_bundles>
